<compile_context>
chip_gen: v7x
topology: tpu7x:2x2x1
jax: 0.10.2.dev20260603
libtpu: 0.0.44.dev20260713+nightly
codegen_flags: <defaults>
</compile_context>

<pallas_src>
import functools

import jax
import jax.numpy as jnp
from jax import lax
from jax.experimental import pallas as pl
from jax.experimental.pallas import tpu as pltpu
from jax.experimental.pallas import tpu_sc as plsc

N = 10000
E = 320000
D_IN = 128
D = 32

NC = 2
NS = 16
NW = NC * NS
EPW = E // NW

CH = 128
NCH = 79
SLAB = NCH * CH
K = 8
NG = NCH // K
TAIL = NCH - NG * K
STRIPE = 632
N_PAD = NS * STRIPE
DW = 8

_MESH = plsc.VectorSubcoreMesh(core_axis_name="c", subcore_axis_name="s")
_SC_PARAMS = pltpu.CompilerParams(
    use_tc_tiling_on_sc=False, needs_layout_passes=False)



@functools.partial(
    pl.kernel,
    out_type=[
        jax.ShapeDtypeStruct((NC, N_PAD), jnp.float32),
        jax.ShapeDtypeStruct((NW, NCH, CH), jnp.int32),
        jax.ShapeDtypeStruct((NW, NCH, CH), jnp.int32),
    ],
    mesh=_MESH,
    scratch_types=[
        pltpu.VMEM((SLAB,), jnp.int32),
        pltpu.VMEM((SLAB,), jnp.int32),
        pltpu.VMEM((NCH, CH), jnp.int32),
        pltpu.VMEM((NCH, CH), jnp.int32),
        pltpu.VMEM((CH, DW), jnp.float32),
        pltpu.VMEM((640, DW), jnp.float32),
        pltpu.VMEM((640,), jnp.float32),
        pltpu.VMEM_SHARED((N_PAD, DW), jnp.float32),
        pltpu.SemaphoreType.DMA,
    ],
    compiler_params=_SC_PARAMS,
)
def _deg_kernel(ei_hbm, ones_hbm, zeros_hbm, out_hbm, src_o, dst_o,
                flat_s, flat_d, id2_s, id2_d, ones_v, buf_v, red_v, acc_sh,
                sem):
    c = lax.axis_index("c")
    s = lax.axis_index("s")
    w = c * NS + s
    zeros16i = jnp.zeros((16,), jnp.int32)
    iota16 = lax.iota(jnp.int32, 16)

    pltpu.sync_copy(ones_hbm, ones_v)
    pltpu.sync_copy(zeros_hbm, buf_v)
    pltpu.sync_copy(ei_hbm.at[pl.ds(w * EPW, EPW)], flat_s.at[pl.ds(0, EPW)])
    pltpu.sync_copy(ei_hbm.at[pl.ds(E + w * EPW, EPW)],
                    flat_d.at[pl.ds(0, EPW)])
    for t in range((SLAB - EPW) // 16):
        flat_s[pl.ds(EPW + t * 16, 16)] = zeros16i
        flat_d[pl.ds(EPW + t * 16, 16)] = iota16 + (N + t * 16)

    def repack(j, _):
        for t in range(CH // 16):
            id2_s[j, pl.ds(t * 16, 16)] = flat_s[pl.ds(j * CH + t * 16, 16)]
            id2_d[j, pl.ds(t * 16, 16)] = flat_d[pl.ds(j * CH + t * 16, 16)]
        return 0

    lax.fori_loop(0, NCH, repack, 0)
    pltpu.sync_copy(id2_s, src_o.at[w])
    pltpu.sync_copy(id2_d, dst_o.at[w])
    pltpu.sync_copy(buf_v.at[pl.ds(0, STRIPE)],
                    acc_sh.at[pl.ds(s * STRIPE, STRIPE)])
    plsc.subcore_barrier()

    def group(grp, _):
        descs = [
            pltpu.async_copy(
                ones_v, acc_sh.at[id2_d.at[grp * K + b]], sem, add=True)
            for b in range(K)
        ]
        for d_ in descs:
            d_.wait()
        return 0

    lax.fori_loop(0, NG, group, 0)
    tails = [
        pltpu.async_copy(
            ones_v, acc_sh.at[id2_d.at[NG * K + b]], sem, add=True)
        for b in range(TAIL)
    ]
    for d_ in tails:
        d_.wait()
    plsc.subcore_barrier()
    pltpu.sync_copy(acc_sh.at[pl.ds(s * STRIPE, STRIPE)],
                    buf_v.at[pl.ds(0, STRIPE)])

    def rowsum(blk, _):
        rows = lax.iota(jnp.int32, 16) + blk * 16
        acc = jnp.zeros((16,), jnp.float32)
        for t in range(DW):
            cols = jnp.full((16,), t, jnp.int32)
            acc = acc + plsc.load_gather(buf_v, [rows, cols])
        red_v[pl.ds(blk * 16, 16)] = acc
        return 0

    lax.fori_loop(0, 640 // 16, rowsum, 0)
    pltpu.sync_copy(red_v.at[pl.ds(0, STRIPE)],
                    out_hbm.at[c, pl.ds(s * STRIPE, STRIPE)])



@functools.partial(
    pl.kernel,
    out_type=jax.ShapeDtypeStruct((NC, N_PAD, D), jnp.float32),
    mesh=_MESH,
    scratch_types=[
        pltpu.VMEM((NCH, CH), jnp.int32),
        pltpu.VMEM((NCH, CH), jnp.int32),
        pltpu.VMEM((K, CH, D), jnp.float32),
        pltpu.VMEM((STRIPE, D), jnp.float32),
        pltpu.VMEM_SHARED((N_PAD, D), jnp.float32),
        pltpu.VMEM_SHARED((N, D), jnp.float32),
        pltpu.SemaphoreType.DMA,
        pltpu.SemaphoreType.DMA,
    ],
    compiler_params=_SC_PARAMS,
)
def _scatter_kernel(g_hbm, src_hbm, dst_hbm, out_hbm,
                    idx_s, idx_d, rows_v, buf_v, acc_sh, g_sh, gsem, ssem):
    c = lax.axis_index("c")
    s = lax.axis_index("s")
    w = c * NS + s
    zeros16 = jnp.zeros((16,), jnp.float32)

    pltpu.sync_copy(src_hbm.at[w], idx_s)
    pltpu.sync_copy(dst_hbm.at[w], idx_d)

    gs = N // NS
    pltpu.sync_copy(g_hbm.at[pl.ds(s * gs, gs)], buf_v.at[pl.ds(0, gs)])
    pltpu.sync_copy(buf_v.at[pl.ds(0, gs)], g_sh.at[pl.ds(s * gs, gs)])

    def zero(j, _):
        buf_v[j, pl.ds(0, 16)] = zeros16
        buf_v[j, pl.ds(16, 16)] = zeros16
        return 0

    lax.fori_loop(0, STRIPE, zero, 0)
    pltpu.sync_copy(buf_v, acc_sh.at[pl.ds(s * STRIPE, STRIPE)])
    plsc.subcore_barrier()

    def do_chunks(base, nb):
        gets = [
            pltpu.async_copy(
                g_sh.at[idx_s.at[base + b]], rows_v.at[b], gsem)
            for b in range(nb)
        ]
        for d_ in gets:
            d_.wait()
        puts = [
            pltpu.async_copy(
                rows_v.at[b], acc_sh.at[idx_d.at[base + b]], ssem,
                add=True)
            for b in range(nb)
        ]
        for d_ in puts:
            d_.wait()

    def group(grp, _):
        do_chunks(grp * K, K)
        return 0

    lax.fori_loop(0, NG, group, 0)
    do_chunks(NG * K, TAIL)
    plsc.subcore_barrier()
    pltpu.sync_copy(acc_sh.at[pl.ds(s * STRIPE, STRIPE)], buf_v)
    pltpu.sync_copy(buf_v, out_hbm.at[c, pl.ds(s * STRIPE, STRIPE)])



def _dis_from(d_ref):
    cnt = d_ref[0, :N] + d_ref[1, :N]
    deg = cnt * (1.0 / DW) + 1.0
    return lax.rsqrt(deg)


def _h_body(x_ref, w1_ref, h_ref):
    h_ref[...] = jnp.dot(x_ref[...], w1_ref[...],
                         preferred_element_type=jnp.float32)


def _h_matmul(x, w1):
    return pl.pallas_call(
        _h_body,
        out_shape=jax.ShapeDtypeStruct((N, D), jnp.float32),
    )(x, w1)


def _g_body(h_ref, d_ref, g_ref):
    dis = _dis_from(d_ref)
    g_ref[...] = h_ref[...] * dis[:, None]


def _g_table(h, d_all):
    return pl.pallas_call(
        _g_body,
        out_shape=jax.ShapeDtypeStruct((N, D), jnp.float32),
    )(h, d_all)



def _out_body(s_ref, g_ref, d_ref, b1_ref, w2_ref, b2_ref, o_ref):
    dis = _dis_from(d_ref)
    agg = (s_ref[0, :N] + s_ref[1, :N] + g_ref[...]) * dis[:, None]
    a = jnp.maximum(agg + b1_ref[...], 0.0)
    o = jnp.dot(a, w2_ref[...], preferred_element_type=jnp.float32)
    o_ref[...] = jnp.maximum(o + b2_ref[...], 0.0)


def _final(s_all, g, d_all, b1, w2, b2):
    return pl.pallas_call(
        _out_body,
        out_shape=jax.ShapeDtypeStruct((N, D), jnp.float32),
    )(s_all, g, d_all, b1, w2, b2)



def kernel(x, edge_index, W_gcn, b_gcn, W_dense, b_dense):
    ei = edge_index.astype(jnp.int32).reshape(2 * E)
    ones_c = jnp.ones((CH, DW), jnp.float32)
    zeros_c = jnp.zeros((640, DW), jnp.float32)

    h = _h_matmul(x, W_gcn)
    d_all, src2d, dst2d = _deg_kernel(ei, ones_c, zeros_c)
    g = _g_table(h, d_all)
    s_all = _scatter_kernel(g, src2d, dst2d)
    return _final(s_all, g, d_all,
                  b_gcn.reshape(1, D), W_dense, b_dense.reshape(1, D))

# --- scband reference (transcript-rebuilt; emitter-appended) ---
"""Pipeline reference for scband-network-net-48430051229954 (READ-ONLY COPY).

The authoritative reference and input builder live on the scoring server;
editing this copy changes nothing except your own understanding.
"""

import jax, jax.numpy as jnp
import numpy as np

N_NODES = 10000
N_EDGES = 320000
D_IN = 128
D_NET = 32

def setup_inputs(seed: int = 0) -> dict:
    key = jax.random.key(seed)
    k_x, k_ei, k_w1, k_b1, k_w2, k_b2 = jax.random.split(key, 6)
    x = jax.random.normal(k_x, (N_NODES, D_IN), dtype=jnp.float32)
    edge_index = jax.random.randint(k_ei, (2, N_EDGES), 0, N_NODES, dtype=jnp.int64)
    # GCNConv params (glorot-style scale)
    W_gcn = jax.random.normal(k_w1, (D_IN, D_NET), dtype=jnp.float32) * (1.0 / np.sqrt(D_IN))
    b_gcn = jnp.zeros((D_NET,), dtype=jnp.float32)
    # Dense layer params
    W_dense = jax.random.normal(k_w2, (D_NET, D_NET), dtype=jnp.float32) * (1.0 / np.sqrt(D_NET))
    b_dense = jax.random.uniform(k_b2, (D_NET,), dtype=jnp.float32, minval=-1.0/np.sqrt(D_NET), maxval=1.0/np.sqrt(D_NET))
    return {"x": x, "edge_index": edge_index, "W_gcn": W_gcn, "b_gcn": b_gcn, "W_dense": W_dense, "b_dense": b_dense}

def reference(x, edge_index, W_gcn, b_gcn, W_dense, b_dense):
    N = x.shape[0]
    src = edge_index[0]
    dst = edge_index[1]
    # GCNConv: add self-loops, symmetric normalization (edge_weight=None -> ones)
    loop = jnp.arange(N, dtype=src.dtype)
    src_full = jnp.concatenate([src, loop])
    dst_full = jnp.concatenate([dst, loop])
    ew = jnp.ones((src_full.shape[0],), dtype=x.dtype)
    deg = jnp.zeros((N,), dtype=x.dtype).at[dst_full].add(ew)
    deg_inv_sqrt = jnp.where(deg > 0, deg ** -0.5, 0.0)
    norm = deg_inv_sqrt[src_full] * ew * deg_inv_sqrt[dst_full]
    # linear transform then propagate (gather -> scale -> scatter-add)
    h = x @ W_gcn
    msg = h[src_full] * norm[:, None]
    agg = jnp.zeros((N, h.shape[1]), dtype=x.dtype).at[dst_full].add(msg)
    out = agg + b_gcn
    out = jax.nn.relu(out)
    # dropout is identity in eval mode
    out = jax.nn.relu(out @ W_dense + b_dense)
    return out

if __name__ == "__main__":
    import jax
    _d = setup_inputs()
    print(jax.jit(kernel)(*tuple(_d.values())))

</pallas_src>

<mosaic_0001>
#map = affine_map<(d0, d1) -> (0)>
#map1 = affine_map<(d0, d1) -> (0, 0)>
#map2 = affine_map<(d0, d1) -> (0, 0, 0)>
module attributes {stable_mosaic.version = 14 : i64} {
  func.func @_deg_kernel(%arg0: i32, %arg1: i32, %arg2: memref<640000xi32, #tpu.memory_space<hbm>>, %arg3: memref<128x8xf32, #tpu.memory_space<hbm>>, %arg4: memref<640x8xf32, #tpu.memory_space<hbm>>, %arg5: memref<2x10112xf32, #tpu.memory_space<hbm>>, %arg6: memref<32x79x128xi32, #tpu.memory_space<hbm>>, %arg7: memref<32x79x128xi32, #tpu.memory_space<hbm>>, %arg8: memref<10112xi32, #tpu.memory_space<vmem>>, %arg9: memref<10112xi32, #tpu.memory_space<vmem>>, %arg10: memref<79x128xi32, #tpu.memory_space<vmem>>, %arg11: memref<79x128xi32, #tpu.memory_space<vmem>>, %arg12: memref<128x8xf32, #tpu.memory_space<vmem>>, %arg13: memref<640x8xf32, #tpu.memory_space<vmem>>, %arg14: memref<640xf32, #tpu.memory_space<vmem>>, %arg15: memref<10112x8xf32, #tpu.memory_space<vmem_shared>>, %arg16: memref<!tpu.dma_semaphore, #tpu.memory_space<semaphore_mem>>) attributes {dimension_semantics = [#tpu.dimension_semantics<core_parallel>, #tpu.dimension_semantics<subcore_parallel>], iteration_bounds = array<i64: 2, 16>, scalar_prefetch = 0 : i64, scratch_operands = 9 : i64, tpu.core_type = #tpu.core_type<sc_vector_subcore>, window_params = [{transform_indices = #map}, {transform_indices = #map1}, {transform_indices = #map1}, {transform_indices = #map1}, {transform_indices = #map2}, {transform_indices = #map2}]} {
    %mul3A = arith.constant 16 : i32
    %mul3A_0 = arith.muli %arg0, %mul3A : i32
    %add3A = arith.addi %mul3A_0, %arg1 : i32
    %broadcast_in_dim3A = arith.constant 0 : i32
    %broadcast_in_dim3A_1 = vector.broadcast %broadcast_in_dim3A : i32 to vector<16xi32>
    %iota3A = tpu.iota {dimensions = array<i32: 0>} : vector<16xi32>
    "tpu.region"() ({
      %run_scoped3A = tpu.sem_alloc : memref<!tpu.dma_semaphore, #tpu.memory_space<semaphore_mem>>
      tpu.enqueue_dma source(%arg3 : memref<128x8xf32, #tpu.memory_space<hbm>>) target(%arg12 : memref<128x8xf32, #tpu.memory_space<vmem>>) target_semaphore(%run_scoped3A : memref<!tpu.dma_semaphore, #tpu.memory_space<semaphore_mem>>)
      tpu.wait_dma2 semaphore(%run_scoped3A : memref<!tpu.dma_semaphore, #tpu.memory_space<semaphore_mem>>) src(%arg3 : memref<128x8xf32, #tpu.memory_space<hbm>>) dst(%arg12 : memref<128x8xf32, #tpu.memory_space<vmem>>)
      tpu.yield
    }) : () -> ()
    "tpu.region"() ({
      %run_scoped3A = tpu.sem_alloc : memref<!tpu.dma_semaphore, #tpu.memory_space<semaphore_mem>>
      tpu.enqueue_dma source(%arg4 : memref<640x8xf32, #tpu.memory_space<hbm>>) target(%arg13 : memref<640x8xf32, #tpu.memory_space<vmem>>) target_semaphore(%run_scoped3A : memref<!tpu.dma_semaphore, #tpu.memory_space<semaphore_mem>>)
      tpu.wait_dma2 semaphore(%run_scoped3A : memref<!tpu.dma_semaphore, #tpu.memory_space<semaphore_mem>>) src(%arg4 : memref<640x8xf32, #tpu.memory_space<hbm>>) dst(%arg13 : memref<640x8xf32, #tpu.memory_space<vmem>>)
      tpu.yield
    }) : () -> ()
    %mul3A_2 = arith.constant 10000 : i32
    %mul3A_3 = arith.muli %add3A, %mul3A_2 : i32
    "tpu.region"() ({
      %run_scoped3A = tpu.sem_alloc : memref<!tpu.dma_semaphore, #tpu.memory_space<semaphore_mem>>
      %dma_start3A_179 = arith.constant 0 : i32
      %dma_start3A_180 = tpu.memref_slice %arg8[%dma_start3A_179] : memref<10112xi32, #tpu.memory_space<vmem>> -> memref<10000xi32, #tpu.memory_space<vmem>>
      %dma_start3A_181 = tpu.memref_slice %arg2[%mul3A_3] : memref<640000xi32, #tpu.memory_space<hbm>> -> memref<10000xi32, #tpu.memory_space<hbm>>
      %dma_start3A_182 = arith.constant 0 : i32
      %dma_start3A_183 = tpu.memref_slice %arg8[%dma_start3A_182] : memref<10112xi32, #tpu.memory_space<vmem>> -> memref<10000xi32, #tpu.memory_space<vmem>>
      %dma_start3A_184 = tpu.memref_slice %arg2[%mul3A_3] : memref<640000xi32, #tpu.memory_space<hbm>> -> memref<10000xi32, #tpu.memory_space<hbm>>
      tpu.enqueue_dma source(%dma_start3A_184 : memref<10000xi32, #tpu.memory_space<hbm>>) target(%dma_start3A_183 : memref<10000xi32, #tpu.memory_space<vmem>>) target_semaphore(%run_scoped3A : memref<!tpu.dma_semaphore, #tpu.memory_space<semaphore_mem>>)
      %dma_wait3A_185 = arith.constant 0 : i32
      %dma_wait3A_186 = tpu.memref_slice %arg8[%dma_wait3A_185] : memref<10112xi32, #tpu.memory_space<vmem>> -> memref<10000xi32, #tpu.memory_space<vmem>>
      %dma_wait3A_187 = tpu.memref_slice %arg2[%mul3A_3] : memref<640000xi32, #tpu.memory_space<hbm>> -> memref<10000xi32, #tpu.memory_space<hbm>>
      %dma_wait3A_188 = arith.constant 0 : i32
      %dma_wait3A_189 = tpu.memref_slice %arg8[%dma_wait3A_188] : memref<10112xi32, #tpu.memory_space<vmem>> -> memref<10000xi32, #tpu.memory_space<vmem>>
      %dma_wait3A_190 = tpu.memref_slice %arg2[%mul3A_3] : memref<640000xi32, #tpu.memory_space<hbm>> -> memref<10000xi32, #tpu.memory_space<hbm>>
      tpu.wait_dma2 semaphore(%run_scoped3A : memref<!tpu.dma_semaphore, #tpu.memory_space<semaphore_mem>>) src(%dma_wait3A_190 : memref<10000xi32, #tpu.memory_space<hbm>>) dst(%dma_wait3A_189 : memref<10000xi32, #tpu.memory_space<vmem>>)
      tpu.yield
    }) : () -> ()
    %mul3A_4 = arith.constant 10000 : i32
    %mul3A_5 = arith.muli %add3A, %mul3A_4 : i32
    %add3A_6 = arith.constant 320000 : i32
    %add3A_7 = arith.addi %add3A_6, %mul3A_5 : i32
    "tpu.region"() ({
      %run_scoped3A = tpu.sem_alloc : memref<!tpu.dma_semaphore, #tpu.memory_space<semaphore_mem>>
      %dma_start3A_179 = arith.constant 0 : i32
      %dma_start3A_180 = tpu.memref_slice %arg9[%dma_start3A_179] : memref<10112xi32, #tpu.memory_space<vmem>> -> memref<10000xi32, #tpu.memory_space<vmem>>
      %dma_start3A_181 = tpu.memref_slice %arg2[%add3A_7] : memref<640000xi32, #tpu.memory_space<hbm>> -> memref<10000xi32, #tpu.memory_space<hbm>>
      %dma_start3A_182 = arith.constant 0 : i32
      %dma_start3A_183 = tpu.memref_slice %arg9[%dma_start3A_182] : memref<10112xi32, #tpu.memory_space<vmem>> -> memref<10000xi32, #tpu.memory_space<vmem>>
      %dma_start3A_184 = tpu.memref_slice %arg2[%add3A_7] : memref<640000xi32, #tpu.memory_space<hbm>> -> memref<10000xi32, #tpu.memory_space<hbm>>
      tpu.enqueue_dma source(%dma_start3A_184 : memref<10000xi32, #tpu.memory_space<hbm>>) target(%dma_start3A_183 : memref<10000xi32, #tpu.memory_space<vmem>>) target_semaphore(%run_scoped3A : memref<!tpu.dma_semaphore, #tpu.memory_space<semaphore_mem>>)
      %dma_wait3A_185 = arith.constant 0 : i32
      %dma_wait3A_186 = tpu.memref_slice %arg9[%dma_wait3A_185] : memref<10112xi32, #tpu.memory_space<vmem>> -> memref<10000xi32, #tpu.memory_space<vmem>>
      %dma_wait3A_187 = tpu.memref_slice %arg2[%add3A_7] : memref<640000xi32, #tpu.memory_space<hbm>> -> memref<10000xi32, #tpu.memory_space<hbm>>
      %dma_wait3A_188 = arith.constant 0 : i32
      %dma_wait3A_189 = tpu.memref_slice %arg9[%dma_wait3A_188] : memref<10112xi32, #tpu.memory_space<vmem>> -> memref<10000xi32, #tpu.memory_space<vmem>>
      %dma_wait3A_190 = tpu.memref_slice %arg2[%add3A_7] : memref<640000xi32, #tpu.memory_space<hbm>> -> memref<10000xi32, #tpu.memory_space<hbm>>
      tpu.wait_dma2 semaphore(%run_scoped3A : memref<!tpu.dma_semaphore, #tpu.memory_space<semaphore_mem>>) src(%dma_wait3A_190 : memref<10000xi32, #tpu.memory_space<hbm>>) dst(%dma_wait3A_189 : memref<10000xi32, #tpu.memory_space<vmem>>)
      tpu.yield
    }) : () -> ()
    %swap3A = arith.constant 10000 : index
    %swap3A_8 = tpu.vector_load %arg8[%swap3A] {strides = array<i32>} : memref<10112xi32, #tpu.memory_space<vmem>>, vector<16xi32>,
    tpu.vector_store %arg8[%swap3A], %broadcast_in_dim3A_1 {strides = array<i32>} : memref<10112xi32, #tpu.memory_space<vmem>>, vector<16xi32>,
    %add3A_9 = arith.constant 10000 : i32
    %add3A_10 = vector.broadcast %add3A_9 : i32 to vector<16xi32>
    %add3A_11 = arith.addi %iota3A, %add3A_10 : vector<16xi32>
    %swap3A_12 = arith.constant 10000 : index
    %swap3A_13 = tpu.vector_load %arg9[%swap3A_12] {strides = array<i32>} : memref<10112xi32, #tpu.memory_space<vmem>>, vector<16xi32>,
    tpu.vector_store %arg9[%swap3A_12], %add3A_11 {strides = array<i32>} : memref<10112xi32, #tpu.memory_space<vmem>>, vector<16xi32>,
    %swap3A_14 = arith.constant 10016 : index
    %swap3A_15 = tpu.vector_load %arg8[%swap3A_14] {strides = array<i32>} : memref<10112xi32, #tpu.memory_space<vmem>>, vector<16xi32>,
    tpu.vector_store %arg8[%swap3A_14], %broadcast_in_dim3A_1 {strides = array<i32>} : memref<10112xi32, #tpu.memory_space<vmem>>, vector<16xi32>,
    %add3A_16 = arith.constant 10016 : i32
    %add3A_17 = vector.broadcast %add3A_16 : i32 to vector<16xi32>
    %add3A_18 = arith.addi %iota3A, %add3A_17 : vector<16xi32>
    %swap3A_19 = arith.constant 10016 : index
    %swap3A_20 = tpu.vector_load %arg9[%swap3A_19] {strides = array<i32>} : memref<10112xi32, #tpu.memory_space<vmem>>, vector<16xi32>,
    tpu.vector_store %arg9[%swap3A_19], %add3A_18 {strides = array<i32>} : memref<10112xi32, #tpu.memory_space<vmem>>, vector<16xi32>,
    %swap3A_21 = arith.constant 10032 : index
    %swap3A_22 = tpu.vector_load %arg8[%swap3A_21] {strides = array<i32>} : memref<10112xi32, #tpu.memory_space<vmem>>, vector<16xi32>,
    tpu.vector_store %arg8[%swap3A_21], %broadcast_in_dim3A_1 {strides = array<i32>} : memref<10112xi32, #tpu.memory_space<vmem>>, vector<16xi32>,
    %add3A_23 = arith.constant 10032 : i32
    %add3A_24 = vector.broadcast %add3A_23 : i32 to vector<16xi32>
    %add3A_25 = arith.addi %iota3A, %add3A_24 : vector<16xi32>
    %swap3A_26 = arith.constant 10032 : index
    %swap3A_27 = tpu.vector_load %arg9[%swap3A_26] {strides = array<i32>} : memref<10112xi32, #tpu.memory_space<vmem>>, vector<16xi32>,
    tpu.vector_store %arg9[%swap3A_26], %add3A_25 {strides = array<i32>} : memref<10112xi32, #tpu.memory_space<vmem>>, vector<16xi32>,
    %swap3A_28 = arith.constant 10048 : index
    %swap3A_29 = tpu.vector_load %arg8[%swap3A_28] {strides = array<i32>} : memref<10112xi32, #tpu.memory_space<vmem>>, vector<16xi32>,
    tpu.vector_store %arg8[%swap3A_28], %broadcast_in_dim3A_1 {strides = array<i32>} : memref<10112xi32, #tpu.memory_space<vmem>>, vector<16xi32>,
    %add3A_30 = arith.constant 10048 : i32
    %add3A_31 = vector.broadcast %add3A_30 : i32 to vector<16xi32>
    %add3A_32 = arith.addi %iota3A, %add3A_31 : vector<16xi32>
    %swap3A_33 = arith.constant 10048 : index
    %swap3A_34 = tpu.vector_load %arg9[%swap3A_33] {strides = array<i32>} : memref<10112xi32, #tpu.memory_space<vmem>>, vector<16xi32>,
    tpu.vector_store %arg9[%swap3A_33], %add3A_32 {strides = array<i32>} : memref<10112xi32, #tpu.memory_space<vmem>>, vector<16xi32>,
    %swap3A_35 = arith.constant 10064 : index
    %swap3A_36 = tpu.vector_load %arg8[%swap3A_35] {strides = array<i32>} : memref<10112xi32, #tpu.memory_space<vmem>>, vector<16xi32>,
    tpu.vector_store %arg8[%swap3A_35], %broadcast_in_dim3A_1 {strides = array<i32>} : memref<10112xi32, #tpu.memory_space<vmem>>, vector<16xi32>,
    %add3A_37 = arith.constant 10064 : i32
    %add3A_38 = vector.broadcast %add3A_37 : i32 to vector<16xi32>
    %add3A_39 = arith.addi %iota3A, %add3A_38 : vector<16xi32>
    %swap3A_40 = arith.constant 10064 : index
    %swap3A_41 = tpu.vector_load %arg9[%swap3A_40] {strides = array<i32>} : memref<10112xi32, #tpu.memory_space<vmem>>, vector<16xi32>,
    tpu.vector_store %arg9[%swap3A_40], %add3A_39 {strides = array<i32>} : memref<10112xi32, #tpu.memory_space<vmem>>, vector<16xi32>,
    %swap3A_42 = arith.constant 10080 : index
    %swap3A_43 = tpu.vector_load %arg8[%swap3A_42] {strides = array<i32>} : memref<10112xi32, #tpu.memory_space<vmem>>, vector<16xi32>,
    tpu.vector_store %arg8[%swap3A_42], %broadcast_in_dim3A_1 {strides = array<i32>} : memref<10112xi32, #tpu.memory_space<vmem>>, vector<16xi32>,
    %add3A_44 = arith.constant 10080 : i32
    %add3A_45 = vector.broadcast %add3A_44 : i32 to vector<16xi32>
    %add3A_46 = arith.addi %iota3A, %add3A_45 : vector<16xi32>
    %swap3A_47 = arith.constant 10080 : index
    %swap3A_48 = tpu.vector_load %arg9[%swap3A_47] {strides = array<i32>} : memref<10112xi32, #tpu.memory_space<vmem>>, vector<16xi32>,
    tpu.vector_store %arg9[%swap3A_47], %add3A_46 {strides = array<i32>} : memref<10112xi32, #tpu.memory_space<vmem>>, vector<16xi32>,
    %swap3A_49 = arith.constant 10096 : index
    %swap3A_50 = tpu.vector_load %arg8[%swap3A_49] {strides = array<i32>} : memref<10112xi32, #tpu.memory_space<vmem>>, vector<16xi32>,
    tpu.vector_store %arg8[%swap3A_49], %broadcast_in_dim3A_1 {strides = array<i32>} : memref<10112xi32, #tpu.memory_space<vmem>>, vector<16xi32>,
    %add3A_51 = arith.constant 10096 : i32
    %add3A_52 = vector.broadcast %add3A_51 : i32 to vector<16xi32>
    %add3A_53 = arith.addi %iota3A, %add3A_52 : vector<16xi32>
    %swap3A_54 = arith.constant 10096 : index
    %swap3A_55 = tpu.vector_load %arg9[%swap3A_54] {strides = array<i32>} : memref<10112xi32, #tpu.memory_space<vmem>>, vector<16xi32>,
    tpu.vector_store %arg9[%swap3A_54], %add3A_53 {strides = array<i32>} : memref<10112xi32, #tpu.memory_space<vmem>>, vector<16xi32>,
    %scan3A = arith.constant 0 : i32
    %scan3A_56 = arith.constant 0 : i32
    %scan3A_57 = arith.constant 79 : i32
    %scan3A_58 = arith.addi %scan3A_56, %scan3A_57 : i32
    %scan3A_59 = arith.constant 1 : i32
    %scan3A_60 = scf.for %scan3A_179 = %scan3A_56 to %scan3A_58 step %scan3A_59 iter_args(%scan3A_180 = %scan3A) -> (i32)  : i32 {
      %mul3A_181 = arith.constant 128 : i32
      %mul3A_182 = arith.muli %scan3A_179, %mul3A_181 : i32
      %add3A_183 = arith.constant 0 : i32
      %add3A_184 = arith.addi %mul3A_182, %add3A_183 : i32
      %get3A = arith.index_cast %add3A_184 : i32 to index
      %get3A_185 = tpu.vector_load %arg8[%get3A] {strides = array<i32>} : memref<10112xi32, #tpu.memory_space<vmem>>, vector<16xi32>,
      %swap3A_186 = arith.index_cast %scan3A_179 : i32 to index
      %swap3A_187 = arith.constant 0 : index
      %swap3A_188 = tpu.vector_load %arg10[%swap3A_186, %swap3A_187] {strides = array<i32>} : memref<79x128xi32, #tpu.memory_space<vmem>>, vector<16xi32>,
      tpu.vector_store %arg10[%swap3A_186, %swap3A_187], %get3A_185 {strides = array<i32>} : memref<79x128xi32, #tpu.memory_space<vmem>>, vector<16xi32>,
      %mul3A_189 = arith.constant 128 : i32
      %mul3A_190 = arith.muli %scan3A_179, %mul3A_189 : i32
      %add3A_191 = arith.constant 0 : i32
      %add3A_192 = arith.addi %mul3A_190, %add3A_191 : i32
      %get3A_193 = arith.index_cast %add3A_192 : i32 to index
      %get3A_194 = tpu.vector_load %arg9[%get3A_193] {strides = array<i32>} : memref<10112xi32, #tpu.memory_space<vmem>>, vector<16xi32>,
      %swap3A_195 = arith.index_cast %scan3A_179 : i32 to index
      %swap3A_196 = arith.constant 0 : index
      %swap3A_197 = tpu.vector_load %arg11[%swap3A_195, %swap3A_196] {strides = array<i32>} : memref<79x128xi32, #tpu.memory_space<vmem>>, vector<16xi32>,
      tpu.vector_store %arg11[%swap3A_195, %swap3A_196], %get3A_194 {strides = array<i32>} : memref<79x128xi32, #tpu.memory_space<vmem>>, vector<16xi32>,
      %mul3A_198 = arith.constant 128 : i32
      %mul3A_199 = arith.muli %scan3A_179, %mul3A_198 : i32
      %add3A_200 = arith.constant 16 : i32
      %add3A_201 = arith.addi %mul3A_199, %add3A_200 : i32
      %get3A_202 = arith.index_cast %add3A_201 : i32 to index
      %get3A_203 = tpu.vector_load %arg8[%get3A_202] {strides = array<i32>} : memref<10112xi32, #tpu.memory_space<vmem>>, vector<16xi32>,
      %swap3A_204 = arith.index_cast %scan3A_179 : i32 to index
      %swap3A_205 = arith.constant 16 : index
      %swap3A_206 = tpu.vector_load %arg10[%swap3A_204, %swap3A_205] {strides = array<i32>} : memref<79x128xi32, #tpu.memory_space<vmem>>, vector<16xi32>,
      tpu.vector_store %arg10[%swap3A_204, %swap3A_205], %get3A_203 {strides = array<i32>} : memref<79x128xi32, #tpu.memory_space<vmem>>, vector<16xi32>,
      %mul3A_207 = arith.constant 128 : i32
      %mul3A_208 = arith.muli %scan3A_179, %mul3A_207 : i32
      %add3A_209 = arith.constant 16 : i32
      %add3A_210 = arith.addi %mul3A_208, %add3A_209 : i32
      %get3A_211 = arith.index_cast %add3A_210 : i32 to index
      %get3A_212 = tpu.vector_load %arg9[%get3A_211] {strides = array<i32>} : memref<10112xi32, #tpu.memory_space<vmem>>, vector<16xi32>,
      %swap3A_213 = arith.index_cast %scan3A_179 : i32 to index
      %swap3A_214 = arith.constant 16 : index
      %swap3A_215 = tpu.vector_load %arg11[%swap3A_213, %swap3A_214] {strides = array<i32>} : memref<79x128xi32, #tpu.memory_space<vmem>>, vector<16xi32>,
      tpu.vector_store %arg11[%swap3A_213, %swap3A_214], %get3A_212 {strides = array<i32>} : memref<79x128xi32, #tpu.memory_space<vmem>>, vector<16xi32>,
      %mul3A_216 = arith.constant 128 : i32
      %mul3A_217 = arith.muli %scan3A_179, %mul3A_216 : i32
      %add3A_218 = arith.constant 32 : i32
      %add3A_219 = arith.addi %mul3A_217, %add3A_218 : i32
      %get3A_220 = arith.index_cast %add3A_219 : i32 to index
      %get3A_221 = tpu.vector_load %arg8[%get3A_220] {strides = array<i32>} : memref<10112xi32, #tpu.memory_space<vmem>>, vector<16xi32>,
      %swap3A_222 = arith.index_cast %scan3A_179 : i32 to index
      %swap3A_223 = arith.constant 32 : index
      %swap3A_224 = tpu.vector_load %arg10[%swap3A_222, %swap3A_223] {strides = array<i32>} : memref<79x128xi32, #tpu.memory_space<vmem>>, vector<16xi32>,
      tpu.vector_store %arg10[%swap3A_222, %swap3A_223], %get3A_221 {strides = array<i32>} : memref<79x128xi32, #tpu.memory_space<vmem>>, vector<16xi32>,
      %mul3A_225 = arith.constant 128 : i32
      %mul3A_226 = arith.muli %scan3A_179, %mul3A_225 : i32
      %add3A_227 = arith.constant 32 : i32
      %add3A_228 = arith.addi %mul3A_226, %add3A_227 : i32
      %get3A_229 = arith.index_cast %add3A_228 : i32 to index
      %get3A_230 = tpu.vector_load %arg9[%get3A_229] {strides = array<i32>} : memref<10112xi32, #tpu.memory_space<vmem>>, vector<16xi32>,
      %swap3A_231 = arith.index_cast %scan3A_179 : i32 to index
      %swap3A_232 = arith.constant 32 : index
      %swap3A_233 = tpu.vector_load %arg11[%swap3A_231, %swap3A_232] {strides = array<i32>} : memref<79x128xi32, #tpu.memory_space<vmem>>, vector<16xi32>,
      tpu.vector_store %arg11[%swap3A_231, %swap3A_232], %get3A_230 {strides = array<i32>} : memref<79x128xi32, #tpu.memory_space<vmem>>, vector<16xi32>,
      %mul3A_234 = arith.constant 128 : i32
      %mul3A_235 = arith.muli %scan3A_179, %mul3A_234 : i32
      %add3A_236 = arith.constant 48 : i32
      %add3A_237 = arith.addi %mul3A_235, %add3A_236 : i32
      %get3A_238 = arith.index_cast %add3A_237 : i32 to index
      %get3A_239 = tpu.vector_load %arg8[%get3A_238] {strides = array<i32>} : memref<10112xi32, #tpu.memory_space<vmem>>, vector<16xi32>,
      %swap3A_240 = arith.index_cast %scan3A_179 : i32 to index
      %swap3A_241 = arith.constant 48 : index
      %swap3A_242 = tpu.vector_load %arg10[%swap3A_240, %swap3A_241] {strides = array<i32>} : memref<79x128xi32, #tpu.memory_space<vmem>>, vector<16xi32>,
      tpu.vector_store %arg10[%swap3A_240, %swap3A_241], %get3A_239 {strides = array<i32>} : memref<79x128xi32, #tpu.memory_space<vmem>>, vector<16xi32>,
      %mul3A_243 = arith.constant 128 : i32
      %mul3A_244 = arith.muli %scan3A_179, %mul3A_243 : i32
      %add3A_245 = arith.constant 48 : i32
      %add3A_246 = arith.addi %mul3A_244, %add3A_245 : i32
      %get3A_247 = arith.index_cast %add3A_246 : i32 to index
      %get3A_248 = tpu.vector_load %arg9[%get3A_247] {strides = array<i32>} : memref<10112xi32, #tpu.memory_space<vmem>>, vector<16xi32>,
      %swap3A_249 = arith.index_cast %scan3A_179 : i32 to index
      %swap3A_250 = arith.constant 48 : index
      %swap3A_251 = tpu.vector_load %arg11[%swap3A_249, %swap3A_250] {strides = array<i32>} : memref<79x128xi32, #tpu.memory_space<vmem>>, vector<16xi32>,
      tpu.vector_store %arg11[%swap3A_249, %swap3A_250], %get3A_248 {strides = array<i32>} : memref<79x128xi32, #tpu.memory_space<vmem>>, vector<16xi32>,
      %mul3A_252 = arith.constant 128 : i32
      %mul3A_253 = arith.muli %scan3A_179, %mul3A_252 : i32
      %add3A_254 = arith.constant 64 : i32
      %add3A_255 = arith.addi %mul3A_253, %add3A_254 : i32
      %get3A_256 = arith.index_cast %add3A_255 : i32 to index
      %get3A_257 = tpu.vector_load %arg8[%get3A_256] {strides = array<i32>} : memref<10112xi32, #tpu.memory_space<vmem>>, vector<16xi32>,
      %swap3A_258 = arith.index_cast %scan3A_179 : i32 to index
      %swap3A_259 = arith.constant 64 : index
      %swap3A_260 = tpu.vector_load %arg10[%swap3A_258, %swap3A_259] {strides = array<i32>} : memref<79x128xi32, #tpu.memory_space<vmem>>, vector<16xi32>,
      tpu.vector_store %arg10[%swap3A_258, %swap3A_259], %get3A_257 {strides = array<i32>} : memref<79x128xi32, #tpu.memory_space<vmem>>, vector<16xi32>,
      %mul3A_261 = arith.constant 128 : i32
      %mul3A_262 = arith.muli %scan3A_179, %mul3A_261 : i32
      %add3A_263 = arith.constant 64 : i32
      %add3A_264 = arith.addi %mul3A_262, %add3A_263 : i32
      %get3A_265 = arith.index_cast %add3A_264 : i32 to index
      %get3A_266 = tpu.vector_load %arg9[%get3A_265] {strides = array<i32>} : memref<10112xi32, #tpu.memory_space<vmem>>, vector<16xi32>,
      %swap3A_267 = arith.index_cast %scan3A_179 : i32 to index
      %swap3A_268 = arith.constant 64 : index
      %swap3A_269 = tpu.vector_load %arg11[%swap3A_267, %swap3A_268] {strides = array<i32>} : memref<79x128xi32, #tpu.memory_space<vmem>>, vector<16xi32>,
      tpu.vector_store %arg11[%swap3A_267, %swap3A_268], %get3A_266 {strides = array<i32>} : memref<79x128xi32, #tpu.memory_space<vmem>>, vector<16xi32>,
      %mul3A_270 = arith.constant 128 : i32
      %mul3A_271 = arith.muli %scan3A_179, %mul3A_270 : i32
      %add3A_272 = arith.constant 80 : i32
      %add3A_273 = arith.addi %mul3A_271, %add3A_272 : i32
      %get3A_274 = arith.index_cast %add3A_273 : i32 to index
      %get3A_275 = tpu.vector_load %arg8[%get3A_274] {strides = array<i32>} : memref<10112xi32, #tpu.memory_space<vmem>>, vector<16xi32>,
      %swap3A_276 = arith.index_cast %scan3A_179 : i32 to index
      %swap3A_277 = arith.constant 80 : index
      %swap3A_278 = tpu.vector_load %arg10[%swap3A_276, %swap3A_277] {strides = array<i32>} : memref<79x128xi32, #tpu.memory_space<vmem>>, vector<16xi32>,
      tpu.vector_store %arg10[%swap3A_276, %swap3A_277], %get3A_275 {strides = array<i32>} : memref<79x128xi32, #tpu.memory_space<vmem>>, vector<16xi32>,
      %mul3A_279 = arith.constant 128 : i32
      %mul3A_280 = arith.muli %scan3A_179, %mul3A_279 : i32
      %add3A_281 = arith.constant 80 : i32
      %add3A_282 = arith.addi %mul3A_280, %add3A_281 : i32
      %get3A_283 = arith.index_cast %add3A_282 : i32 to index
      %get3A_284 = tpu.vector_load %arg9[%get3A_283] {strides = array<i32>} : memref<10112xi32, #tpu.memory_space<vmem>>, vector<16xi32>,
      %swap3A_285 = arith.index_cast %scan3A_179 : i32 to index
      %swap3A_286 = arith.constant 80 : index
      %swap3A_287 = tpu.vector_load %arg11[%swap3A_285, %swap3A_286] {strides = array<i32>} : memref<79x128xi32, #tpu.memory_space<vmem>>, vector<16xi32>,
      tpu.vector_store %arg11[%swap3A_285, %swap3A_286], %get3A_284 {strides = array<i32>} : memref<79x128xi32, #tpu.memory_space<vmem>>, vector<16xi32>,
      %mul3A_288 = arith.constant 128 : i32
      %mul3A_289 = arith.muli %scan3A_179, %mul3A_288 : i32
      %add3A_290 = arith.constant 96 : i32
      %add3A_291 = arith.addi %mul3A_289, %add3A_290 : i32
      %get3A_292 = arith.index_cast %add3A_291 : i32 to index
      %get3A_293 = tpu.vector_load %arg8[%get3A_292] {strides = array<i32>} : memref<10112xi32, #tpu.memory_space<vmem>>, vector<16xi32>,
      %swap3A_294 = arith.index_cast %scan3A_179 : i32 to index
      %swap3A_295 = arith.constant 96 : index
      %swap3A_296 = tpu.vector_load %arg10[%swap3A_294, %swap3A_295] {strides = array<i32>} : memref<79x128xi32, #tpu.memory_space<vmem>>, vector<16xi32>,
      tpu.vector_store %arg10[%swap3A_294, %swap3A_295], %get3A_293 {strides = array<i32>} : memref<79x128xi32, #tpu.memory_space<vmem>>, vector<16xi32>,
      %mul3A_297 = arith.constant 128 : i32
      %mul3A_298 = arith.muli %scan3A_179, %mul3A_297 : i32
      %add3A_299 = arith.constant 96 : i32
      %add3A_300 = arith.addi %mul3A_298, %add3A_299 : i32
      %get3A_301 = arith.index_cast %add3A_300 : i32 to index
      %get3A_302 = tpu.vector_load %arg9[%get3A_301] {strides = array<i32>} : memref<10112xi32, #tpu.memory_space<vmem>>, vector<16xi32>,
      %swap3A_303 = arith.index_cast %scan3A_179 : i32 to index
      %swap3A_304 = arith.constant 96 : index
      %swap3A_305 = tpu.vector_load %arg11[%swap3A_303, %swap3A_304] {strides = array<i32>} : memref<79x128xi32, #tpu.memory_space<vmem>>, vector<16xi32>,
      tpu.vector_store %arg11[%swap3A_303, %swap3A_304], %get3A_302 {strides = array<i32>} : memref<79x128xi32, #tpu.memory_space<vmem>>, vector<16xi32>,
      %mul3A_306 = arith.constant 128 : i32
      %mul3A_307 = arith.muli %scan3A_179, %mul3A_306 : i32
      %add3A_308 = arith.constant 112 : i32
      %add3A_309 = arith.addi %mul3A_307, %add3A_308 : i32
      %get3A_310 = arith.index_cast %add3A_309 : i32 to index
      %get3A_311 = tpu.vector_load %arg8[%get3A_310] {strides = array<i32>} : memref<10112xi32, #tpu.memory_space<vmem>>, vector<16xi32>,
      %swap3A_312 = arith.index_cast %scan3A_179 : i32 to index
      %swap3A_313 = arith.constant 112 : index
      %swap3A_314 = tpu.vector_load %arg10[%swap3A_312, %swap3A_313] {strides = array<i32>} : memref<79x128xi32, #tpu.memory_space<vmem>>, vector<16xi32>,
      tpu.vector_store %arg10[%swap3A_312, %swap3A_313], %get3A_311 {strides = array<i32>} : memref<79x128xi32, #tpu.memory_space<vmem>>, vector<16xi32>,
      %mul3A_315 = arith.constant 128 : i32
      %mul3A_316 = arith.muli %scan3A_179, %mul3A_315 : i32
      %add3A_317 = arith.constant 112 : i32
      %add3A_318 = arith.addi %mul3A_316, %add3A_317 : i32
      %get3A_319 = arith.index_cast %add3A_318 : i32 to index
      %get3A_320 = tpu.vector_load %arg9[%get3A_319] {strides = array<i32>} : memref<10112xi32, #tpu.memory_space<vmem>>, vector<16xi32>,
      %swap3A_321 = arith.index_cast %scan3A_179 : i32 to index
      %swap3A_322 = arith.constant 112 : index
      %swap3A_323 = tpu.vector_load %arg11[%swap3A_321, %swap3A_322] {strides = array<i32>} : memref<79x128xi32, #tpu.memory_space<vmem>>, vector<16xi32>,
      tpu.vector_store %arg11[%swap3A_321, %swap3A_322], %get3A_320 {strides = array<i32>} : memref<79x128xi32, #tpu.memory_space<vmem>>, vector<16xi32>,
      %scan3A_324 = arith.constant 0 : i32
      scf.yield %scan3A_324 : i32
    }
    %scan3A_61 = arith.constant 79 : i32
    "tpu.region"() ({
      %run_scoped3A = tpu.sem_alloc : memref<!tpu.dma_semaphore, #tpu.memory_space<semaphore_mem>>
      %dma_start3A_179 = arith.constant 0 : i32
      %dma_start3A_180 = arith.constant 0 : i32
      %dma_start3A_181 = tpu.memref_slice %arg6[%add3A, %dma_start3A_179, %dma_start3A_180] : memref<32x79x128xi32, #tpu.memory_space<hbm>> -> memref<1x79x128xi32, #tpu.memory_space<hbm>>
      %dma_start3A_182 = tpu.memref_squeeze %dma_start3A_181 : memref<1x79x128xi32, #tpu.memory_space<hbm>> -> memref<79x128xi32, #tpu.memory_space<hbm>>
      %dma_start3A_183 = arith.constant 0 : i32
      %dma_start3A_184 = arith.constant 0 : i32
      %dma_start3A_185 = tpu.memref_slice %arg6[%add3A, %dma_start3A_183, %dma_start3A_184] : memref<32x79x128xi32, #tpu.memory_space<hbm>> -> memref<1x79x128xi32, #tpu.memory_space<hbm>>
      %dma_start3A_186 = tpu.memref_squeeze %dma_start3A_185 : memref<1x79x128xi32, #tpu.memory_space<hbm>> -> memref<79x128xi32, #tpu.memory_space<hbm>>
      tpu.enqueue_dma source(%arg10 : memref<79x128xi32, #tpu.memory_space<vmem>>) target(%dma_start3A_186 : memref<79x128xi32, #tpu.memory_space<hbm>>) target_semaphore(%run_scoped3A : memref<!tpu.dma_semaphore, #tpu.memory_space<semaphore_mem>>)
      %dma_wait3A_187 = arith.constant 0 : i32
      %dma_wait3A_188 = arith.constant 0 : i32
      %dma_wait3A_189 = tpu.memref_slice %arg6[%add3A, %dma_wait3A_187, %dma_wait3A_188] : memref<32x79x128xi32, #tpu.memory_space<hbm>> -> memref<1x79x128xi32, #tpu.memory_space<hbm>>
      %dma_wait3A_190 = tpu.memref_squeeze %dma_wait3A_189 : memref<1x79x128xi32, #tpu.memory_space<hbm>> -> memref<79x128xi32, #tpu.memory_space<hbm>>
      %dma_wait3A_191 = arith.constant 0 : i32
      %dma_wait3A_192 = arith.constant 0 : i32
      %dma_wait3A_193 = tpu.memref_slice %arg6[%add3A, %dma_wait3A_191, %dma_wait3A_192] : memref<32x79x128xi32, #tpu.memory_space<hbm>> -> memref<1x79x128xi32, #tpu.memory_space<hbm>>
      %dma_wait3A_194 = tpu.memref_squeeze %dma_wait3A_193 : memref<1x79x128xi32, #tpu.memory_space<hbm>> -> memref<79x128xi32, #tpu.memory_space<hbm>>
      tpu.wait_dma2 semaphore(%run_scoped3A : memref<!tpu.dma_semaphore, #tpu.memory_space<semaphore_mem>>) src(%arg10 : memref<79x128xi32, #tpu.memory_space<vmem>>) dst(%dma_wait3A_194 : memref<79x128xi32, #tpu.memory_space<hbm>>)
      tpu.yield
    }) : () -> ()
    "tpu.region"() ({
      %run_scoped3A = tpu.sem_alloc : memref<!tpu.dma_semaphore, #tpu.memory_space<semaphore_mem>>
      %dma_start3A_179 = arith.constant 0 : i32
      %dma_start3A_180 = arith.constant 0 : i32
      %dma_start3A_181 = tpu.memref_slice %arg7[%add3A, %dma_start3A_179, %dma_start3A_180] : memref<32x79x128xi32, #tpu.memory_space<hbm>> -> memref<1x79x128xi32, #tpu.memory_space<hbm>>
      %dma_start3A_182 = tpu.memref_squeeze %dma_start3A_181 : memref<1x79x128xi32, #tpu.memory_space<hbm>> -> memref<79x128xi32, #tpu.memory_space<hbm>>
      %dma_start3A_183 = arith.constant 0 : i32
      %dma_start3A_184 = arith.constant 0 : i32
      %dma_start3A_185 = tpu.memref_slice %arg7[%add3A, %dma_start3A_183, %dma_start3A_184] : memref<32x79x128xi32, #tpu.memory_space<hbm>> -> memref<1x79x128xi32, #tpu.memory_space<hbm>>
      %dma_start3A_186 = tpu.memref_squeeze %dma_start3A_185 : memref<1x79x128xi32, #tpu.memory_space<hbm>> -> memref<79x128xi32, #tpu.memory_space<hbm>>
      tpu.enqueue_dma source(%arg11 : memref<79x128xi32, #tpu.memory_space<vmem>>) target(%dma_start3A_186 : memref<79x128xi32, #tpu.memory_space<hbm>>) target_semaphore(%run_scoped3A : memref<!tpu.dma_semaphore, #tpu.memory_space<semaphore_mem>>)
      %dma_wait3A_187 = arith.constant 0 : i32
      %dma_wait3A_188 = arith.constant 0 : i32
      %dma_wait3A_189 = tpu.memref_slice %arg7[%add3A, %dma_wait3A_187, %dma_wait3A_188] : memref<32x79x128xi32, #tpu.memory_space<hbm>> -> memref<1x79x128xi32, #tpu.memory_space<hbm>>
      %dma_wait3A_190 = tpu.memref_squeeze %dma_wait3A_189 : memref<1x79x128xi32, #tpu.memory_space<hbm>> -> memref<79x128xi32, #tpu.memory_space<hbm>>
      %dma_wait3A_191 = arith.constant 0 : i32
      %dma_wait3A_192 = arith.constant 0 : i32
      %dma_wait3A_193 = tpu.memref_slice %arg7[%add3A, %dma_wait3A_191, %dma_wait3A_192] : memref<32x79x128xi32, #tpu.memory_space<hbm>> -> memref<1x79x128xi32, #tpu.memory_space<hbm>>
      %dma_wait3A_194 = tpu.memref_squeeze %dma_wait3A_193 : memref<1x79x128xi32, #tpu.memory_space<hbm>> -> memref<79x128xi32, #tpu.memory_space<hbm>>
      tpu.wait_dma2 semaphore(%run_scoped3A : memref<!tpu.dma_semaphore, #tpu.memory_space<semaphore_mem>>) src(%arg11 : memref<79x128xi32, #tpu.memory_space<vmem>>) dst(%dma_wait3A_194 : memref<79x128xi32, #tpu.memory_space<hbm>>)
      tpu.yield
    }) : () -> ()
    %mul3A_62 = arith.constant 632 : i32
    %mul3A_63 = arith.muli %arg1, %mul3A_62 : i32
    "tpu.region"() ({
      %run_scoped3A = tpu.sem_alloc : memref<!tpu.dma_semaphore, #tpu.memory_space<semaphore_mem>>
      %dma_start3A_179 = arith.constant 0 : i32
      %dma_start3A_180 = arith.constant 0 : i32
      %dma_start3A_181 = tpu.memref_slice %arg13[%dma_start3A_179, %dma_start3A_180] : memref<640x8xf32, #tpu.memory_space<vmem>> -> memref<632x8xf32, #tpu.memory_space<vmem>>
      %dma_start3A_182 = arith.constant 0 : i32
      %dma_start3A_183 = tpu.memref_slice %arg15[%mul3A_63, %dma_start3A_182] : memref<10112x8xf32, #tpu.memory_space<vmem_shared>> -> memref<632x8xf32, #tpu.memory_space<vmem_shared>>
      %dma_start3A_184 = arith.constant 0 : i32
      %dma_start3A_185 = tpu.memref_slice %arg15[%mul3A_63, %dma_start3A_184] : memref<10112x8xf32, #tpu.memory_space<vmem_shared>> -> memref<632x8xf32, #tpu.memory_space<vmem_shared>>
      %dma_start3A_186 = arith.constant 0 : i32
      %dma_start3A_187 = arith.constant 0 : i32
      %dma_start3A_188 = tpu.memref_slice %arg13[%dma_start3A_186, %dma_start3A_187] : memref<640x8xf32, #tpu.memory_space<vmem>> -> memref<632x8xf32, #tpu.memory_space<vmem>>
      tpu.enqueue_dma source(%dma_start3A_188 : memref<632x8xf32, #tpu.memory_space<vmem>>) target(%dma_start3A_185 : memref<632x8xf32, #tpu.memory_space<vmem_shared>>) target_semaphore(%run_scoped3A : memref<!tpu.dma_semaphore, #tpu.memory_space<semaphore_mem>>)
      %dma_wait3A_189 = arith.constant 0 : i32
      %dma_wait3A_190 = arith.constant 0 : i32
      %dma_wait3A_191 = tpu.memref_slice %arg13[%dma_wait3A_189, %dma_wait3A_190] : memref<640x8xf32, #tpu.memory_space<vmem>> -> memref<632x8xf32, #tpu.memory_space<vmem>>
      %dma_wait3A_192 = arith.constant 0 : i32
      %dma_wait3A_193 = tpu.memref_slice %arg15[%mul3A_63, %dma_wait3A_192] : memref<10112x8xf32, #tpu.memory_space<vmem_shared>> -> memref<632x8xf32, #tpu.memory_space<vmem_shared>>
      %dma_wait3A_194 = arith.constant 0 : i32
      %dma_wait3A_195 = tpu.memref_slice %arg15[%mul3A_63, %dma_wait3A_194] : memref<10112x8xf32, #tpu.memory_space<vmem_shared>> -> memref<632x8xf32, #tpu.memory_space<vmem_shared>>
      %dma_wait3A_196 = arith.constant 0 : i32
      %dma_wait3A_197 = arith.constant 0 : i32
      %dma_wait3A_198 = tpu.memref_slice %arg13[%dma_wait3A_196, %dma_wait3A_197] : memref<640x8xf32, #tpu.memory_space<vmem>> -> memref<632x8xf32, #tpu.memory_space<vmem>>
      tpu.wait_dma2 semaphore(%run_scoped3A : memref<!tpu.dma_semaphore, #tpu.memory_space<semaphore_mem>>) src(%dma_wait3A_198 : memref<632x8xf32, #tpu.memory_space<vmem>>) dst(%dma_wait3A_195 : memref<632x8xf32, #tpu.memory_space<vmem_shared>>)
      tpu.yield
    }) : () -> ()
    %barrier3A = arith.constant 0 : index
    tpu.barrier barrier_id(%barrier3A)
    %scan3A_64 = arith.constant 0 : i32
    %scan3A_65 = arith.constant 0 : i32
    %scan3A_66 = arith.constant 9 : i32
    %scan3A_67 = arith.addi %scan3A_65, %scan3A_66 : i32
    %scan3A_68 = arith.constant 1 : i32
    %scan3A_69 = scf.for %scan3A_179 = %scan3A_65 to %scan3A_67 step %scan3A_68 iter_args(%scan3A_180 = %scan3A_64) -> (i32)  : i32 {
      %mul3A_181 = arith.constant 8 : i32
      %mul3A_182 = arith.muli %scan3A_179, %mul3A_181 : i32
      %add3A_183 = arith.constant 0 : i32
      %add3A_184 = arith.addi %mul3A_182, %add3A_183 : i32
      %dma_start3A_185 = arith.constant 0 : i32
      %dma_start3A_186 = tpu.memref_slice %arg11[%add3A_184, %dma_start3A_185] : memref<79x128xi32, #tpu.memory_space<vmem>> -> memref<1x128xi32, #tpu.memory_space<vmem>>
      %dma_start3A_187 = tpu.memref_squeeze %dma_start3A_186 : memref<1x128xi32, #tpu.memory_space<vmem>> -> memref<128xi32, #tpu.memory_space<vmem>>
      %dma_start3A_188 = arith.constant 0 : i32
      %dma_start3A_189 = arith.constant 0 : i32
      %dma_start3A_190 = tpu.memref_slice %arg15[%dma_start3A_188, %dma_start3A_189] : memref<10112x8xf32, #tpu.memory_space<vmem_shared>> -> memref<10112x8xf32, #tpu.memory_space<vmem_shared>>
      tpu.enqueue_indirect_dma source(%arg12 : memref<128x8xf32, #tpu.memory_space<vmem>>) target(%dma_start3A_190 : memref<10112x8xf32, #tpu.memory_space<vmem_shared>>) offsets(%dma_start3A_187 : memref<128xi32, #tpu.memory_space<vmem>>) semaphore(%arg16 : memref<!tpu.dma_semaphore, #tpu.memory_space<semaphore_mem>>) {add = true}
      %mul3A_191 = arith.constant 8 : i32
      %mul3A_192 = arith.muli %scan3A_179, %mul3A_191 : i32
      %add3A_193 = arith.constant 1 : i32
      %add3A_194 = arith.addi %mul3A_192, %add3A_193 : i32
      %dma_start3A_195 = arith.constant 0 : i32
      %dma_start3A_196 = tpu.memref_slice %arg11[%add3A_194, %dma_start3A_195] : memref<79x128xi32, #tpu.memory_space<vmem>> -> memref<1x128xi32, #tpu.memory_space<vmem>>
      %dma_start3A_197 = tpu.memref_squeeze %dma_start3A_196 : memref<1x128xi32, #tpu.memory_space<vmem>> -> memref<128xi32, #tpu.memory_space<vmem>>
      %dma_start3A_198 = arith.constant 0 : i32
      %dma_start3A_199 = arith.constant 0 : i32
      %dma_start3A_200 = tpu.memref_slice %arg15[%dma_start3A_198, %dma_start3A_199] : memref<10112x8xf32, #tpu.memory_space<vmem_shared>> -> memref<10112x8xf32, #tpu.memory_space<vmem_shared>>
      tpu.enqueue_indirect_dma source(%arg12 : memref<128x8xf32, #tpu.memory_space<vmem>>) target(%dma_start3A_200 : memref<10112x8xf32, #tpu.memory_space<vmem_shared>>) offsets(%dma_start3A_197 : memref<128xi32, #tpu.memory_space<vmem>>) semaphore(%arg16 : memref<!tpu.dma_semaphore, #tpu.memory_space<semaphore_mem>>) {add = true}
      %mul3A_201 = arith.constant 8 : i32
      %mul3A_202 = arith.muli %scan3A_179, %mul3A_201 : i32
      %add3A_203 = arith.constant 2 : i32
      %add3A_204 = arith.addi %mul3A_202, %add3A_203 : i32
      %dma_start3A_205 = arith.constant 0 : i32
      %dma_start3A_206 = tpu.memref_slice %arg11[%add3A_204, %dma_start3A_205] : memref<79x128xi32, #tpu.memory_space<vmem>> -> memref<1x128xi32, #tpu.memory_space<vmem>>
      %dma_start3A_207 = tpu.memref_squeeze %dma_start3A_206 : memref<1x128xi32, #tpu.memory_space<vmem>> -> memref<128xi32, #tpu.memory_space<vmem>>
      %dma_start3A_208 = arith.constant 0 : i32
      %dma_start3A_209 = arith.constant 0 : i32
      %dma_start3A_210 = tpu.memref_slice %arg15[%dma_start3A_208, %dma_start3A_209] : memref<10112x8xf32, #tpu.memory_space<vmem_shared>> -> memref<10112x8xf32, #tpu.memory_space<vmem_shared>>
      tpu.enqueue_indirect_dma source(%arg12 : memref<128x8xf32, #tpu.memory_space<vmem>>) target(%dma_start3A_210 : memref<10112x8xf32, #tpu.memory_space<vmem_shared>>) offsets(%dma_start3A_207 : memref<128xi32, #tpu.memory_space<vmem>>) semaphore(%arg16 : memref<!tpu.dma_semaphore, #tpu.memory_space<semaphore_mem>>) {add = true}
      %mul3A_211 = arith.constant 8 : i32
      %mul3A_212 = arith.muli %scan3A_179, %mul3A_211 : i32
      %add3A_213 = arith.constant 3 : i32
      %add3A_214 = arith.addi %mul3A_212, %add3A_213 : i32
      %dma_start3A_215 = arith.constant 0 : i32
      %dma_start3A_216 = tpu.memref_slice %arg11[%add3A_214, %dma_start3A_215] : memref<79x128xi32, #tpu.memory_space<vmem>> -> memref<1x128xi32, #tpu.memory_space<vmem>>
      %dma_start3A_217 = tpu.memref_squeeze %dma_start3A_216 : memref<1x128xi32, #tpu.memory_space<vmem>> -> memref<128xi32, #tpu.memory_space<vmem>>
      %dma_start3A_218 = arith.constant 0 : i32
      %dma_start3A_219 = arith.constant 0 : i32
      %dma_start3A_220 = tpu.memref_slice %arg15[%dma_start3A_218, %dma_start3A_219] : memref<10112x8xf32, #tpu.memory_space<vmem_shared>> -> memref<10112x8xf32, #tpu.memory_space<vmem_shared>>
      tpu.enqueue_indirect_dma source(%arg12 : memref<128x8xf32, #tpu.memory_space<vmem>>) target(%dma_start3A_220 : memref<10112x8xf32, #tpu.memory_space<vmem_shared>>) offsets(%dma_start3A_217 : memref<128xi32, #tpu.memory_space<vmem>>) semaphore(%arg16 : memref<!tpu.dma_semaphore, #tpu.memory_space<semaphore_mem>>) {add = true}
      %mul3A_221 = arith.constant 8 : i32
      %mul3A_222 = arith.muli %scan3A_179, %mul3A_221 : i32
      %add3A_223 = arith.constant 4 : i32
      %add3A_224 = arith.addi %mul3A_222, %add3A_223 : i32
      %dma_start3A_225 = arith.constant 0 : i32
      %dma_start3A_226 = tpu.memref_slice %arg11[%add3A_224, %dma_start3A_225] : memref<79x128xi32, #tpu.memory_space<vmem>> -> memref<1x128xi32, #tpu.memory_space<vmem>>
      %dma_start3A_227 = tpu.memref_squeeze %dma_start3A_226 : memref<1x128xi32, #tpu.memory_space<vmem>> -> memref<128xi32, #tpu.memory_space<vmem>>
      %dma_start3A_228 = arith.constant 0 : i32
      %dma_start3A_229 = arith.constant 0 : i32
      %dma_start3A_230 = tpu.memref_slice %arg15[%dma_start3A_228, %dma_start3A_229] : memref<10112x8xf32, #tpu.memory_space<vmem_shared>> -> memref<10112x8xf32, #tpu.memory_space<vmem_shared>>
      tpu.enqueue_indirect_dma source(%arg12 : memref<128x8xf32, #tpu.memory_space<vmem>>) target(%dma_start3A_230 : memref<10112x8xf32, #tpu.memory_space<vmem_shared>>) offsets(%dma_start3A_227 : memref<128xi32, #tpu.memory_space<vmem>>) semaphore(%arg16 : memref<!tpu.dma_semaphore, #tpu.memory_space<semaphore_mem>>) {add = true}
      %mul3A_231 = arith.constant 8 : i32
      %mul3A_232 = arith.muli %scan3A_179, %mul3A_231 : i32
      %add3A_233 = arith.constant 5 : i32
      %add3A_234 = arith.addi %mul3A_232, %add3A_233 : i32
      %dma_start3A_235 = arith.constant 0 : i32
      %dma_start3A_236 = tpu.memref_slice %arg11[%add3A_234, %dma_start3A_235] : memref<79x128xi32, #tpu.memory_space<vmem>> -> memref<1x128xi32, #tpu.memory_space<vmem>>
      %dma_start3A_237 = tpu.memref_squeeze %dma_start3A_236 : memref<1x128xi32, #tpu.memory_space<vmem>> -> memref<128xi32, #tpu.memory_space<vmem>>
      %dma_start3A_238 = arith.constant 0 : i32
      %dma_start3A_239 = arith.constant 0 : i32
      %dma_start3A_240 = tpu.memref_slice %arg15[%dma_start3A_238, %dma_start3A_239] : memref<10112x8xf32, #tpu.memory_space<vmem_shared>> -> memref<10112x8xf32, #tpu.memory_space<vmem_shared>>
      tpu.enqueue_indirect_dma source(%arg12 : memref<128x8xf32, #tpu.memory_space<vmem>>) target(%dma_start3A_240 : memref<10112x8xf32, #tpu.memory_space<vmem_shared>>) offsets(%dma_start3A_237 : memref<128xi32, #tpu.memory_space<vmem>>) semaphore(%arg16 : memref<!tpu.dma_semaphore, #tpu.memory_space<semaphore_mem>>) {add = true}
      %mul3A_241 = arith.constant 8 : i32
      %mul3A_242 = arith.muli %scan3A_179, %mul3A_241 : i32
      %add3A_243 = arith.constant 6 : i32
      %add3A_244 = arith.addi %mul3A_242, %add3A_243 : i32
      %dma_start3A_245 = arith.constant 0 : i32
      %dma_start3A_246 = tpu.memref_slice %arg11[%add3A_244, %dma_start3A_245] : memref<79x128xi32, #tpu.memory_space<vmem>> -> memref<1x128xi32, #tpu.memory_space<vmem>>
      %dma_start3A_247 = tpu.memref_squeeze %dma_start3A_246 : memref<1x128xi32, #tpu.memory_space<vmem>> -> memref<128xi32, #tpu.memory_space<vmem>>
      %dma_start3A_248 = arith.constant 0 : i32
      %dma_start3A_249 = arith.constant 0 : i32
      %dma_start3A_250 = tpu.memref_slice %arg15[%dma_start3A_248, %dma_start3A_249] : memref<10112x8xf32, #tpu.memory_space<vmem_shared>> -> memref<10112x8xf32, #tpu.memory_space<vmem_shared>>
      tpu.enqueue_indirect_dma source(%arg12 : memref<128x8xf32, #tpu.memory_space<vmem>>) target(%dma_start3A_250 : memref<10112x8xf32, #tpu.memory_space<vmem_shared>>) offsets(%dma_start3A_247 : memref<128xi32, #tpu.memory_space<vmem>>) semaphore(%arg16 : memref<!tpu.dma_semaphore, #tpu.memory_space<semaphore_mem>>) {add = true}
      %mul3A_251 = arith.constant 8 : i32
      %mul3A_252 = arith.muli %scan3A_179, %mul3A_251 : i32
      %add3A_253 = arith.constant 7 : i32
      %add3A_254 = arith.addi %mul3A_252, %add3A_253 : i32
      %dma_start3A_255 = arith.constant 0 : i32
      %dma_start3A_256 = tpu.memref_slice %arg11[%add3A_254, %dma_start3A_255] : memref<79x128xi32, #tpu.memory_space<vmem>> -> memref<1x128xi32, #tpu.memory_space<vmem>>
      %dma_start3A_257 = tpu.memref_squeeze %dma_start3A_256 : memref<1x128xi32, #tpu.memory_space<vmem>> -> memref<128xi32, #tpu.memory_space<vmem>>
      %dma_start3A_258 = arith.constant 0 : i32
      %dma_start3A_259 = arith.constant 0 : i32
      %dma_start3A_260 = tpu.memref_slice %arg15[%dma_start3A_258, %dma_start3A_259] : memref<10112x8xf32, #tpu.memory_space<vmem_shared>> -> memref<10112x8xf32, #tpu.memory_space<vmem_shared>>
      tpu.enqueue_indirect_dma source(%arg12 : memref<128x8xf32, #tpu.memory_space<vmem>>) target(%dma_start3A_260 : memref<10112x8xf32, #tpu.memory_space<vmem_shared>>) offsets(%dma_start3A_257 : memref<128xi32, #tpu.memory_space<vmem>>) semaphore(%arg16 : memref<!tpu.dma_semaphore, #tpu.memory_space<semaphore_mem>>) {add = true}
      %dma_wait3A_261 = arith.constant 0 : i32
      %dma_wait3A_262 = tpu.memref_slice %arg11[%add3A_184, %dma_wait3A_261] : memref<79x128xi32, #tpu.memory_space<vmem>> -> memref<1x128xi32, #tpu.memory_space<vmem>>
      %dma_wait3A_263 = tpu.memref_squeeze %dma_wait3A_262 : memref<1x128xi32, #tpu.memory_space<vmem>> -> memref<128xi32, #tpu.memory_space<vmem>>
      %dma_wait3A_264 = arith.constant 0 : i32
      %dma_wait3A_265 = arith.constant 0 : i32
      %dma_wait3A_266 = tpu.memref_slice %arg15[%dma_wait3A_264, %dma_wait3A_265] : memref<10112x8xf32, #tpu.memory_space<vmem_shared>> -> memref<10112x8xf32, #tpu.memory_space<vmem_shared>>
      tpu.wait_indirect_dma semaphore(%arg16 : memref<!tpu.dma_semaphore, #tpu.memory_space<semaphore_mem>>) src(%arg12 : memref<128x8xf32, #tpu.memory_space<vmem>>) dst(%dma_wait3A_266 : memref<10112x8xf32, #tpu.memory_space<vmem_shared>>)
      %dma_wait3A_267 = arith.constant 0 : i32
      %dma_wait3A_268 = tpu.memref_slice %arg11[%add3A_194, %dma_wait3A_267] : memref<79x128xi32, #tpu.memory_space<vmem>> -> memref<1x128xi32, #tpu.memory_space<vmem>>
      %dma_wait3A_269 = tpu.memref_squeeze %dma_wait3A_268 : memref<1x128xi32, #tpu.memory_space<vmem>> -> memref<128xi32, #tpu.memory_space<vmem>>
      %dma_wait3A_270 = arith.constant 0 : i32
      %dma_wait3A_271 = arith.constant 0 : i32
      %dma_wait3A_272 = tpu.memref_slice %arg15[%dma_wait3A_270, %dma_wait3A_271] : memref<10112x8xf32, #tpu.memory_space<vmem_shared>> -> memref<10112x8xf32, #tpu.memory_space<vmem_shared>>
      tpu.wait_indirect_dma semaphore(%arg16 : memref<!tpu.dma_semaphore, #tpu.memory_space<semaphore_mem>>) src(%arg12 : memref<128x8xf32, #tpu.memory_space<vmem>>) dst(%dma_wait3A_272 : memref<10112x8xf32, #tpu.memory_space<vmem_shared>>)
      %dma_wait3A_273 = arith.constant 0 : i32
      %dma_wait3A_274 = tpu.memref_slice %arg11[%add3A_204, %dma_wait3A_273] : memref<79x128xi32, #tpu.memory_space<vmem>> -> memref<1x128xi32, #tpu.memory_space<vmem>>
      %dma_wait3A_275 = tpu.memref_squeeze %dma_wait3A_274 : memref<1x128xi32, #tpu.memory_space<vmem>> -> memref<128xi32, #tpu.memory_space<vmem>>
      %dma_wait3A_276 = arith.constant 0 : i32
      %dma_wait3A_277 = arith.constant 0 : i32
      %dma_wait3A_278 = tpu.memref_slice %arg15[%dma_wait3A_276, %dma_wait3A_277] : memref<10112x8xf32, #tpu.memory_space<vmem_shared>> -> memref<10112x8xf32, #tpu.memory_space<vmem_shared>>
      tpu.wait_indirect_dma semaphore(%arg16 : memref<!tpu.dma_semaphore, #tpu.memory_space<semaphore_mem>>) src(%arg12 : memref<128x8xf32, #tpu.memory_space<vmem>>) dst(%dma_wait3A_278 : memref<10112x8xf32, #tpu.memory_space<vmem_shared>>)
      %dma_wait3A_279 = arith.constant 0 : i32
      %dma_wait3A_280 = tpu.memref_slice %arg11[%add3A_214, %dma_wait3A_279] : memref<79x128xi32, #tpu.memory_space<vmem>> -> memref<1x128xi32, #tpu.memory_space<vmem>>
      %dma_wait3A_281 = tpu.memref_squeeze %dma_wait3A_280 : memref<1x128xi32, #tpu.memory_space<vmem>> -> memref<128xi32, #tpu.memory_space<vmem>>
      %dma_wait3A_282 = arith.constant 0 : i32
      %dma_wait3A_283 = arith.constant 0 : i32
      %dma_wait3A_284 = tpu.memref_slice %arg15[%dma_wait3A_282, %dma_wait3A_283] : memref<10112x8xf32, #tpu.memory_space<vmem_shared>> -> memref<10112x8xf32, #tpu.memory_space<vmem_shared>>
      tpu.wait_indirect_dma semaphore(%arg16 : memref<!tpu.dma_semaphore, #tpu.memory_space<semaphore_mem>>) src(%arg12 : memref<128x8xf32, #tpu.memory_space<vmem>>) dst(%dma_wait3A_284 : memref<10112x8xf32, #tpu.memory_space<vmem_shared>>)
      %dma_wait3A_285 = arith.constant 0 : i32
      %dma_wait3A_286 = tpu.memref_slice %arg11[%add3A_224, %dma_wait3A_285] : memref<79x128xi32, #tpu.memory_space<vmem>> -> memref<1x128xi32, #tpu.memory_space<vmem>>
      %dma_wait3A_287 = tpu.memref_squeeze %dma_wait3A_286 : memref<1x128xi32, #tpu.memory_space<vmem>> -> memref<128xi32, #tpu.memory_space<vmem>>
      %dma_wait3A_288 = arith.constant 0 : i32
      %dma_wait3A_289 = arith.constant 0 : i32
      %dma_wait3A_290 = tpu.memref_slice %arg15[%dma_wait3A_288, %dma_wait3A_289] : memref<10112x8xf32, #tpu.memory_space<vmem_shared>> -> memref<10112x8xf32, #tpu.memory_space<vmem_shared>>
      tpu.wait_indirect_dma semaphore(%arg16 : memref<!tpu.dma_semaphore, #tpu.memory_space<semaphore_mem>>) src(%arg12 : memref<128x8xf32, #tpu.memory_space<vmem>>) dst(%dma_wait3A_290 : memref<10112x8xf32, #tpu.memory_space<vmem_shared>>)
      %dma_wait3A_291 = arith.constant 0 : i32
      %dma_wait3A_292 = tpu.memref_slice %arg11[%add3A_234, %dma_wait3A_291] : memref<79x128xi32, #tpu.memory_space<vmem>> -> memref<1x128xi32, #tpu.memory_space<vmem>>
      %dma_wait3A_293 = tpu.memref_squeeze %dma_wait3A_292 : memref<1x128xi32, #tpu.memory_space<vmem>> -> memref<128xi32, #tpu.memory_space<vmem>>
      %dma_wait3A_294 = arith.constant 0 : i32
      %dma_wait3A_295 = arith.constant 0 : i32
      %dma_wait3A_296 = tpu.memref_slice %arg15[%dma_wait3A_294, %dma_wait3A_295] : memref<10112x8xf32, #tpu.memory_space<vmem_shared>> -> memref<10112x8xf32, #tpu.memory_space<vmem_shared>>
      tpu.wait_indirect_dma semaphore(%arg16 : memref<!tpu.dma_semaphore, #tpu.memory_space<semaphore_mem>>) src(%arg12 : memref<128x8xf32, #tpu.memory_space<vmem>>) dst(%dma_wait3A_296 : memref<10112x8xf32, #tpu.memory_space<vmem_shared>>)
      %dma_wait3A_297 = arith.constant 0 : i32
      %dma_wait3A_298 = tpu.memref_slice %arg11[%add3A_244, %dma_wait3A_297] : memref<79x128xi32, #tpu.memory_space<vmem>> -> memref<1x128xi32, #tpu.memory_space<vmem>>
      %dma_wait3A_299 = tpu.memref_squeeze %dma_wait3A_298 : memref<1x128xi32, #tpu.memory_space<vmem>> -> memref<128xi32, #tpu.memory_space<vmem>>
      %dma_wait3A_300 = arith.constant 0 : i32
      %dma_wait3A_301 = arith.constant 0 : i32
      %dma_wait3A_302 = tpu.memref_slice %arg15[%dma_wait3A_300, %dma_wait3A_301] : memref<10112x8xf32, #tpu.memory_space<vmem_shared>> -> memref<10112x8xf32, #tpu.memory_space<vmem_shared>>
      tpu.wait_indirect_dma semaphore(%arg16 : memref<!tpu.dma_semaphore, #tpu.memory_space<semaphore_mem>>) src(%arg12 : memref<128x8xf32, #tpu.memory_space<vmem>>) dst(%dma_wait3A_302 : memref<10112x8xf32, #tpu.memory_space<vmem_shared>>)
      %dma_wait3A_303 = arith.constant 0 : i32
      %dma_wait3A_304 = tpu.memref_slice %arg11[%add3A_254, %dma_wait3A_303] : memref<79x128xi32, #tpu.memory_space<vmem>> -> memref<1x128xi32, #tpu.memory_space<vmem>>
      %dma_wait3A_305 = tpu.memref_squeeze %dma_wait3A_304 : memref<1x128xi32, #tpu.memory_space<vmem>> -> memref<128xi32, #tpu.memory_space<vmem>>
      %dma_wait3A_306 = arith.constant 0 : i32
      %dma_wait3A_307 = arith.constant 0 : i32
      %dma_wait3A_308 = tpu.memref_slice %arg15[%dma_wait3A_306, %dma_wait3A_307] : memref<10112x8xf32, #tpu.memory_space<vmem_shared>> -> memref<10112x8xf32, #tpu.memory_space<vmem_shared>>
      tpu.wait_indirect_dma semaphore(%arg16 : memref<!tpu.dma_semaphore, #tpu.memory_space<semaphore_mem>>) src(%arg12 : memref<128x8xf32, #tpu.memory_space<vmem>>) dst(%dma_wait3A_308 : memref<10112x8xf32, #tpu.memory_space<vmem_shared>>)
      %scan3A_309 = arith.constant 0 : i32
      scf.yield %scan3A_309 : i32
    }
    %scan3A_70 = arith.constant 9 : i32
    %dma_start3A = arith.constant 72 : i32
    %dma_start3A_71 = arith.constant 0 : i32
    %dma_start3A_72 = tpu.memref_slice %arg11[%dma_start3A, %dma_start3A_71] : memref<79x128xi32, #tpu.memory_space<vmem>> -> memref<1x128xi32, #tpu.memory_space<vmem>>
    %dma_start3A_73 = tpu.memref_squeeze %dma_start3A_72 : memref<1x128xi32, #tpu.memory_space<vmem>> -> memref<128xi32, #tpu.memory_space<vmem>>
    %dma_start3A_74 = arith.constant 0 : i32
    %dma_start3A_75 = arith.constant 0 : i32
    %dma_start3A_76 = tpu.memref_slice %arg15[%dma_start3A_74, %dma_start3A_75] : memref<10112x8xf32, #tpu.memory_space<vmem_shared>> -> memref<10112x8xf32, #tpu.memory_space<vmem_shared>>
    tpu.enqueue_indirect_dma source(%arg12 : memref<128x8xf32, #tpu.memory_space<vmem>>) target(%dma_start3A_76 : memref<10112x8xf32, #tpu.memory_space<vmem_shared>>) offsets(%dma_start3A_73 : memref<128xi32, #tpu.memory_space<vmem>>) semaphore(%arg16 : memref<!tpu.dma_semaphore, #tpu.memory_space<semaphore_mem>>) {add = true}
    %dma_start3A_77 = arith.constant 73 : i32
    %dma_start3A_78 = arith.constant 0 : i32
    %dma_start3A_79 = tpu.memref_slice %arg11[%dma_start3A_77, %dma_start3A_78] : memref<79x128xi32, #tpu.memory_space<vmem>> -> memref<1x128xi32, #tpu.memory_space<vmem>>
    %dma_start3A_80 = tpu.memref_squeeze %dma_start3A_79 : memref<1x128xi32, #tpu.memory_space<vmem>> -> memref<128xi32, #tpu.memory_space<vmem>>
    %dma_start3A_81 = arith.constant 0 : i32
    %dma_start3A_82 = arith.constant 0 : i32
    %dma_start3A_83 = tpu.memref_slice %arg15[%dma_start3A_81, %dma_start3A_82] : memref<10112x8xf32, #tpu.memory_space<vmem_shared>> -> memref<10112x8xf32, #tpu.memory_space<vmem_shared>>
    tpu.enqueue_indirect_dma source(%arg12 : memref<128x8xf32, #tpu.memory_space<vmem>>) target(%dma_start3A_83 : memref<10112x8xf32, #tpu.memory_space<vmem_shared>>) offsets(%dma_start3A_80 : memref<128xi32, #tpu.memory_space<vmem>>) semaphore(%arg16 : memref<!tpu.dma_semaphore, #tpu.memory_space<semaphore_mem>>) {add = true}
    %dma_start3A_84 = arith.constant 74 : i32
    %dma_start3A_85 = arith.constant 0 : i32
    %dma_start3A_86 = tpu.memref_slice %arg11[%dma_start3A_84, %dma_start3A_85] : memref<79x128xi32, #tpu.memory_space<vmem>> -> memref<1x128xi32, #tpu.memory_space<vmem>>
    %dma_start3A_87 = tpu.memref_squeeze %dma_start3A_86 : memref<1x128xi32, #tpu.memory_space<vmem>> -> memref<128xi32, #tpu.memory_space<vmem>>
    %dma_start3A_88 = arith.constant 0 : i32
    %dma_start3A_89 = arith.constant 0 : i32
    %dma_start3A_90 = tpu.memref_slice %arg15[%dma_start3A_88, %dma_start3A_89] : memref<10112x8xf32, #tpu.memory_space<vmem_shared>> -> memref<10112x8xf32, #tpu.memory_space<vmem_shared>>
    tpu.enqueue_indirect_dma source(%arg12 : memref<128x8xf32, #tpu.memory_space<vmem>>) target(%dma_start3A_90 : memref<10112x8xf32, #tpu.memory_space<vmem_shared>>) offsets(%dma_start3A_87 : memref<128xi32, #tpu.memory_space<vmem>>) semaphore(%arg16 : memref<!tpu.dma_semaphore, #tpu.memory_space<semaphore_mem>>) {add = true}
    %dma_start3A_91 = arith.constant 75 : i32
    %dma_start3A_92 = arith.constant 0 : i32
    %dma_start3A_93 = tpu.memref_slice %arg11[%dma_start3A_91, %dma_start3A_92] : memref<79x128xi32, #tpu.memory_space<vmem>> -> memref<1x128xi32, #tpu.memory_space<vmem>>
    %dma_start3A_94 = tpu.memref_squeeze %dma_start3A_93 : memref<1x128xi32, #tpu.memory_space<vmem>> -> memref<128xi32, #tpu.memory_space<vmem>>
    %dma_start3A_95 = arith.constant 0 : i32
    %dma_start3A_96 = arith.constant 0 : i32
    %dma_start3A_97 = tpu.memref_slice %arg15[%dma_start3A_95, %dma_start3A_96] : memref<10112x8xf32, #tpu.memory_space<vmem_shared>> -> memref<10112x8xf32, #tpu.memory_space<vmem_shared>>
    tpu.enqueue_indirect_dma source(%arg12 : memref<128x8xf32, #tpu.memory_space<vmem>>) target(%dma_start3A_97 : memref<10112x8xf32, #tpu.memory_space<vmem_shared>>) offsets(%dma_start3A_94 : memref<128xi32, #tpu.memory_space<vmem>>) semaphore(%arg16 : memref<!tpu.dma_semaphore, #tpu.memory_space<semaphore_mem>>) {add = true}
    %dma_start3A_98 = arith.constant 76 : i32
    %dma_start3A_99 = arith.constant 0 : i32
    %dma_start3A_100 = tpu.memref_slice %arg11[%dma_start3A_98, %dma_start3A_99] : memref<79x128xi32, #tpu.memory_space<vmem>> -> memref<1x128xi32, #tpu.memory_space<vmem>>
    %dma_start3A_101 = tpu.memref_squeeze %dma_start3A_100 : memref<1x128xi32, #tpu.memory_space<vmem>> -> memref<128xi32, #tpu.memory_space<vmem>>
    %dma_start3A_102 = arith.constant 0 : i32
    %dma_start3A_103 = arith.constant 0 : i32
    %dma_start3A_104 = tpu.memref_slice %arg15[%dma_start3A_102, %dma_start3A_103] : memref<10112x8xf32, #tpu.memory_space<vmem_shared>> -> memref<10112x8xf32, #tpu.memory_space<vmem_shared>>
    tpu.enqueue_indirect_dma source(%arg12 : memref<128x8xf32, #tpu.memory_space<vmem>>) target(%dma_start3A_104 : memref<10112x8xf32, #tpu.memory_space<vmem_shared>>) offsets(%dma_start3A_101 : memref<128xi32, #tpu.memory_space<vmem>>) semaphore(%arg16 : memref<!tpu.dma_semaphore, #tpu.memory_space<semaphore_mem>>) {add = true}
    %dma_start3A_105 = arith.constant 77 : i32
    %dma_start3A_106 = arith.constant 0 : i32
    %dma_start3A_107 = tpu.memref_slice %arg11[%dma_start3A_105, %dma_start3A_106] : memref<79x128xi32, #tpu.memory_space<vmem>> -> memref<1x128xi32, #tpu.memory_space<vmem>>
    %dma_start3A_108 = tpu.memref_squeeze %dma_start3A_107 : memref<1x128xi32, #tpu.memory_space<vmem>> -> memref<128xi32, #tpu.memory_space<vmem>>
    %dma_start3A_109 = arith.constant 0 : i32
    %dma_start3A_110 = arith.constant 0 : i32
    %dma_start3A_111 = tpu.memref_slice %arg15[%dma_start3A_109, %dma_start3A_110] : memref<10112x8xf32, #tpu.memory_space<vmem_shared>> -> memref<10112x8xf32, #tpu.memory_space<vmem_shared>>
    tpu.enqueue_indirect_dma source(%arg12 : memref<128x8xf32, #tpu.memory_space<vmem>>) target(%dma_start3A_111 : memref<10112x8xf32, #tpu.memory_space<vmem_shared>>) offsets(%dma_start3A_108 : memref<128xi32, #tpu.memory_space<vmem>>) semaphore(%arg16 : memref<!tpu.dma_semaphore, #tpu.memory_space<semaphore_mem>>) {add = true}
    %dma_start3A_112 = arith.constant 78 : i32
    %dma_start3A_113 = arith.constant 0 : i32
    %dma_start3A_114 = tpu.memref_slice %arg11[%dma_start3A_112, %dma_start3A_113] : memref<79x128xi32, #tpu.memory_space<vmem>> -> memref<1x128xi32, #tpu.memory_space<vmem>>
    %dma_start3A_115 = tpu.memref_squeeze %dma_start3A_114 : memref<1x128xi32, #tpu.memory_space<vmem>> -> memref<128xi32, #tpu.memory_space<vmem>>
    %dma_start3A_116 = arith.constant 0 : i32
    %dma_start3A_117 = arith.constant 0 : i32
    %dma_start3A_118 = tpu.memref_slice %arg15[%dma_start3A_116, %dma_start3A_117] : memref<10112x8xf32, #tpu.memory_space<vmem_shared>> -> memref<10112x8xf32, #tpu.memory_space<vmem_shared>>
    tpu.enqueue_indirect_dma source(%arg12 : memref<128x8xf32, #tpu.memory_space<vmem>>) target(%dma_start3A_118 : memref<10112x8xf32, #tpu.memory_space<vmem_shared>>) offsets(%dma_start3A_115 : memref<128xi32, #tpu.memory_space<vmem>>) semaphore(%arg16 : memref<!tpu.dma_semaphore, #tpu.memory_space<semaphore_mem>>) {add = true}
    %dma_wait3A = arith.constant 72 : i32
    %dma_wait3A_119 = arith.constant 0 : i32
    %dma_wait3A_120 = tpu.memref_slice %arg11[%dma_wait3A, %dma_wait3A_119] : memref<79x128xi32, #tpu.memory_space<vmem>> -> memref<1x128xi32, #tpu.memory_space<vmem>>
    %dma_wait3A_121 = tpu.memref_squeeze %dma_wait3A_120 : memref<1x128xi32, #tpu.memory_space<vmem>> -> memref<128xi32, #tpu.memory_space<vmem>>
    %dma_wait3A_122 = arith.constant 0 : i32
    %dma_wait3A_123 = arith.constant 0 : i32
    %dma_wait3A_124 = tpu.memref_slice %arg15[%dma_wait3A_122, %dma_wait3A_123] : memref<10112x8xf32, #tpu.memory_space<vmem_shared>> -> memref<10112x8xf32, #tpu.memory_space<vmem_shared>>
    tpu.wait_indirect_dma semaphore(%arg16 : memref<!tpu.dma_semaphore, #tpu.memory_space<semaphore_mem>>) src(%arg12 : memref<128x8xf32, #tpu.memory_space<vmem>>) dst(%dma_wait3A_124 : memref<10112x8xf32, #tpu.memory_space<vmem_shared>>)
    %dma_wait3A_125 = arith.constant 73 : i32
    %dma_wait3A_126 = arith.constant 0 : i32
    %dma_wait3A_127 = tpu.memref_slice %arg11[%dma_wait3A_125, %dma_wait3A_126] : memref<79x128xi32, #tpu.memory_space<vmem>> -> memref<1x128xi32, #tpu.memory_space<vmem>>
    %dma_wait3A_128 = tpu.memref_squeeze %dma_wait3A_127 : memref<1x128xi32, #tpu.memory_space<vmem>> -> memref<128xi32, #tpu.memory_space<vmem>>
    %dma_wait3A_129 = arith.constant 0 : i32
    %dma_wait3A_130 = arith.constant 0 : i32
    %dma_wait3A_131 = tpu.memref_slice %arg15[%dma_wait3A_129, %dma_wait3A_130] : memref<10112x8xf32, #tpu.memory_space<vmem_shared>> -> memref<10112x8xf32, #tpu.memory_space<vmem_shared>>
    tpu.wait_indirect_dma semaphore(%arg16 : memref<!tpu.dma_semaphore, #tpu.memory_space<semaphore_mem>>) src(%arg12 : memref<128x8xf32, #tpu.memory_space<vmem>>) dst(%dma_wait3A_131 : memref<10112x8xf32, #tpu.memory_space<vmem_shared>>)
    %dma_wait3A_132 = arith.constant 74 : i32
    %dma_wait3A_133 = arith.constant 0 : i32
    %dma_wait3A_134 = tpu.memref_slice %arg11[%dma_wait3A_132, %dma_wait3A_133] : memref<79x128xi32, #tpu.memory_space<vmem>> -> memref<1x128xi32, #tpu.memory_space<vmem>>
    %dma_wait3A_135 = tpu.memref_squeeze %dma_wait3A_134 : memref<1x128xi32, #tpu.memory_space<vmem>> -> memref<128xi32, #tpu.memory_space<vmem>>
    %dma_wait3A_136 = arith.constant 0 : i32
    %dma_wait3A_137 = arith.constant 0 : i32
    %dma_wait3A_138 = tpu.memref_slice %arg15[%dma_wait3A_136, %dma_wait3A_137] : memref<10112x8xf32, #tpu.memory_space<vmem_shared>> -> memref<10112x8xf32, #tpu.memory_space<vmem_shared>>
    tpu.wait_indirect_dma semaphore(%arg16 : memref<!tpu.dma_semaphore, #tpu.memory_space<semaphore_mem>>) src(%arg12 : memref<128x8xf32, #tpu.memory_space<vmem>>) dst(%dma_wait3A_138 : memref<10112x8xf32, #tpu.memory_space<vmem_shared>>)
    %dma_wait3A_139 = arith.constant 75 : i32
    %dma_wait3A_140 = arith.constant 0 : i32
    %dma_wait3A_141 = tpu.memref_slice %arg11[%dma_wait3A_139, %dma_wait3A_140] : memref<79x128xi32, #tpu.memory_space<vmem>> -> memref<1x128xi32, #tpu.memory_space<vmem>>
    %dma_wait3A_142 = tpu.memref_squeeze %dma_wait3A_141 : memref<1x128xi32, #tpu.memory_space<vmem>> -> memref<128xi32, #tpu.memory_space<vmem>>
    %dma_wait3A_143 = arith.constant 0 : i32
    %dma_wait3A_144 = arith.constant 0 : i32
    %dma_wait3A_145 = tpu.memref_slice %arg15[%dma_wait3A_143, %dma_wait3A_144] : memref<10112x8xf32, #tpu.memory_space<vmem_shared>> -> memref<10112x8xf32, #tpu.memory_space<vmem_shared>>
    tpu.wait_indirect_dma semaphore(%arg16 : memref<!tpu.dma_semaphore, #tpu.memory_space<semaphore_mem>>) src(%arg12 : memref<128x8xf32, #tpu.memory_space<vmem>>) dst(%dma_wait3A_145 : memref<10112x8xf32, #tpu.memory_space<vmem_shared>>)
    %dma_wait3A_146 = arith.constant 76 : i32
    %dma_wait3A_147 = arith.constant 0 : i32
    %dma_wait3A_148 = tpu.memref_slice %arg11[%dma_wait3A_146, %dma_wait3A_147] : memref<79x128xi32, #tpu.memory_space<vmem>> -> memref<1x128xi32, #tpu.memory_space<vmem>>
    %dma_wait3A_149 = tpu.memref_squeeze %dma_wait3A_148 : memref<1x128xi32, #tpu.memory_space<vmem>> -> memref<128xi32, #tpu.memory_space<vmem>>
    %dma_wait3A_150 = arith.constant 0 : i32
    %dma_wait3A_151 = arith.constant 0 : i32
    %dma_wait3A_152 = tpu.memref_slice %arg15[%dma_wait3A_150, %dma_wait3A_151] : memref<10112x8xf32, #tpu.memory_space<vmem_shared>> -> memref<10112x8xf32, #tpu.memory_space<vmem_shared>>
    tpu.wait_indirect_dma semaphore(%arg16 : memref<!tpu.dma_semaphore, #tpu.memory_space<semaphore_mem>>) src(%arg12 : memref<128x8xf32, #tpu.memory_space<vmem>>) dst(%dma_wait3A_152 : memref<10112x8xf32, #tpu.memory_space<vmem_shared>>)
    %dma_wait3A_153 = arith.constant 77 : i32
    %dma_wait3A_154 = arith.constant 0 : i32
    %dma_wait3A_155 = tpu.memref_slice %arg11[%dma_wait3A_153, %dma_wait3A_154] : memref<79x128xi32, #tpu.memory_space<vmem>> -> memref<1x128xi32, #tpu.memory_space<vmem>>
    %dma_wait3A_156 = tpu.memref_squeeze %dma_wait3A_155 : memref<1x128xi32, #tpu.memory_space<vmem>> -> memref<128xi32, #tpu.memory_space<vmem>>
    %dma_wait3A_157 = arith.constant 0 : i32
    %dma_wait3A_158 = arith.constant 0 : i32
    %dma_wait3A_159 = tpu.memref_slice %arg15[%dma_wait3A_157, %dma_wait3A_158] : memref<10112x8xf32, #tpu.memory_space<vmem_shared>> -> memref<10112x8xf32, #tpu.memory_space<vmem_shared>>
    tpu.wait_indirect_dma semaphore(%arg16 : memref<!tpu.dma_semaphore, #tpu.memory_space<semaphore_mem>>) src(%arg12 : memref<128x8xf32, #tpu.memory_space<vmem>>) dst(%dma_wait3A_159 : memref<10112x8xf32, #tpu.memory_space<vmem_shared>>)
    %dma_wait3A_160 = arith.constant 78 : i32
    %dma_wait3A_161 = arith.constant 0 : i32
    %dma_wait3A_162 = tpu.memref_slice %arg11[%dma_wait3A_160, %dma_wait3A_161] : memref<79x128xi32, #tpu.memory_space<vmem>> -> memref<1x128xi32, #tpu.memory_space<vmem>>
    %dma_wait3A_163 = tpu.memref_squeeze %dma_wait3A_162 : memref<1x128xi32, #tpu.memory_space<vmem>> -> memref<128xi32, #tpu.memory_space<vmem>>
    %dma_wait3A_164 = arith.constant 0 : i32
    %dma_wait3A_165 = arith.constant 0 : i32
    %dma_wait3A_166 = tpu.memref_slice %arg15[%dma_wait3A_164, %dma_wait3A_165] : memref<10112x8xf32, #tpu.memory_space<vmem_shared>> -> memref<10112x8xf32, #tpu.memory_space<vmem_shared>>
    tpu.wait_indirect_dma semaphore(%arg16 : memref<!tpu.dma_semaphore, #tpu.memory_space<semaphore_mem>>) src(%arg12 : memref<128x8xf32, #tpu.memory_space<vmem>>) dst(%dma_wait3A_166 : memref<10112x8xf32, #tpu.memory_space<vmem_shared>>)
    %barrier3A_167 = arith.constant 0 : index
    tpu.barrier barrier_id(%barrier3A_167)
    %mul3A_168 = arith.constant 632 : i32
    %mul3A_169 = arith.muli %arg1, %mul3A_168 : i32
    "tpu.region"() ({
      %run_scoped3A = tpu.sem_alloc : memref<!tpu.dma_semaphore, #tpu.memory_space<semaphore_mem>>
      %dma_start3A_179 = arith.constant 0 : i32
      %dma_start3A_180 = arith.constant 0 : i32
      %dma_start3A_181 = tpu.memref_slice %arg13[%dma_start3A_179, %dma_start3A_180] : memref<640x8xf32, #tpu.memory_space<vmem>> -> memref<632x8xf32, #tpu.memory_space<vmem>>
      %dma_start3A_182 = arith.constant 0 : i32
      %dma_start3A_183 = tpu.memref_slice %arg15[%mul3A_169, %dma_start3A_182] : memref<10112x8xf32, #tpu.memory_space<vmem_shared>> -> memref<632x8xf32, #tpu.memory_space<vmem_shared>>
      %dma_start3A_184 = arith.constant 0 : i32
      %dma_start3A_185 = arith.constant 0 : i32
      %dma_start3A_186 = tpu.memref_slice %arg13[%dma_start3A_184, %dma_start3A_185] : memref<640x8xf32, #tpu.memory_space<vmem>> -> memref<632x8xf32, #tpu.memory_space<vmem>>
      %dma_start3A_187 = arith.constant 0 : i32
      %dma_start3A_188 = tpu.memref_slice %arg15[%mul3A_169, %dma_start3A_187] : memref<10112x8xf32, #tpu.memory_space<vmem_shared>> -> memref<632x8xf32, #tpu.memory_space<vmem_shared>>
      tpu.enqueue_dma source(%dma_start3A_188 : memref<632x8xf32, #tpu.memory_space<vmem_shared>>) target(%dma_start3A_186 : memref<632x8xf32, #tpu.memory_space<vmem>>) target_semaphore(%run_scoped3A : memref<!tpu.dma_semaphore, #tpu.memory_space<semaphore_mem>>)
      %dma_wait3A_189 = arith.constant 0 : i32
      %dma_wait3A_190 = arith.constant 0 : i32
      %dma_wait3A_191 = tpu.memref_slice %arg13[%dma_wait3A_189, %dma_wait3A_190] : memref<640x8xf32, #tpu.memory_space<vmem>> -> memref<632x8xf32, #tpu.memory_space<vmem>>
      %dma_wait3A_192 = arith.constant 0 : i32
      %dma_wait3A_193 = tpu.memref_slice %arg15[%mul3A_169, %dma_wait3A_192] : memref<10112x8xf32, #tpu.memory_space<vmem_shared>> -> memref<632x8xf32, #tpu.memory_space<vmem_shared>>
      %dma_wait3A_194 = arith.constant 0 : i32
      %dma_wait3A_195 = arith.constant 0 : i32
      %dma_wait3A_196 = tpu.memref_slice %arg13[%dma_wait3A_194, %dma_wait3A_195] : memref<640x8xf32, #tpu.memory_space<vmem>> -> memref<632x8xf32, #tpu.memory_space<vmem>>
      %dma_wait3A_197 = arith.constant 0 : i32
      %dma_wait3A_198 = tpu.memref_slice %arg15[%mul3A_169, %dma_wait3A_197] : memref<10112x8xf32, #tpu.memory_space<vmem_shared>> -> memref<632x8xf32, #tpu.memory_space<vmem_shared>>
      tpu.wait_dma2 semaphore(%run_scoped3A : memref<!tpu.dma_semaphore, #tpu.memory_space<semaphore_mem>>) src(%dma_wait3A_198 : memref<632x8xf32, #tpu.memory_space<vmem_shared>>) dst(%dma_wait3A_196 : memref<632x8xf32, #tpu.memory_space<vmem>>)
      tpu.yield
    }) : () -> ()
    %scan3A_170 = arith.constant 0 : i32
    %scan3A_171 = arith.constant 0 : i32
    %scan3A_172 = arith.constant 40 : i32
    %scan3A_173 = arith.addi %scan3A_171, %scan3A_172 : i32
    %scan3A_174 = arith.constant 1 : i32
    %scan3A_175 = scf.for %scan3A_179 = %scan3A_171 to %scan3A_173 step %scan3A_174 iter_args(%scan3A_180 = %scan3A_170) -> (i32)  : i32 {
      %iota3A_181 = tpu.iota {dimensions = array<i32: 0>} : vector<16xi32>
      %mul3A_182 = arith.constant 16 : i32
      %mul3A_183 = arith.muli %scan3A_179, %mul3A_182 : i32
      %add3A_184 = vector.broadcast %mul3A_183 : i32 to vector<16xi32>
      %add3A_185 = arith.addi %iota3A_181, %add3A_184 : vector<16xi32>
      %broadcast_in_dim3A_186 = arith.constant 0.000000e+00 : f32
      %broadcast_in_dim3A_187 = vector.broadcast %broadcast_in_dim3A_186 : f32 to vector<16xf32>
      %broadcast_in_dim3A_188 = arith.constant 0 : i32
      %broadcast_in_dim3A_189 = vector.broadcast %broadcast_in_dim3A_188 : i32 to vector<16xi32>
      %gather3A = tpu.vector_load_idx %arg13[%add3A_185, %broadcast_in_dim3A_189] : memref<640x8xf32, #tpu.memory_space<vmem>>[vector<16xi32>, vector<16xi32>], vector<16xf32>,
      %add3A_190 = arith.addf %broadcast_in_dim3A_187, %gather3A : vector<16xf32>
      %broadcast_in_dim3A_191 = arith.constant 1 : i32
      %broadcast_in_dim3A_192 = vector.broadcast %broadcast_in_dim3A_191 : i32 to vector<16xi32>
      %gather3A_193 = tpu.vector_load_idx %arg13[%add3A_185, %broadcast_in_dim3A_192] : memref<640x8xf32, #tpu.memory_space<vmem>>[vector<16xi32>, vector<16xi32>], vector<16xf32>,
      %add3A_194 = arith.addf %add3A_190, %gather3A_193 : vector<16xf32>
      %broadcast_in_dim3A_195 = arith.constant 2 : i32
      %broadcast_in_dim3A_196 = vector.broadcast %broadcast_in_dim3A_195 : i32 to vector<16xi32>
      %gather3A_197 = tpu.vector_load_idx %arg13[%add3A_185, %broadcast_in_dim3A_196] : memref<640x8xf32, #tpu.memory_space<vmem>>[vector<16xi32>, vector<16xi32>], vector<16xf32>,
      %add3A_198 = arith.addf %add3A_194, %gather3A_197 : vector<16xf32>
      %broadcast_in_dim3A_199 = arith.constant 3 : i32
      %broadcast_in_dim3A_200 = vector.broadcast %broadcast_in_dim3A_199 : i32 to vector<16xi32>
      %gather3A_201 = tpu.vector_load_idx %arg13[%add3A_185, %broadcast_in_dim3A_200] : memref<640x8xf32, #tpu.memory_space<vmem>>[vector<16xi32>, vector<16xi32>], vector<16xf32>,
      %add3A_202 = arith.addf %add3A_198, %gather3A_201 : vector<16xf32>
      %broadcast_in_dim3A_203 = arith.constant 4 : i32
      %broadcast_in_dim3A_204 = vector.broadcast %broadcast_in_dim3A_203 : i32 to vector<16xi32>
      %gather3A_205 = tpu.vector_load_idx %arg13[%add3A_185, %broadcast_in_dim3A_204] : memref<640x8xf32, #tpu.memory_space<vmem>>[vector<16xi32>, vector<16xi32>], vector<16xf32>,
      %add3A_206 = arith.addf %add3A_202, %gather3A_205 : vector<16xf32>
      %broadcast_in_dim3A_207 = arith.constant 5 : i32
      %broadcast_in_dim3A_208 = vector.broadcast %broadcast_in_dim3A_207 : i32 to vector<16xi32>
      %gather3A_209 = tpu.vector_load_idx %arg13[%add3A_185, %broadcast_in_dim3A_208] : memref<640x8xf32, #tpu.memory_space<vmem>>[vector<16xi32>, vector<16xi32>], vector<16xf32>,
      %add3A_210 = arith.addf %add3A_206, %gather3A_209 : vector<16xf32>
      %broadcast_in_dim3A_211 = arith.constant 6 : i32
      %broadcast_in_dim3A_212 = vector.broadcast %broadcast_in_dim3A_211 : i32 to vector<16xi32>
      %gather3A_213 = tpu.vector_load_idx %arg13[%add3A_185, %broadcast_in_dim3A_212] : memref<640x8xf32, #tpu.memory_space<vmem>>[vector<16xi32>, vector<16xi32>], vector<16xf32>,
      %add3A_214 = arith.addf %add3A_210, %gather3A_213 : vector<16xf32>
      %broadcast_in_dim3A_215 = arith.constant 7 : i32
      %broadcast_in_dim3A_216 = vector.broadcast %broadcast_in_dim3A_215 : i32 to vector<16xi32>
      %gather3A_217 = tpu.vector_load_idx %arg13[%add3A_185, %broadcast_in_dim3A_216] : memref<640x8xf32, #tpu.memory_space<vmem>>[vector<16xi32>, vector<16xi32>], vector<16xf32>,
      %add3A_218 = arith.addf %add3A_214, %gather3A_217 : vector<16xf32>
      %mul3A_219 = arith.constant 16 : i32
      %mul3A_220 = arith.muli %scan3A_179, %mul3A_219 : i32
      %swap3A_221 = arith.index_cast %mul3A_220 : i32 to index
      %swap3A_222 = tpu.vector_load %arg14[%swap3A_221] {strides = array<i32>} : memref<640xf32, #tpu.memory_space<vmem>>, vector<16xf32>,
      tpu.vector_store %arg14[%swap3A_221], %add3A_218 {strides = array<i32>} : memref<640xf32, #tpu.memory_space<vmem>>, vector<16xf32>,
      %scan3A_223 = arith.constant 0 : i32
      scf.yield %scan3A_223 : i32
    }
    %scan3A_176 = arith.constant 40 : i32
    %mul3A_177 = arith.constant 632 : i32
    %mul3A_178 = arith.muli %arg1, %mul3A_177 : i32
    "tpu.region"() ({
      %run_scoped3A = tpu.sem_alloc : memref<!tpu.dma_semaphore, #tpu.memory_space<semaphore_mem>>
      %dma_start3A_179 = arith.constant 0 : i32
      %dma_start3A_180 = tpu.memref_slice %arg14[%dma_start3A_179] : memref<640xf32, #tpu.memory_space<vmem>> -> memref<632xf32, #tpu.memory_space<vmem>>
      %dma_start3A_181 = tpu.memref_slice %arg5[%arg0, %mul3A_178] : memref<2x10112xf32, #tpu.memory_space<hbm>> -> memref<1x632xf32, #tpu.memory_space<hbm>>
      %dma_start3A_182 = tpu.memref_squeeze %dma_start3A_181 : memref<1x632xf32, #tpu.memory_space<hbm>> -> memref<632xf32, #tpu.memory_space<hbm>>
      %dma_start3A_183 = tpu.memref_slice %arg5[%arg0, %mul3A_178] : memref<2x10112xf32, #tpu.memory_space<hbm>> -> memref<1x632xf32, #tpu.memory_space<hbm>>
      %dma_start3A_184 = tpu.memref_squeeze %dma_start3A_183 : memref<1x632xf32, #tpu.memory_space<hbm>> -> memref<632xf32, #tpu.memory_space<hbm>>
      %dma_start3A_185 = arith.constant 0 : i32
      %dma_start3A_186 = tpu.memref_slice %arg14[%dma_start3A_185] : memref<640xf32, #tpu.memory_space<vmem>> -> memref<632xf32, #tpu.memory_space<vmem>>
      tpu.enqueue_dma source(%dma_start3A_186 : memref<632xf32, #tpu.memory_space<vmem>>) target(%dma_start3A_184 : memref<632xf32, #tpu.memory_space<hbm>>) target_semaphore(%run_scoped3A : memref<!tpu.dma_semaphore, #tpu.memory_space<semaphore_mem>>)
      %dma_wait3A_187 = arith.constant 0 : i32
      %dma_wait3A_188 = tpu.memref_slice %arg14[%dma_wait3A_187] : memref<640xf32, #tpu.memory_space<vmem>> -> memref<632xf32, #tpu.memory_space<vmem>>
      %dma_wait3A_189 = tpu.memref_slice %arg5[%arg0, %mul3A_178] : memref<2x10112xf32, #tpu.memory_space<hbm>> -> memref<1x632xf32, #tpu.memory_space<hbm>>
      %dma_wait3A_190 = tpu.memref_squeeze %dma_wait3A_189 : memref<1x632xf32, #tpu.memory_space<hbm>> -> memref<632xf32, #tpu.memory_space<hbm>>
      %dma_wait3A_191 = tpu.memref_slice %arg5[%arg0, %mul3A_178] : memref<2x10112xf32, #tpu.memory_space<hbm>> -> memref<1x632xf32, #tpu.memory_space<hbm>>
      %dma_wait3A_192 = tpu.memref_squeeze %dma_wait3A_191 : memref<1x632xf32, #tpu.memory_space<hbm>> -> memref<632xf32, #tpu.memory_space<hbm>>
      %dma_wait3A_193 = arith.constant 0 : i32
      %dma_wait3A_194 = tpu.memref_slice %arg14[%dma_wait3A_193] : memref<640xf32, #tpu.memory_space<vmem>> -> memref<632xf32, #tpu.memory_space<vmem>>
      tpu.wait_dma2 semaphore(%run_scoped3A : memref<!tpu.dma_semaphore, #tpu.memory_space<semaphore_mem>>) src(%dma_wait3A_194 : memref<632xf32, #tpu.memory_space<vmem>>) dst(%dma_wait3A_192 : memref<632xf32, #tpu.memory_space<hbm>>)
      tpu.yield
    }) : () -> ()
    return
  }
}

#map = affine_map<(d0, d1) -> (0, 0)>
#map1 = affine_map<(d0, d1) -> (0, 0, 0)>
module attributes {stable_mosaic.version = 14 : i64} {
  func.func @_scatter_kernel(%arg0: i32, %arg1: i32, %arg2: memref<10000x32xf32, #tpu.memory_space<hbm>>, %arg3: memref<32x79x128xi32, #tpu.memory_space<hbm>>, %arg4: memref<32x79x128xi32, #tpu.memory_space<hbm>>, %arg5: memref<2x10112x32xf32, #tpu.memory_space<hbm>>, %arg6: memref<79x128xi32, #tpu.memory_space<vmem>>, %arg7: memref<79x128xi32, #tpu.memory_space<vmem>>, %arg8: memref<8x128x32xf32, #tpu.memory_space<vmem>>, %arg9: memref<632x32xf32, #tpu.memory_space<vmem>>, %arg10: memref<10112x32xf32, #tpu.memory_space<vmem_shared>>, %arg11: memref<10000x32xf32, #tpu.memory_space<vmem_shared>>, %arg12: memref<!tpu.dma_semaphore, #tpu.memory_space<semaphore_mem>>, %arg13: memref<!tpu.dma_semaphore, #tpu.memory_space<semaphore_mem>>) attributes {dimension_semantics = [#tpu.dimension_semantics<core_parallel>, #tpu.dimension_semantics<subcore_parallel>], iteration_bounds = array<i64: 2, 16>, scalar_prefetch = 0 : i64, scratch_operands = 8 : i64, tpu.core_type = #tpu.core_type<sc_vector_subcore>, window_params = [{transform_indices = #map}, {transform_indices = #map1}, {transform_indices = #map1}, {transform_indices = #map1}]} {
    %mul3A = arith.constant 16 : i32
    %mul3A_0 = arith.muli %arg0, %mul3A : i32
    %add3A = arith.addi %mul3A_0, %arg1 : i32
    %broadcast_in_dim3A = arith.constant 0.000000e+00 : f32
    %broadcast_in_dim3A_1 = vector.broadcast %broadcast_in_dim3A : f32 to vector<16xf32>
    "tpu.region"() ({
      %run_scoped3A = tpu.sem_alloc : memref<!tpu.dma_semaphore, #tpu.memory_space<semaphore_mem>>
      %dma_start3A_360 = arith.constant 0 : i32
      %dma_start3A_361 = arith.constant 0 : i32
      %dma_start3A_362 = tpu.memref_slice %arg3[%add3A, %dma_start3A_360, %dma_start3A_361] : memref<32x79x128xi32, #tpu.memory_space<hbm>> -> memref<1x79x128xi32, #tpu.memory_space<hbm>>
      %dma_start3A_363 = tpu.memref_squeeze %dma_start3A_362 : memref<1x79x128xi32, #tpu.memory_space<hbm>> -> memref<79x128xi32, #tpu.memory_space<hbm>>
      %dma_start3A_364 = arith.constant 0 : i32
      %dma_start3A_365 = arith.constant 0 : i32
      %dma_start3A_366 = tpu.memref_slice %arg3[%add3A, %dma_start3A_364, %dma_start3A_365] : memref<32x79x128xi32, #tpu.memory_space<hbm>> -> memref<1x79x128xi32, #tpu.memory_space<hbm>>
      %dma_start3A_367 = tpu.memref_squeeze %dma_start3A_366 : memref<1x79x128xi32, #tpu.memory_space<hbm>> -> memref<79x128xi32, #tpu.memory_space<hbm>>
      tpu.enqueue_dma source(%dma_start3A_367 : memref<79x128xi32, #tpu.memory_space<hbm>>) target(%arg6 : memref<79x128xi32, #tpu.memory_space<vmem>>) target_semaphore(%run_scoped3A : memref<!tpu.dma_semaphore, #tpu.memory_space<semaphore_mem>>)
      %dma_wait3A_368 = arith.constant 0 : i32
      %dma_wait3A_369 = arith.constant 0 : i32
      %dma_wait3A_370 = tpu.memref_slice %arg3[%add3A, %dma_wait3A_368, %dma_wait3A_369] : memref<32x79x128xi32, #tpu.memory_space<hbm>> -> memref<1x79x128xi32, #tpu.memory_space<hbm>>
      %dma_wait3A_371 = tpu.memref_squeeze %dma_wait3A_370 : memref<1x79x128xi32, #tpu.memory_space<hbm>> -> memref<79x128xi32, #tpu.memory_space<hbm>>
      %dma_wait3A_372 = arith.constant 0 : i32
      %dma_wait3A_373 = arith.constant 0 : i32
      %dma_wait3A_374 = tpu.memref_slice %arg3[%add3A, %dma_wait3A_372, %dma_wait3A_373] : memref<32x79x128xi32, #tpu.memory_space<hbm>> -> memref<1x79x128xi32, #tpu.memory_space<hbm>>
      %dma_wait3A_375 = tpu.memref_squeeze %dma_wait3A_374 : memref<1x79x128xi32, #tpu.memory_space<hbm>> -> memref<79x128xi32, #tpu.memory_space<hbm>>
      tpu.wait_dma2 semaphore(%run_scoped3A : memref<!tpu.dma_semaphore, #tpu.memory_space<semaphore_mem>>) src(%dma_wait3A_375 : memref<79x128xi32, #tpu.memory_space<hbm>>) dst(%arg6 : memref<79x128xi32, #tpu.memory_space<vmem>>)
      tpu.yield
    }) : () -> ()
    "tpu.region"() ({
      %run_scoped3A = tpu.sem_alloc : memref<!tpu.dma_semaphore, #tpu.memory_space<semaphore_mem>>
      %dma_start3A_360 = arith.constant 0 : i32
      %dma_start3A_361 = arith.constant 0 : i32
      %dma_start3A_362 = tpu.memref_slice %arg4[%add3A, %dma_start3A_360, %dma_start3A_361] : memref<32x79x128xi32, #tpu.memory_space<hbm>> -> memref<1x79x128xi32, #tpu.memory_space<hbm>>
      %dma_start3A_363 = tpu.memref_squeeze %dma_start3A_362 : memref<1x79x128xi32, #tpu.memory_space<hbm>> -> memref<79x128xi32, #tpu.memory_space<hbm>>
      %dma_start3A_364 = arith.constant 0 : i32
      %dma_start3A_365 = arith.constant 0 : i32
      %dma_start3A_366 = tpu.memref_slice %arg4[%add3A, %dma_start3A_364, %dma_start3A_365] : memref<32x79x128xi32, #tpu.memory_space<hbm>> -> memref<1x79x128xi32, #tpu.memory_space<hbm>>
      %dma_start3A_367 = tpu.memref_squeeze %dma_start3A_366 : memref<1x79x128xi32, #tpu.memory_space<hbm>> -> memref<79x128xi32, #tpu.memory_space<hbm>>
      tpu.enqueue_dma source(%dma_start3A_367 : memref<79x128xi32, #tpu.memory_space<hbm>>) target(%arg7 : memref<79x128xi32, #tpu.memory_space<vmem>>) target_semaphore(%run_scoped3A : memref<!tpu.dma_semaphore, #tpu.memory_space<semaphore_mem>>)
      %dma_wait3A_368 = arith.constant 0 : i32
      %dma_wait3A_369 = arith.constant 0 : i32
      %dma_wait3A_370 = tpu.memref_slice %arg4[%add3A, %dma_wait3A_368, %dma_wait3A_369] : memref<32x79x128xi32, #tpu.memory_space<hbm>> -> memref<1x79x128xi32, #tpu.memory_space<hbm>>
      %dma_wait3A_371 = tpu.memref_squeeze %dma_wait3A_370 : memref<1x79x128xi32, #tpu.memory_space<hbm>> -> memref<79x128xi32, #tpu.memory_space<hbm>>
      %dma_wait3A_372 = arith.constant 0 : i32
      %dma_wait3A_373 = arith.constant 0 : i32
      %dma_wait3A_374 = tpu.memref_slice %arg4[%add3A, %dma_wait3A_372, %dma_wait3A_373] : memref<32x79x128xi32, #tpu.memory_space<hbm>> -> memref<1x79x128xi32, #tpu.memory_space<hbm>>
      %dma_wait3A_375 = tpu.memref_squeeze %dma_wait3A_374 : memref<1x79x128xi32, #tpu.memory_space<hbm>> -> memref<79x128xi32, #tpu.memory_space<hbm>>
      tpu.wait_dma2 semaphore(%run_scoped3A : memref<!tpu.dma_semaphore, #tpu.memory_space<semaphore_mem>>) src(%dma_wait3A_375 : memref<79x128xi32, #tpu.memory_space<hbm>>) dst(%arg7 : memref<79x128xi32, #tpu.memory_space<vmem>>)
      tpu.yield
    }) : () -> ()
    %mul3A_2 = arith.constant 625 : i32
    %mul3A_3 = arith.muli %arg1, %mul3A_2 : i32
    "tpu.region"() ({
      %run_scoped3A = tpu.sem_alloc : memref<!tpu.dma_semaphore, #tpu.memory_space<semaphore_mem>>
      %dma_start3A_360 = arith.constant 0 : i32
      %dma_start3A_361 = arith.constant 0 : i32
      %dma_start3A_362 = tpu.memref_slice %arg9[%dma_start3A_360, %dma_start3A_361] : memref<632x32xf32, #tpu.memory_space<vmem>> -> memref<625x32xf32, #tpu.memory_space<vmem>>
      %dma_start3A_363 = arith.constant 0 : i32
      %dma_start3A_364 = tpu.memref_slice %arg2[%mul3A_3, %dma_start3A_363] : memref<10000x32xf32, #tpu.memory_space<hbm>> -> memref<625x32xf32, #tpu.memory_space<hbm>>
      %dma_start3A_365 = arith.constant 0 : i32
      %dma_start3A_366 = arith.constant 0 : i32
      %dma_start3A_367 = tpu.memref_slice %arg9[%dma_start3A_365, %dma_start3A_366] : memref<632x32xf32, #tpu.memory_space<vmem>> -> memref<625x32xf32, #tpu.memory_space<vmem>>
      %dma_start3A_368 = arith.constant 0 : i32
      %dma_start3A_369 = tpu.memref_slice %arg2[%mul3A_3, %dma_start3A_368] : memref<10000x32xf32, #tpu.memory_space<hbm>> -> memref<625x32xf32, #tpu.memory_space<hbm>>
      tpu.enqueue_dma source(%dma_start3A_369 : memref<625x32xf32, #tpu.memory_space<hbm>>) target(%dma_start3A_367 : memref<625x32xf32, #tpu.memory_space<vmem>>) target_semaphore(%run_scoped3A : memref<!tpu.dma_semaphore, #tpu.memory_space<semaphore_mem>>)
      %dma_wait3A_370 = arith.constant 0 : i32
      %dma_wait3A_371 = arith.constant 0 : i32
      %dma_wait3A_372 = tpu.memref_slice %arg9[%dma_wait3A_370, %dma_wait3A_371] : memref<632x32xf32, #tpu.memory_space<vmem>> -> memref<625x32xf32, #tpu.memory_space<vmem>>
      %dma_wait3A_373 = arith.constant 0 : i32
      %dma_wait3A_374 = tpu.memref_slice %arg2[%mul3A_3, %dma_wait3A_373] : memref<10000x32xf32, #tpu.memory_space<hbm>> -> memref<625x32xf32, #tpu.memory_space<hbm>>
      %dma_wait3A_375 = arith.constant 0 : i32
      %dma_wait3A_376 = arith.constant 0 : i32
      %dma_wait3A_377 = tpu.memref_slice %arg9[%dma_wait3A_375, %dma_wait3A_376] : memref<632x32xf32, #tpu.memory_space<vmem>> -> memref<625x32xf32, #tpu.memory_space<vmem>>
      %dma_wait3A_378 = arith.constant 0 : i32
      %dma_wait3A_379 = tpu.memref_slice %arg2[%mul3A_3, %dma_wait3A_378] : memref<10000x32xf32, #tpu.memory_space<hbm>> -> memref<625x32xf32, #tpu.memory_space<hbm>>
      tpu.wait_dma2 semaphore(%run_scoped3A : memref<!tpu.dma_semaphore, #tpu.memory_space<semaphore_mem>>) src(%dma_wait3A_379 : memref<625x32xf32, #tpu.memory_space<hbm>>) dst(%dma_wait3A_377 : memref<625x32xf32, #tpu.memory_space<vmem>>)
      tpu.yield
    }) : () -> ()
    %mul3A_4 = arith.constant 625 : i32
    %mul3A_5 = arith.muli %arg1, %mul3A_4 : i32
    "tpu.region"() ({
      %run_scoped3A = tpu.sem_alloc : memref<!tpu.dma_semaphore, #tpu.memory_space<semaphore_mem>>
      %dma_start3A_360 = arith.constant 0 : i32
      %dma_start3A_361 = arith.constant 0 : i32
      %dma_start3A_362 = tpu.memref_slice %arg9[%dma_start3A_360, %dma_start3A_361] : memref<632x32xf32, #tpu.memory_space<vmem>> -> memref<625x32xf32, #tpu.memory_space<vmem>>
      %dma_start3A_363 = arith.constant 0 : i32
      %dma_start3A_364 = tpu.memref_slice %arg11[%mul3A_5, %dma_start3A_363] : memref<10000x32xf32, #tpu.memory_space<vmem_shared>> -> memref<625x32xf32, #tpu.memory_space<vmem_shared>>
      %dma_start3A_365 = arith.constant 0 : i32
      %dma_start3A_366 = tpu.memref_slice %arg11[%mul3A_5, %dma_start3A_365] : memref<10000x32xf32, #tpu.memory_space<vmem_shared>> -> memref<625x32xf32, #tpu.memory_space<vmem_shared>>
      %dma_start3A_367 = arith.constant 0 : i32
      %dma_start3A_368 = arith.constant 0 : i32
      %dma_start3A_369 = tpu.memref_slice %arg9[%dma_start3A_367, %dma_start3A_368] : memref<632x32xf32, #tpu.memory_space<vmem>> -> memref<625x32xf32, #tpu.memory_space<vmem>>
      tpu.enqueue_dma source(%dma_start3A_369 : memref<625x32xf32, #tpu.memory_space<vmem>>) target(%dma_start3A_366 : memref<625x32xf32, #tpu.memory_space<vmem_shared>>) target_semaphore(%run_scoped3A : memref<!tpu.dma_semaphore, #tpu.memory_space<semaphore_mem>>)
      %dma_wait3A_370 = arith.constant 0 : i32
      %dma_wait3A_371 = arith.constant 0 : i32
      %dma_wait3A_372 = tpu.memref_slice %arg9[%dma_wait3A_370, %dma_wait3A_371] : memref<632x32xf32, #tpu.memory_space<vmem>> -> memref<625x32xf32, #tpu.memory_space<vmem>>
      %dma_wait3A_373 = arith.constant 0 : i32
      %dma_wait3A_374 = tpu.memref_slice %arg11[%mul3A_5, %dma_wait3A_373] : memref<10000x32xf32, #tpu.memory_space<vmem_shared>> -> memref<625x32xf32, #tpu.memory_space<vmem_shared>>
      %dma_wait3A_375 = arith.constant 0 : i32
      %dma_wait3A_376 = tpu.memref_slice %arg11[%mul3A_5, %dma_wait3A_375] : memref<10000x32xf32, #tpu.memory_space<vmem_shared>> -> memref<625x32xf32, #tpu.memory_space<vmem_shared>>
      %dma_wait3A_377 = arith.constant 0 : i32
      %dma_wait3A_378 = arith.constant 0 : i32
      %dma_wait3A_379 = tpu.memref_slice %arg9[%dma_wait3A_377, %dma_wait3A_378] : memref<632x32xf32, #tpu.memory_space<vmem>> -> memref<625x32xf32, #tpu.memory_space<vmem>>
      tpu.wait_dma2 semaphore(%run_scoped3A : memref<!tpu.dma_semaphore, #tpu.memory_space<semaphore_mem>>) src(%dma_wait3A_379 : memref<625x32xf32, #tpu.memory_space<vmem>>) dst(%dma_wait3A_376 : memref<625x32xf32, #tpu.memory_space<vmem_shared>>)
      tpu.yield
    }) : () -> ()
    %scan3A = arith.constant 0 : i32
    %scan3A_6 = arith.constant 0 : i32
    %scan3A_7 = arith.constant 632 : i32
    %scan3A_8 = arith.addi %scan3A_6, %scan3A_7 : i32
    %scan3A_9 = arith.constant 1 : i32
    %scan3A_10 = scf.for %scan3A_360 = %scan3A_6 to %scan3A_8 step %scan3A_9 iter_args(%scan3A_361 = %scan3A) -> (i32)  : i32 {
      %swap3A = arith.index_cast %scan3A_360 : i32 to index
      %swap3A_362 = arith.constant 0 : index
      %swap3A_363 = tpu.vector_load %arg9[%swap3A, %swap3A_362] {strides = array<i32>} : memref<632x32xf32, #tpu.memory_space<vmem>>, vector<16xf32>,
      tpu.vector_store %arg9[%swap3A, %swap3A_362], %broadcast_in_dim3A_1 {strides = array<i32>} : memref<632x32xf32, #tpu.memory_space<vmem>>, vector<16xf32>,
      %swap3A_364 = arith.index_cast %scan3A_360 : i32 to index
      %swap3A_365 = arith.constant 16 : index
      %swap3A_366 = tpu.vector_load %arg9[%swap3A_364, %swap3A_365] {strides = array<i32>} : memref<632x32xf32, #tpu.memory_space<vmem>>, vector<16xf32>,
      tpu.vector_store %arg9[%swap3A_364, %swap3A_365], %broadcast_in_dim3A_1 {strides = array<i32>} : memref<632x32xf32, #tpu.memory_space<vmem>>, vector<16xf32>,
      %scan3A_367 = arith.constant 0 : i32
      scf.yield %scan3A_367 : i32
    }
    %scan3A_11 = arith.constant 632 : i32
    %mul3A_12 = arith.constant 632 : i32
    %mul3A_13 = arith.muli %arg1, %mul3A_12 : i32
    "tpu.region"() ({
      %run_scoped3A = tpu.sem_alloc : memref<!tpu.dma_semaphore, #tpu.memory_space<semaphore_mem>>
      %dma_start3A_360 = arith.constant 0 : i32
      %dma_start3A_361 = tpu.memref_slice %arg10[%mul3A_13, %dma_start3A_360] : memref<10112x32xf32, #tpu.memory_space<vmem_shared>> -> memref<632x32xf32, #tpu.memory_space<vmem_shared>>
      %dma_start3A_362 = arith.constant 0 : i32
      %dma_start3A_363 = tpu.memref_slice %arg10[%mul3A_13, %dma_start3A_362] : memref<10112x32xf32, #tpu.memory_space<vmem_shared>> -> memref<632x32xf32, #tpu.memory_space<vmem_shared>>
      tpu.enqueue_dma source(%arg9 : memref<632x32xf32, #tpu.memory_space<vmem>>) target(%dma_start3A_363 : memref<632x32xf32, #tpu.memory_space<vmem_shared>>) target_semaphore(%run_scoped3A : memref<!tpu.dma_semaphore, #tpu.memory_space<semaphore_mem>>)
      %dma_wait3A_364 = arith.constant 0 : i32
      %dma_wait3A_365 = tpu.memref_slice %arg10[%mul3A_13, %dma_wait3A_364] : memref<10112x32xf32, #tpu.memory_space<vmem_shared>> -> memref<632x32xf32, #tpu.memory_space<vmem_shared>>
      %dma_wait3A_366 = arith.constant 0 : i32
      %dma_wait3A_367 = tpu.memref_slice %arg10[%mul3A_13, %dma_wait3A_366] : memref<10112x32xf32, #tpu.memory_space<vmem_shared>> -> memref<632x32xf32, #tpu.memory_space<vmem_shared>>
      tpu.wait_dma2 semaphore(%run_scoped3A : memref<!tpu.dma_semaphore, #tpu.memory_space<semaphore_mem>>) src(%arg9 : memref<632x32xf32, #tpu.memory_space<vmem>>) dst(%dma_wait3A_367 : memref<632x32xf32, #tpu.memory_space<vmem_shared>>)
      tpu.yield
    }) : () -> ()
    %barrier3A = arith.constant 0 : index
    tpu.barrier barrier_id(%barrier3A)
    %scan3A_14 = arith.constant 0 : i32
    %scan3A_15 = arith.constant 0 : i32
    %scan3A_16 = arith.constant 9 : i32
    %scan3A_17 = arith.addi %scan3A_15, %scan3A_16 : i32
    %scan3A_18 = arith.constant 1 : i32
    %scan3A_19 = scf.for %scan3A_360 = %scan3A_15 to %scan3A_17 step %scan3A_18 iter_args(%scan3A_361 = %scan3A_14) -> (i32)  : i32 {
      %mul3A_362 = arith.constant 8 : i32
      %mul3A_363 = arith.muli %scan3A_360, %mul3A_362 : i32
      %add3A_364 = arith.constant 0 : i32
      %add3A_365 = arith.addi %mul3A_363, %add3A_364 : i32
      %dma_start3A_366 = arith.constant 0 : i32
      %dma_start3A_367 = arith.constant 0 : i32
      %dma_start3A_368 = arith.constant 0 : i32
      %dma_start3A_369 = tpu.memref_slice %arg8[%dma_start3A_366, %dma_start3A_367, %dma_start3A_368] : memref<8x128x32xf32, #tpu.memory_space<vmem>> -> memref<1x128x32xf32, #tpu.memory_space<vmem>>
      %dma_start3A_370 = tpu.memref_squeeze %dma_start3A_369 : memref<1x128x32xf32, #tpu.memory_space<vmem>> -> memref<128x32xf32, #tpu.memory_space<vmem>>
      %dma_start3A_371 = arith.constant 0 : i32
      %dma_start3A_372 = tpu.memref_slice %arg6[%add3A_365, %dma_start3A_371] : memref<79x128xi32, #tpu.memory_space<vmem>> -> memref<1x128xi32, #tpu.memory_space<vmem>>
      %dma_start3A_373 = tpu.memref_squeeze %dma_start3A_372 : memref<1x128xi32, #tpu.memory_space<vmem>> -> memref<128xi32, #tpu.memory_space<vmem>>
      %dma_start3A_374 = arith.constant 0 : i32
      %dma_start3A_375 = arith.constant 0 : i32
      %dma_start3A_376 = tpu.memref_slice %arg11[%dma_start3A_374, %dma_start3A_375] : memref<10000x32xf32, #tpu.memory_space<vmem_shared>> -> memref<10000x32xf32, #tpu.memory_space<vmem_shared>>
      tpu.enqueue_indirect_dma source(%dma_start3A_376 : memref<10000x32xf32, #tpu.memory_space<vmem_shared>>) target(%dma_start3A_370 : memref<128x32xf32, #tpu.memory_space<vmem>>) offsets(%dma_start3A_373 : memref<128xi32, #tpu.memory_space<vmem>>) semaphore(%arg12 : memref<!tpu.dma_semaphore, #tpu.memory_space<semaphore_mem>>)
      %add3A_377 = arith.constant 1 : i32
      %add3A_378 = arith.addi %mul3A_363, %add3A_377 : i32
      %dma_start3A_379 = arith.constant 1 : i32
      %dma_start3A_380 = arith.constant 0 : i32
      %dma_start3A_381 = arith.constant 0 : i32
      %dma_start3A_382 = tpu.memref_slice %arg8[%dma_start3A_379, %dma_start3A_380, %dma_start3A_381] : memref<8x128x32xf32, #tpu.memory_space<vmem>> -> memref<1x128x32xf32, #tpu.memory_space<vmem>>
      %dma_start3A_383 = tpu.memref_squeeze %dma_start3A_382 : memref<1x128x32xf32, #tpu.memory_space<vmem>> -> memref<128x32xf32, #tpu.memory_space<vmem>>
      %dma_start3A_384 = arith.constant 0 : i32
      %dma_start3A_385 = tpu.memref_slice %arg6[%add3A_378, %dma_start3A_384] : memref<79x128xi32, #tpu.memory_space<vmem>> -> memref<1x128xi32, #tpu.memory_space<vmem>>
      %dma_start3A_386 = tpu.memref_squeeze %dma_start3A_385 : memref<1x128xi32, #tpu.memory_space<vmem>> -> memref<128xi32, #tpu.memory_space<vmem>>
      %dma_start3A_387 = arith.constant 0 : i32
      %dma_start3A_388 = arith.constant 0 : i32
      %dma_start3A_389 = tpu.memref_slice %arg11[%dma_start3A_387, %dma_start3A_388] : memref<10000x32xf32, #tpu.memory_space<vmem_shared>> -> memref<10000x32xf32, #tpu.memory_space<vmem_shared>>
      tpu.enqueue_indirect_dma source(%dma_start3A_389 : memref<10000x32xf32, #tpu.memory_space<vmem_shared>>) target(%dma_start3A_383 : memref<128x32xf32, #tpu.memory_space<vmem>>) offsets(%dma_start3A_386 : memref<128xi32, #tpu.memory_space<vmem>>) semaphore(%arg12 : memref<!tpu.dma_semaphore, #tpu.memory_space<semaphore_mem>>)
      %add3A_390 = arith.constant 2 : i32
      %add3A_391 = arith.addi %mul3A_363, %add3A_390 : i32
      %dma_start3A_392 = arith.constant 2 : i32
      %dma_start3A_393 = arith.constant 0 : i32
      %dma_start3A_394 = arith.constant 0 : i32
      %dma_start3A_395 = tpu.memref_slice %arg8[%dma_start3A_392, %dma_start3A_393, %dma_start3A_394] : memref<8x128x32xf32, #tpu.memory_space<vmem>> -> memref<1x128x32xf32, #tpu.memory_space<vmem>>
      %dma_start3A_396 = tpu.memref_squeeze %dma_start3A_395 : memref<1x128x32xf32, #tpu.memory_space<vmem>> -> memref<128x32xf32, #tpu.memory_space<vmem>>
      %dma_start3A_397 = arith.constant 0 : i32
      %dma_start3A_398 = tpu.memref_slice %arg6[%add3A_391, %dma_start3A_397] : memref<79x128xi32, #tpu.memory_space<vmem>> -> memref<1x128xi32, #tpu.memory_space<vmem>>
      %dma_start3A_399 = tpu.memref_squeeze %dma_start3A_398 : memref<1x128xi32, #tpu.memory_space<vmem>> -> memref<128xi32, #tpu.memory_space<vmem>>
      %dma_start3A_400 = arith.constant 0 : i32
      %dma_start3A_401 = arith.constant 0 : i32
      %dma_start3A_402 = tpu.memref_slice %arg11[%dma_start3A_400, %dma_start3A_401] : memref<10000x32xf32, #tpu.memory_space<vmem_shared>> -> memref<10000x32xf32, #tpu.memory_space<vmem_shared>>
      tpu.enqueue_indirect_dma source(%dma_start3A_402 : memref<10000x32xf32, #tpu.memory_space<vmem_shared>>) target(%dma_start3A_396 : memref<128x32xf32, #tpu.memory_space<vmem>>) offsets(%dma_start3A_399 : memref<128xi32, #tpu.memory_space<vmem>>) semaphore(%arg12 : memref<!tpu.dma_semaphore, #tpu.memory_space<semaphore_mem>>)
      %add3A_403 = arith.constant 3 : i32
      %add3A_404 = arith.addi %mul3A_363, %add3A_403 : i32
      %dma_start3A_405 = arith.constant 3 : i32
      %dma_start3A_406 = arith.constant 0 : i32
      %dma_start3A_407 = arith.constant 0 : i32
      %dma_start3A_408 = tpu.memref_slice %arg8[%dma_start3A_405, %dma_start3A_406, %dma_start3A_407] : memref<8x128x32xf32, #tpu.memory_space<vmem>> -> memref<1x128x32xf32, #tpu.memory_space<vmem>>
      %dma_start3A_409 = tpu.memref_squeeze %dma_start3A_408 : memref<1x128x32xf32, #tpu.memory_space<vmem>> -> memref<128x32xf32, #tpu.memory_space<vmem>>
      %dma_start3A_410 = arith.constant 0 : i32
      %dma_start3A_411 = tpu.memref_slice %arg6[%add3A_404, %dma_start3A_410] : memref<79x128xi32, #tpu.memory_space<vmem>> -> memref<1x128xi32, #tpu.memory_space<vmem>>
      %dma_start3A_412 = tpu.memref_squeeze %dma_start3A_411 : memref<1x128xi32, #tpu.memory_space<vmem>> -> memref<128xi32, #tpu.memory_space<vmem>>
      %dma_start3A_413 = arith.constant 0 : i32
      %dma_start3A_414 = arith.constant 0 : i32
      %dma_start3A_415 = tpu.memref_slice %arg11[%dma_start3A_413, %dma_start3A_414] : memref<10000x32xf32, #tpu.memory_space<vmem_shared>> -> memref<10000x32xf32, #tpu.memory_space<vmem_shared>>
      tpu.enqueue_indirect_dma source(%dma_start3A_415 : memref<10000x32xf32, #tpu.memory_space<vmem_shared>>) target(%dma_start3A_409 : memref<128x32xf32, #tpu.memory_space<vmem>>) offsets(%dma_start3A_412 : memref<128xi32, #tpu.memory_space<vmem>>) semaphore(%arg12 : memref<!tpu.dma_semaphore, #tpu.memory_space<semaphore_mem>>)
      %add3A_416 = arith.constant 4 : i32
      %add3A_417 = arith.addi %mul3A_363, %add3A_416 : i32
      %dma_start3A_418 = arith.constant 4 : i32
      %dma_start3A_419 = arith.constant 0 : i32
      %dma_start3A_420 = arith.constant 0 : i32
      %dma_start3A_421 = tpu.memref_slice %arg8[%dma_start3A_418, %dma_start3A_419, %dma_start3A_420] : memref<8x128x32xf32, #tpu.memory_space<vmem>> -> memref<1x128x32xf32, #tpu.memory_space<vmem>>
      %dma_start3A_422 = tpu.memref_squeeze %dma_start3A_421 : memref<1x128x32xf32, #tpu.memory_space<vmem>> -> memref<128x32xf32, #tpu.memory_space<vmem>>
      %dma_start3A_423 = arith.constant 0 : i32
      %dma_start3A_424 = tpu.memref_slice %arg6[%add3A_417, %dma_start3A_423] : memref<79x128xi32, #tpu.memory_space<vmem>> -> memref<1x128xi32, #tpu.memory_space<vmem>>
      %dma_start3A_425 = tpu.memref_squeeze %dma_start3A_424 : memref<1x128xi32, #tpu.memory_space<vmem>> -> memref<128xi32, #tpu.memory_space<vmem>>
      %dma_start3A_426 = arith.constant 0 : i32
      %dma_start3A_427 = arith.constant 0 : i32
      %dma_start3A_428 = tpu.memref_slice %arg11[%dma_start3A_426, %dma_start3A_427] : memref<10000x32xf32, #tpu.memory_space<vmem_shared>> -> memref<10000x32xf32, #tpu.memory_space<vmem_shared>>
      tpu.enqueue_indirect_dma source(%dma_start3A_428 : memref<10000x32xf32, #tpu.memory_space<vmem_shared>>) target(%dma_start3A_422 : memref<128x32xf32, #tpu.memory_space<vmem>>) offsets(%dma_start3A_425 : memref<128xi32, #tpu.memory_space<vmem>>) semaphore(%arg12 : memref<!tpu.dma_semaphore, #tpu.memory_space<semaphore_mem>>)
      %add3A_429 = arith.constant 5 : i32
      %add3A_430 = arith.addi %mul3A_363, %add3A_429 : i32
      %dma_start3A_431 = arith.constant 5 : i32
      %dma_start3A_432 = arith.constant 0 : i32
      %dma_start3A_433 = arith.constant 0 : i32
      %dma_start3A_434 = tpu.memref_slice %arg8[%dma_start3A_431, %dma_start3A_432, %dma_start3A_433] : memref<8x128x32xf32, #tpu.memory_space<vmem>> -> memref<1x128x32xf32, #tpu.memory_space<vmem>>
      %dma_start3A_435 = tpu.memref_squeeze %dma_start3A_434 : memref<1x128x32xf32, #tpu.memory_space<vmem>> -> memref<128x32xf32, #tpu.memory_space<vmem>>
      %dma_start3A_436 = arith.constant 0 : i32
      %dma_start3A_437 = tpu.memref_slice %arg6[%add3A_430, %dma_start3A_436] : memref<79x128xi32, #tpu.memory_space<vmem>> -> memref<1x128xi32, #tpu.memory_space<vmem>>
      %dma_start3A_438 = tpu.memref_squeeze %dma_start3A_437 : memref<1x128xi32, #tpu.memory_space<vmem>> -> memref<128xi32, #tpu.memory_space<vmem>>
      %dma_start3A_439 = arith.constant 0 : i32
      %dma_start3A_440 = arith.constant 0 : i32
      %dma_start3A_441 = tpu.memref_slice %arg11[%dma_start3A_439, %dma_start3A_440] : memref<10000x32xf32, #tpu.memory_space<vmem_shared>> -> memref<10000x32xf32, #tpu.memory_space<vmem_shared>>
      tpu.enqueue_indirect_dma source(%dma_start3A_441 : memref<10000x32xf32, #tpu.memory_space<vmem_shared>>) target(%dma_start3A_435 : memref<128x32xf32, #tpu.memory_space<vmem>>) offsets(%dma_start3A_438 : memref<128xi32, #tpu.memory_space<vmem>>) semaphore(%arg12 : memref<!tpu.dma_semaphore, #tpu.memory_space<semaphore_mem>>)
      %add3A_442 = arith.constant 6 : i32
      %add3A_443 = arith.addi %mul3A_363, %add3A_442 : i32
      %dma_start3A_444 = arith.constant 6 : i32
      %dma_start3A_445 = arith.constant 0 : i32
      %dma_start3A_446 = arith.constant 0 : i32
      %dma_start3A_447 = tpu.memref_slice %arg8[%dma_start3A_444, %dma_start3A_445, %dma_start3A_446] : memref<8x128x32xf32, #tpu.memory_space<vmem>> -> memref<1x128x32xf32, #tpu.memory_space<vmem>>
      %dma_start3A_448 = tpu.memref_squeeze %dma_start3A_447 : memref<1x128x32xf32, #tpu.memory_space<vmem>> -> memref<128x32xf32, #tpu.memory_space<vmem>>
      %dma_start3A_449 = arith.constant 0 : i32
      %dma_start3A_450 = tpu.memref_slice %arg6[%add3A_443, %dma_start3A_449] : memref<79x128xi32, #tpu.memory_space<vmem>> -> memref<1x128xi32, #tpu.memory_space<vmem>>
      %dma_start3A_451 = tpu.memref_squeeze %dma_start3A_450 : memref<1x128xi32, #tpu.memory_space<vmem>> -> memref<128xi32, #tpu.memory_space<vmem>>
      %dma_start3A_452 = arith.constant 0 : i32
      %dma_start3A_453 = arith.constant 0 : i32
      %dma_start3A_454 = tpu.memref_slice %arg11[%dma_start3A_452, %dma_start3A_453] : memref<10000x32xf32, #tpu.memory_space<vmem_shared>> -> memref<10000x32xf32, #tpu.memory_space<vmem_shared>>
      tpu.enqueue_indirect_dma source(%dma_start3A_454 : memref<10000x32xf32, #tpu.memory_space<vmem_shared>>) target(%dma_start3A_448 : memref<128x32xf32, #tpu.memory_space<vmem>>) offsets(%dma_start3A_451 : memref<128xi32, #tpu.memory_space<vmem>>) semaphore(%arg12 : memref<!tpu.dma_semaphore, #tpu.memory_space<semaphore_mem>>)
      %add3A_455 = arith.constant 7 : i32
      %add3A_456 = arith.addi %mul3A_363, %add3A_455 : i32
      %dma_start3A_457 = arith.constant 7 : i32
      %dma_start3A_458 = arith.constant 0 : i32
      %dma_start3A_459 = arith.constant 0 : i32
      %dma_start3A_460 = tpu.memref_slice %arg8[%dma_start3A_457, %dma_start3A_458, %dma_start3A_459] : memref<8x128x32xf32, #tpu.memory_space<vmem>> -> memref<1x128x32xf32, #tpu.memory_space<vmem>>
      %dma_start3A_461 = tpu.memref_squeeze %dma_start3A_460 : memref<1x128x32xf32, #tpu.memory_space<vmem>> -> memref<128x32xf32, #tpu.memory_space<vmem>>
      %dma_start3A_462 = arith.constant 0 : i32
      %dma_start3A_463 = tpu.memref_slice %arg6[%add3A_456, %dma_start3A_462] : memref<79x128xi32, #tpu.memory_space<vmem>> -> memref<1x128xi32, #tpu.memory_space<vmem>>
      %dma_start3A_464 = tpu.memref_squeeze %dma_start3A_463 : memref<1x128xi32, #tpu.memory_space<vmem>> -> memref<128xi32, #tpu.memory_space<vmem>>
      %dma_start3A_465 = arith.constant 0 : i32
      %dma_start3A_466 = arith.constant 0 : i32
      %dma_start3A_467 = tpu.memref_slice %arg11[%dma_start3A_465, %dma_start3A_466] : memref<10000x32xf32, #tpu.memory_space<vmem_shared>> -> memref<10000x32xf32, #tpu.memory_space<vmem_shared>>
      tpu.enqueue_indirect_dma source(%dma_start3A_467 : memref<10000x32xf32, #tpu.memory_space<vmem_shared>>) target(%dma_start3A_461 : memref<128x32xf32, #tpu.memory_space<vmem>>) offsets(%dma_start3A_464 : memref<128xi32, #tpu.memory_space<vmem>>) semaphore(%arg12 : memref<!tpu.dma_semaphore, #tpu.memory_space<semaphore_mem>>)
      %dma_wait3A_468 = arith.constant 0 : i32
      %dma_wait3A_469 = arith.constant 0 : i32
      %dma_wait3A_470 = arith.constant 0 : i32
      %dma_wait3A_471 = tpu.memref_slice %arg8[%dma_wait3A_468, %dma_wait3A_469, %dma_wait3A_470] : memref<8x128x32xf32, #tpu.memory_space<vmem>> -> memref<1x128x32xf32, #tpu.memory_space<vmem>>
      %dma_wait3A_472 = tpu.memref_squeeze %dma_wait3A_471 : memref<1x128x32xf32, #tpu.memory_space<vmem>> -> memref<128x32xf32, #tpu.memory_space<vmem>>
      %dma_wait3A_473 = arith.constant 0 : i32
      %dma_wait3A_474 = tpu.memref_slice %arg6[%add3A_365, %dma_wait3A_473] : memref<79x128xi32, #tpu.memory_space<vmem>> -> memref<1x128xi32, #tpu.memory_space<vmem>>
      %dma_wait3A_475 = tpu.memref_squeeze %dma_wait3A_474 : memref<1x128xi32, #tpu.memory_space<vmem>> -> memref<128xi32, #tpu.memory_space<vmem>>
      %dma_wait3A_476 = arith.constant 0 : i32
      %dma_wait3A_477 = arith.constant 0 : i32
      %dma_wait3A_478 = tpu.memref_slice %arg11[%dma_wait3A_476, %dma_wait3A_477] : memref<10000x32xf32, #tpu.memory_space<vmem_shared>> -> memref<10000x32xf32, #tpu.memory_space<vmem_shared>>
      tpu.wait_indirect_dma semaphore(%arg12 : memref<!tpu.dma_semaphore, #tpu.memory_space<semaphore_mem>>) src(%dma_wait3A_478 : memref<10000x32xf32, #tpu.memory_space<vmem_shared>>) dst(%dma_wait3A_472 : memref<128x32xf32, #tpu.memory_space<vmem>>)
      %dma_wait3A_479 = arith.constant 1 : i32
      %dma_wait3A_480 = arith.constant 0 : i32
      %dma_wait3A_481 = arith.constant 0 : i32
      %dma_wait3A_482 = tpu.memref_slice %arg8[%dma_wait3A_479, %dma_wait3A_480, %dma_wait3A_481] : memref<8x128x32xf32, #tpu.memory_space<vmem>> -> memref<1x128x32xf32, #tpu.memory_space<vmem>>
      %dma_wait3A_483 = tpu.memref_squeeze %dma_wait3A_482 : memref<1x128x32xf32, #tpu.memory_space<vmem>> -> memref<128x32xf32, #tpu.memory_space<vmem>>
      %dma_wait3A_484 = arith.constant 0 : i32
      %dma_wait3A_485 = tpu.memref_slice %arg6[%add3A_378, %dma_wait3A_484] : memref<79x128xi32, #tpu.memory_space<vmem>> -> memref<1x128xi32, #tpu.memory_space<vmem>>
      %dma_wait3A_486 = tpu.memref_squeeze %dma_wait3A_485 : memref<1x128xi32, #tpu.memory_space<vmem>> -> memref<128xi32, #tpu.memory_space<vmem>>
      %dma_wait3A_487 = arith.constant 0 : i32
      %dma_wait3A_488 = arith.constant 0 : i32
      %dma_wait3A_489 = tpu.memref_slice %arg11[%dma_wait3A_487, %dma_wait3A_488] : memref<10000x32xf32, #tpu.memory_space<vmem_shared>> -> memref<10000x32xf32, #tpu.memory_space<vmem_shared>>
      tpu.wait_indirect_dma semaphore(%arg12 : memref<!tpu.dma_semaphore, #tpu.memory_space<semaphore_mem>>) src(%dma_wait3A_489 : memref<10000x32xf32, #tpu.memory_space<vmem_shared>>) dst(%dma_wait3A_483 : memref<128x32xf32, #tpu.memory_space<vmem>>)
      %dma_wait3A_490 = arith.constant 2 : i32
      %dma_wait3A_491 = arith.constant 0 : i32
      %dma_wait3A_492 = arith.constant 0 : i32
      %dma_wait3A_493 = tpu.memref_slice %arg8[%dma_wait3A_490, %dma_wait3A_491, %dma_wait3A_492] : memref<8x128x32xf32, #tpu.memory_space<vmem>> -> memref<1x128x32xf32, #tpu.memory_space<vmem>>
      %dma_wait3A_494 = tpu.memref_squeeze %dma_wait3A_493 : memref<1x128x32xf32, #tpu.memory_space<vmem>> -> memref<128x32xf32, #tpu.memory_space<vmem>>
      %dma_wait3A_495 = arith.constant 0 : i32
      %dma_wait3A_496 = tpu.memref_slice %arg6[%add3A_391, %dma_wait3A_495] : memref<79x128xi32, #tpu.memory_space<vmem>> -> memref<1x128xi32, #tpu.memory_space<vmem>>
      %dma_wait3A_497 = tpu.memref_squeeze %dma_wait3A_496 : memref<1x128xi32, #tpu.memory_space<vmem>> -> memref<128xi32, #tpu.memory_space<vmem>>
      %dma_wait3A_498 = arith.constant 0 : i32
      %dma_wait3A_499 = arith.constant 0 : i32
      %dma_wait3A_500 = tpu.memref_slice %arg11[%dma_wait3A_498, %dma_wait3A_499] : memref<10000x32xf32, #tpu.memory_space<vmem_shared>> -> memref<10000x32xf32, #tpu.memory_space<vmem_shared>>
      tpu.wait_indirect_dma semaphore(%arg12 : memref<!tpu.dma_semaphore, #tpu.memory_space<semaphore_mem>>) src(%dma_wait3A_500 : memref<10000x32xf32, #tpu.memory_space<vmem_shared>>) dst(%dma_wait3A_494 : memref<128x32xf32, #tpu.memory_space<vmem>>)
      %dma_wait3A_501 = arith.constant 3 : i32
      %dma_wait3A_502 = arith.constant 0 : i32
      %dma_wait3A_503 = arith.constant 0 : i32
      %dma_wait3A_504 = tpu.memref_slice %arg8[%dma_wait3A_501, %dma_wait3A_502, %dma_wait3A_503] : memref<8x128x32xf32, #tpu.memory_space<vmem>> -> memref<1x128x32xf32, #tpu.memory_space<vmem>>
      %dma_wait3A_505 = tpu.memref_squeeze %dma_wait3A_504 : memref<1x128x32xf32, #tpu.memory_space<vmem>> -> memref<128x32xf32, #tpu.memory_space<vmem>>
      %dma_wait3A_506 = arith.constant 0 : i32
      %dma_wait3A_507 = tpu.memref_slice %arg6[%add3A_404, %dma_wait3A_506] : memref<79x128xi32, #tpu.memory_space<vmem>> -> memref<1x128xi32, #tpu.memory_space<vmem>>
      %dma_wait3A_508 = tpu.memref_squeeze %dma_wait3A_507 : memref<1x128xi32, #tpu.memory_space<vmem>> -> memref<128xi32, #tpu.memory_space<vmem>>
      %dma_wait3A_509 = arith.constant 0 : i32
      %dma_wait3A_510 = arith.constant 0 : i32
      %dma_wait3A_511 = tpu.memref_slice %arg11[%dma_wait3A_509, %dma_wait3A_510] : memref<10000x32xf32, #tpu.memory_space<vmem_shared>> -> memref<10000x32xf32, #tpu.memory_space<vmem_shared>>
      tpu.wait_indirect_dma semaphore(%arg12 : memref<!tpu.dma_semaphore, #tpu.memory_space<semaphore_mem>>) src(%dma_wait3A_511 : memref<10000x32xf32, #tpu.memory_space<vmem_shared>>) dst(%dma_wait3A_505 : memref<128x32xf32, #tpu.memory_space<vmem>>)
      %dma_wait3A_512 = arith.constant 4 : i32
      %dma_wait3A_513 = arith.constant 0 : i32
      %dma_wait3A_514 = arith.constant 0 : i32
      %dma_wait3A_515 = tpu.memref_slice %arg8[%dma_wait3A_512, %dma_wait3A_513, %dma_wait3A_514] : memref<8x128x32xf32, #tpu.memory_space<vmem>> -> memref<1x128x32xf32, #tpu.memory_space<vmem>>
      %dma_wait3A_516 = tpu.memref_squeeze %dma_wait3A_515 : memref<1x128x32xf32, #tpu.memory_space<vmem>> -> memref<128x32xf32, #tpu.memory_space<vmem>>
      %dma_wait3A_517 = arith.constant 0 : i32
      %dma_wait3A_518 = tpu.memref_slice %arg6[%add3A_417, %dma_wait3A_517] : memref<79x128xi32, #tpu.memory_space<vmem>> -> memref<1x128xi32, #tpu.memory_space<vmem>>
      %dma_wait3A_519 = tpu.memref_squeeze %dma_wait3A_518 : memref<1x128xi32, #tpu.memory_space<vmem>> -> memref<128xi32, #tpu.memory_space<vmem>>
      %dma_wait3A_520 = arith.constant 0 : i32
      %dma_wait3A_521 = arith.constant 0 : i32
      %dma_wait3A_522 = tpu.memref_slice %arg11[%dma_wait3A_520, %dma_wait3A_521] : memref<10000x32xf32, #tpu.memory_space<vmem_shared>> -> memref<10000x32xf32, #tpu.memory_space<vmem_shared>>
      tpu.wait_indirect_dma semaphore(%arg12 : memref<!tpu.dma_semaphore, #tpu.memory_space<semaphore_mem>>) src(%dma_wait3A_522 : memref<10000x32xf32, #tpu.memory_space<vmem_shared>>) dst(%dma_wait3A_516 : memref<128x32xf32, #tpu.memory_space<vmem>>)
      %dma_wait3A_523 = arith.constant 5 : i32
      %dma_wait3A_524 = arith.constant 0 : i32
      %dma_wait3A_525 = arith.constant 0 : i32
      %dma_wait3A_526 = tpu.memref_slice %arg8[%dma_wait3A_523, %dma_wait3A_524, %dma_wait3A_525] : memref<8x128x32xf32, #tpu.memory_space<vmem>> -> memref<1x128x32xf32, #tpu.memory_space<vmem>>
      %dma_wait3A_527 = tpu.memref_squeeze %dma_wait3A_526 : memref<1x128x32xf32, #tpu.memory_space<vmem>> -> memref<128x32xf32, #tpu.memory_space<vmem>>
      %dma_wait3A_528 = arith.constant 0 : i32
      %dma_wait3A_529 = tpu.memref_slice %arg6[%add3A_430, %dma_wait3A_528] : memref<79x128xi32, #tpu.memory_space<vmem>> -> memref<1x128xi32, #tpu.memory_space<vmem>>
      %dma_wait3A_530 = tpu.memref_squeeze %dma_wait3A_529 : memref<1x128xi32, #tpu.memory_space<vmem>> -> memref<128xi32, #tpu.memory_space<vmem>>
      %dma_wait3A_531 = arith.constant 0 : i32
      %dma_wait3A_532 = arith.constant 0 : i32
      %dma_wait3A_533 = tpu.memref_slice %arg11[%dma_wait3A_531, %dma_wait3A_532] : memref<10000x32xf32, #tpu.memory_space<vmem_shared>> -> memref<10000x32xf32, #tpu.memory_space<vmem_shared>>
      tpu.wait_indirect_dma semaphore(%arg12 : memref<!tpu.dma_semaphore, #tpu.memory_space<semaphore_mem>>) src(%dma_wait3A_533 : memref<10000x32xf32, #tpu.memory_space<vmem_shared>>) dst(%dma_wait3A_527 : memref<128x32xf32, #tpu.memory_space<vmem>>)
      %dma_wait3A_534 = arith.constant 6 : i32
      %dma_wait3A_535 = arith.constant 0 : i32
      %dma_wait3A_536 = arith.constant 0 : i32
      %dma_wait3A_537 = tpu.memref_slice %arg8[%dma_wait3A_534, %dma_wait3A_535, %dma_wait3A_536] : memref<8x128x32xf32, #tpu.memory_space<vmem>> -> memref<1x128x32xf32, #tpu.memory_space<vmem>>
      %dma_wait3A_538 = tpu.memref_squeeze %dma_wait3A_537 : memref<1x128x32xf32, #tpu.memory_space<vmem>> -> memref<128x32xf32, #tpu.memory_space<vmem>>
      %dma_wait3A_539 = arith.constant 0 : i32
      %dma_wait3A_540 = tpu.memref_slice %arg6[%add3A_443, %dma_wait3A_539] : memref<79x128xi32, #tpu.memory_space<vmem>> -> memref<1x128xi32, #tpu.memory_space<vmem>>
      %dma_wait3A_541 = tpu.memref_squeeze %dma_wait3A_540 : memref<1x128xi32, #tpu.memory_space<vmem>> -> memref<128xi32, #tpu.memory_space<vmem>>
      %dma_wait3A_542 = arith.constant 0 : i32
      %dma_wait3A_543 = arith.constant 0 : i32
      %dma_wait3A_544 = tpu.memref_slice %arg11[%dma_wait3A_542, %dma_wait3A_543] : memref<10000x32xf32, #tpu.memory_space<vmem_shared>> -> memref<10000x32xf32, #tpu.memory_space<vmem_shared>>
      tpu.wait_indirect_dma semaphore(%arg12 : memref<!tpu.dma_semaphore, #tpu.memory_space<semaphore_mem>>) src(%dma_wait3A_544 : memref<10000x32xf32, #tpu.memory_space<vmem_shared>>) dst(%dma_wait3A_538 : memref<128x32xf32, #tpu.memory_space<vmem>>)
      %dma_wait3A_545 = arith.constant 7 : i32
      %dma_wait3A_546 = arith.constant 0 : i32
      %dma_wait3A_547 = arith.constant 0 : i32
      %dma_wait3A_548 = tpu.memref_slice %arg8[%dma_wait3A_545, %dma_wait3A_546, %dma_wait3A_547] : memref<8x128x32xf32, #tpu.memory_space<vmem>> -> memref<1x128x32xf32, #tpu.memory_space<vmem>>
      %dma_wait3A_549 = tpu.memref_squeeze %dma_wait3A_548 : memref<1x128x32xf32, #tpu.memory_space<vmem>> -> memref<128x32xf32, #tpu.memory_space<vmem>>
      %dma_wait3A_550 = arith.constant 0 : i32
      %dma_wait3A_551 = tpu.memref_slice %arg6[%add3A_456, %dma_wait3A_550] : memref<79x128xi32, #tpu.memory_space<vmem>> -> memref<1x128xi32, #tpu.memory_space<vmem>>
      %dma_wait3A_552 = tpu.memref_squeeze %dma_wait3A_551 : memref<1x128xi32, #tpu.memory_space<vmem>> -> memref<128xi32, #tpu.memory_space<vmem>>
      %dma_wait3A_553 = arith.constant 0 : i32
      %dma_wait3A_554 = arith.constant 0 : i32
      %dma_wait3A_555 = tpu.memref_slice %arg11[%dma_wait3A_553, %dma_wait3A_554] : memref<10000x32xf32, #tpu.memory_space<vmem_shared>> -> memref<10000x32xf32, #tpu.memory_space<vmem_shared>>
      tpu.wait_indirect_dma semaphore(%arg12 : memref<!tpu.dma_semaphore, #tpu.memory_space<semaphore_mem>>) src(%dma_wait3A_555 : memref<10000x32xf32, #tpu.memory_space<vmem_shared>>) dst(%dma_wait3A_549 : memref<128x32xf32, #tpu.memory_space<vmem>>)
      %add3A_556 = arith.constant 0 : i32
      %add3A_557 = arith.addi %mul3A_363, %add3A_556 : i32
      %dma_start3A_558 = arith.constant 0 : i32
      %dma_start3A_559 = arith.constant 0 : i32
      %dma_start3A_560 = arith.constant 0 : i32
      %dma_start3A_561 = tpu.memref_slice %arg8[%dma_start3A_558, %dma_start3A_559, %dma_start3A_560] : memref<8x128x32xf32, #tpu.memory_space<vmem>> -> memref<1x128x32xf32, #tpu.memory_space<vmem>>
      %dma_start3A_562 = tpu.memref_squeeze %dma_start3A_561 : memref<1x128x32xf32, #tpu.memory_space<vmem>> -> memref<128x32xf32, #tpu.memory_space<vmem>>
      %dma_start3A_563 = arith.constant 0 : i32
      %dma_start3A_564 = tpu.memref_slice %arg7[%add3A_557, %dma_start3A_563] : memref<79x128xi32, #tpu.memory_space<vmem>> -> memref<1x128xi32, #tpu.memory_space<vmem>>
      %dma_start3A_565 = tpu.memref_squeeze %dma_start3A_564 : memref<1x128xi32, #tpu.memory_space<vmem>> -> memref<128xi32, #tpu.memory_space<vmem>>
      %dma_start3A_566 = arith.constant 0 : i32
      %dma_start3A_567 = arith.constant 0 : i32
      %dma_start3A_568 = tpu.memref_slice %arg10[%dma_start3A_566, %dma_start3A_567] : memref<10112x32xf32, #tpu.memory_space<vmem_shared>> -> memref<10112x32xf32, #tpu.memory_space<vmem_shared>>
      tpu.enqueue_indirect_dma source(%dma_start3A_562 : memref<128x32xf32, #tpu.memory_space<vmem>>) target(%dma_start3A_568 : memref<10112x32xf32, #tpu.memory_space<vmem_shared>>) offsets(%dma_start3A_565 : memref<128xi32, #tpu.memory_space<vmem>>) semaphore(%arg13 : memref<!tpu.dma_semaphore, #tpu.memory_space<semaphore_mem>>) {add = true}
      %add3A_569 = arith.constant 1 : i32
      %add3A_570 = arith.addi %mul3A_363, %add3A_569 : i32
      %dma_start3A_571 = arith.constant 1 : i32
      %dma_start3A_572 = arith.constant 0 : i32
      %dma_start3A_573 = arith.constant 0 : i32
      %dma_start3A_574 = tpu.memref_slice %arg8[%dma_start3A_571, %dma_start3A_572, %dma_start3A_573] : memref<8x128x32xf32, #tpu.memory_space<vmem>> -> memref<1x128x32xf32, #tpu.memory_space<vmem>>
      %dma_start3A_575 = tpu.memref_squeeze %dma_start3A_574 : memref<1x128x32xf32, #tpu.memory_space<vmem>> -> memref<128x32xf32, #tpu.memory_space<vmem>>
      %dma_start3A_576 = arith.constant 0 : i32
      %dma_start3A_577 = tpu.memref_slice %arg7[%add3A_570, %dma_start3A_576] : memref<79x128xi32, #tpu.memory_space<vmem>> -> memref<1x128xi32, #tpu.memory_space<vmem>>
      %dma_start3A_578 = tpu.memref_squeeze %dma_start3A_577 : memref<1x128xi32, #tpu.memory_space<vmem>> -> memref<128xi32, #tpu.memory_space<vmem>>
      %dma_start3A_579 = arith.constant 0 : i32
      %dma_start3A_580 = arith.constant 0 : i32
      %dma_start3A_581 = tpu.memref_slice %arg10[%dma_start3A_579, %dma_start3A_580] : memref<10112x32xf32, #tpu.memory_space<vmem_shared>> -> memref<10112x32xf32, #tpu.memory_space<vmem_shared>>
      tpu.enqueue_indirect_dma source(%dma_start3A_575 : memref<128x32xf32, #tpu.memory_space<vmem>>) target(%dma_start3A_581 : memref<10112x32xf32, #tpu.memory_space<vmem_shared>>) offsets(%dma_start3A_578 : memref<128xi32, #tpu.memory_space<vmem>>) semaphore(%arg13 : memref<!tpu.dma_semaphore, #tpu.memory_space<semaphore_mem>>) {add = true}
      %add3A_582 = arith.constant 2 : i32
      %add3A_583 = arith.addi %mul3A_363, %add3A_582 : i32
      %dma_start3A_584 = arith.constant 2 : i32
      %dma_start3A_585 = arith.constant 0 : i32
      %dma_start3A_586 = arith.constant 0 : i32
      %dma_start3A_587 = tpu.memref_slice %arg8[%dma_start3A_584, %dma_start3A_585, %dma_start3A_586] : memref<8x128x32xf32, #tpu.memory_space<vmem>> -> memref<1x128x32xf32, #tpu.memory_space<vmem>>
      %dma_start3A_588 = tpu.memref_squeeze %dma_start3A_587 : memref<1x128x32xf32, #tpu.memory_space<vmem>> -> memref<128x32xf32, #tpu.memory_space<vmem>>
      %dma_start3A_589 = arith.constant 0 : i32
      %dma_start3A_590 = tpu.memref_slice %arg7[%add3A_583, %dma_start3A_589] : memref<79x128xi32, #tpu.memory_space<vmem>> -> memref<1x128xi32, #tpu.memory_space<vmem>>
      %dma_start3A_591 = tpu.memref_squeeze %dma_start3A_590 : memref<1x128xi32, #tpu.memory_space<vmem>> -> memref<128xi32, #tpu.memory_space<vmem>>
      %dma_start3A_592 = arith.constant 0 : i32
      %dma_start3A_593 = arith.constant 0 : i32
      %dma_start3A_594 = tpu.memref_slice %arg10[%dma_start3A_592, %dma_start3A_593] : memref<10112x32xf32, #tpu.memory_space<vmem_shared>> -> memref<10112x32xf32, #tpu.memory_space<vmem_shared>>
      tpu.enqueue_indirect_dma source(%dma_start3A_588 : memref<128x32xf32, #tpu.memory_space<vmem>>) target(%dma_start3A_594 : memref<10112x32xf32, #tpu.memory_space<vmem_shared>>) offsets(%dma_start3A_591 : memref<128xi32, #tpu.memory_space<vmem>>) semaphore(%arg13 : memref<!tpu.dma_semaphore, #tpu.memory_space<semaphore_mem>>) {add = true}
      %add3A_595 = arith.constant 3 : i32
      %add3A_596 = arith.addi %mul3A_363, %add3A_595 : i32
      %dma_start3A_597 = arith.constant 3 : i32
      %dma_start3A_598 = arith.constant 0 : i32
      %dma_start3A_599 = arith.constant 0 : i32
      %dma_start3A_600 = tpu.memref_slice %arg8[%dma_start3A_597, %dma_start3A_598, %dma_start3A_599] : memref<8x128x32xf32, #tpu.memory_space<vmem>> -> memref<1x128x32xf32, #tpu.memory_space<vmem>>
      %dma_start3A_601 = tpu.memref_squeeze %dma_start3A_600 : memref<1x128x32xf32, #tpu.memory_space<vmem>> -> memref<128x32xf32, #tpu.memory_space<vmem>>
      %dma_start3A_602 = arith.constant 0 : i32
      %dma_start3A_603 = tpu.memref_slice %arg7[%add3A_596, %dma_start3A_602] : memref<79x128xi32, #tpu.memory_space<vmem>> -> memref<1x128xi32, #tpu.memory_space<vmem>>
      %dma_start3A_604 = tpu.memref_squeeze %dma_start3A_603 : memref<1x128xi32, #tpu.memory_space<vmem>> -> memref<128xi32, #tpu.memory_space<vmem>>
      %dma_start3A_605 = arith.constant 0 : i32
      %dma_start3A_606 = arith.constant 0 : i32
      %dma_start3A_607 = tpu.memref_slice %arg10[%dma_start3A_605, %dma_start3A_606] : memref<10112x32xf32, #tpu.memory_space<vmem_shared>> -> memref<10112x32xf32, #tpu.memory_space<vmem_shared>>
      tpu.enqueue_indirect_dma source(%dma_start3A_601 : memref<128x32xf32, #tpu.memory_space<vmem>>) target(%dma_start3A_607 : memref<10112x32xf32, #tpu.memory_space<vmem_shared>>) offsets(%dma_start3A_604 : memref<128xi32, #tpu.memory_space<vmem>>) semaphore(%arg13 : memref<!tpu.dma_semaphore, #tpu.memory_space<semaphore_mem>>) {add = true}
      %add3A_608 = arith.constant 4 : i32
      %add3A_609 = arith.addi %mul3A_363, %add3A_608 : i32
      %dma_start3A_610 = arith.constant 4 : i32
      %dma_start3A_611 = arith.constant 0 : i32
      %dma_start3A_612 = arith.constant 0 : i32
      %dma_start3A_613 = tpu.memref_slice %arg8[%dma_start3A_610, %dma_start3A_611, %dma_start3A_612] : memref<8x128x32xf32, #tpu.memory_space<vmem>> -> memref<1x128x32xf32, #tpu.memory_space<vmem>>
      %dma_start3A_614 = tpu.memref_squeeze %dma_start3A_613 : memref<1x128x32xf32, #tpu.memory_space<vmem>> -> memref<128x32xf32, #tpu.memory_space<vmem>>
      %dma_start3A_615 = arith.constant 0 : i32
      %dma_start3A_616 = tpu.memref_slice %arg7[%add3A_609, %dma_start3A_615] : memref<79x128xi32, #tpu.memory_space<vmem>> -> memref<1x128xi32, #tpu.memory_space<vmem>>
      %dma_start3A_617 = tpu.memref_squeeze %dma_start3A_616 : memref<1x128xi32, #tpu.memory_space<vmem>> -> memref<128xi32, #tpu.memory_space<vmem>>
      %dma_start3A_618 = arith.constant 0 : i32
      %dma_start3A_619 = arith.constant 0 : i32
      %dma_start3A_620 = tpu.memref_slice %arg10[%dma_start3A_618, %dma_start3A_619] : memref<10112x32xf32, #tpu.memory_space<vmem_shared>> -> memref<10112x32xf32, #tpu.memory_space<vmem_shared>>
      tpu.enqueue_indirect_dma source(%dma_start3A_614 : memref<128x32xf32, #tpu.memory_space<vmem>>) target(%dma_start3A_620 : memref<10112x32xf32, #tpu.memory_space<vmem_shared>>) offsets(%dma_start3A_617 : memref<128xi32, #tpu.memory_space<vmem>>) semaphore(%arg13 : memref<!tpu.dma_semaphore, #tpu.memory_space<semaphore_mem>>) {add = true}
      %add3A_621 = arith.constant 5 : i32
      %add3A_622 = arith.addi %mul3A_363, %add3A_621 : i32
      %dma_start3A_623 = arith.constant 5 : i32
      %dma_start3A_624 = arith.constant 0 : i32
      %dma_start3A_625 = arith.constant 0 : i32
      %dma_start3A_626 = tpu.memref_slice %arg8[%dma_start3A_623, %dma_start3A_624, %dma_start3A_625] : memref<8x128x32xf32, #tpu.memory_space<vmem>> -> memref<1x128x32xf32, #tpu.memory_space<vmem>>
      %dma_start3A_627 = tpu.memref_squeeze %dma_start3A_626 : memref<1x128x32xf32, #tpu.memory_space<vmem>> -> memref<128x32xf32, #tpu.memory_space<vmem>>
      %dma_start3A_628 = arith.constant 0 : i32
      %dma_start3A_629 = tpu.memref_slice %arg7[%add3A_622, %dma_start3A_628] : memref<79x128xi32, #tpu.memory_space<vmem>> -> memref<1x128xi32, #tpu.memory_space<vmem>>
      %dma_start3A_630 = tpu.memref_squeeze %dma_start3A_629 : memref<1x128xi32, #tpu.memory_space<vmem>> -> memref<128xi32, #tpu.memory_space<vmem>>
      %dma_start3A_631 = arith.constant 0 : i32
      %dma_start3A_632 = arith.constant 0 : i32
      %dma_start3A_633 = tpu.memref_slice %arg10[%dma_start3A_631, %dma_start3A_632] : memref<10112x32xf32, #tpu.memory_space<vmem_shared>> -> memref<10112x32xf32, #tpu.memory_space<vmem_shared>>
      tpu.enqueue_indirect_dma source(%dma_start3A_627 : memref<128x32xf32, #tpu.memory_space<vmem>>) target(%dma_start3A_633 : memref<10112x32xf32, #tpu.memory_space<vmem_shared>>) offsets(%dma_start3A_630 : memref<128xi32, #tpu.memory_space<vmem>>) semaphore(%arg13 : memref<!tpu.dma_semaphore, #tpu.memory_space<semaphore_mem>>) {add = true}
      %add3A_634 = arith.constant 6 : i32
      %add3A_635 = arith.addi %mul3A_363, %add3A_634 : i32
      %dma_start3A_636 = arith.constant 6 : i32
      %dma_start3A_637 = arith.constant 0 : i32
      %dma_start3A_638 = arith.constant 0 : i32
      %dma_start3A_639 = tpu.memref_slice %arg8[%dma_start3A_636, %dma_start3A_637, %dma_start3A_638] : memref<8x128x32xf32, #tpu.memory_space<vmem>> -> memref<1x128x32xf32, #tpu.memory_space<vmem>>
      %dma_start3A_640 = tpu.memref_squeeze %dma_start3A_639 : memref<1x128x32xf32, #tpu.memory_space<vmem>> -> memref<128x32xf32, #tpu.memory_space<vmem>>
      %dma_start3A_641 = arith.constant 0 : i32
      %dma_start3A_642 = tpu.memref_slice %arg7[%add3A_635, %dma_start3A_641] : memref<79x128xi32, #tpu.memory_space<vmem>> -> memref<1x128xi32, #tpu.memory_space<vmem>>
      %dma_start3A_643 = tpu.memref_squeeze %dma_start3A_642 : memref<1x128xi32, #tpu.memory_space<vmem>> -> memref<128xi32, #tpu.memory_space<vmem>>
      %dma_start3A_644 = arith.constant 0 : i32
      %dma_start3A_645 = arith.constant 0 : i32
      %dma_start3A_646 = tpu.memref_slice %arg10[%dma_start3A_644, %dma_start3A_645] : memref<10112x32xf32, #tpu.memory_space<vmem_shared>> -> memref<10112x32xf32, #tpu.memory_space<vmem_shared>>
      tpu.enqueue_indirect_dma source(%dma_start3A_640 : memref<128x32xf32, #tpu.memory_space<vmem>>) target(%dma_start3A_646 : memref<10112x32xf32, #tpu.memory_space<vmem_shared>>) offsets(%dma_start3A_643 : memref<128xi32, #tpu.memory_space<vmem>>) semaphore(%arg13 : memref<!tpu.dma_semaphore, #tpu.memory_space<semaphore_mem>>) {add = true}
      %add3A_647 = arith.constant 7 : i32
      %add3A_648 = arith.addi %mul3A_363, %add3A_647 : i32
      %dma_start3A_649 = arith.constant 7 : i32
      %dma_start3A_650 = arith.constant 0 : i32
      %dma_start3A_651 = arith.constant 0 : i32
      %dma_start3A_652 = tpu.memref_slice %arg8[%dma_start3A_649, %dma_start3A_650, %dma_start3A_651] : memref<8x128x32xf32, #tpu.memory_space<vmem>> -> memref<1x128x32xf32, #tpu.memory_space<vmem>>
      %dma_start3A_653 = tpu.memref_squeeze %dma_start3A_652 : memref<1x128x32xf32, #tpu.memory_space<vmem>> -> memref<128x32xf32, #tpu.memory_space<vmem>>
      %dma_start3A_654 = arith.constant 0 : i32
      %dma_start3A_655 = tpu.memref_slice %arg7[%add3A_648, %dma_start3A_654] : memref<79x128xi32, #tpu.memory_space<vmem>> -> memref<1x128xi32, #tpu.memory_space<vmem>>
      %dma_start3A_656 = tpu.memref_squeeze %dma_start3A_655 : memref<1x128xi32, #tpu.memory_space<vmem>> -> memref<128xi32, #tpu.memory_space<vmem>>
      %dma_start3A_657 = arith.constant 0 : i32
      %dma_start3A_658 = arith.constant 0 : i32
      %dma_start3A_659 = tpu.memref_slice %arg10[%dma_start3A_657, %dma_start3A_658] : memref<10112x32xf32, #tpu.memory_space<vmem_shared>> -> memref<10112x32xf32, #tpu.memory_space<vmem_shared>>
      tpu.enqueue_indirect_dma source(%dma_start3A_653 : memref<128x32xf32, #tpu.memory_space<vmem>>) target(%dma_start3A_659 : memref<10112x32xf32, #tpu.memory_space<vmem_shared>>) offsets(%dma_start3A_656 : memref<128xi32, #tpu.memory_space<vmem>>) semaphore(%arg13 : memref<!tpu.dma_semaphore, #tpu.memory_space<semaphore_mem>>) {add = true}
      %dma_wait3A_660 = arith.constant 0 : i32
      %dma_wait3A_661 = arith.constant 0 : i32
      %dma_wait3A_662 = arith.constant 0 : i32
      %dma_wait3A_663 = tpu.memref_slice %arg8[%dma_wait3A_660, %dma_wait3A_661, %dma_wait3A_662] : memref<8x128x32xf32, #tpu.memory_space<vmem>> -> memref<1x128x32xf32, #tpu.memory_space<vmem>>
      %dma_wait3A_664 = tpu.memref_squeeze %dma_wait3A_663 : memref<1x128x32xf32, #tpu.memory_space<vmem>> -> memref<128x32xf32, #tpu.memory_space<vmem>>
      %dma_wait3A_665 = arith.constant 0 : i32
      %dma_wait3A_666 = tpu.memref_slice %arg7[%add3A_557, %dma_wait3A_665] : memref<79x128xi32, #tpu.memory_space<vmem>> -> memref<1x128xi32, #tpu.memory_space<vmem>>
      %dma_wait3A_667 = tpu.memref_squeeze %dma_wait3A_666 : memref<1x128xi32, #tpu.memory_space<vmem>> -> memref<128xi32, #tpu.memory_space<vmem>>
      %dma_wait3A_668 = arith.constant 0 : i32
      %dma_wait3A_669 = arith.constant 0 : i32
      %dma_wait3A_670 = tpu.memref_slice %arg10[%dma_wait3A_668, %dma_wait3A_669] : memref<10112x32xf32, #tpu.memory_space<vmem_shared>> -> memref<10112x32xf32, #tpu.memory_space<vmem_shared>>
      tpu.wait_indirect_dma semaphore(%arg13 : memref<!tpu.dma_semaphore, #tpu.memory_space<semaphore_mem>>) src(%dma_wait3A_664 : memref<128x32xf32, #tpu.memory_space<vmem>>) dst(%dma_wait3A_670 : memref<10112x32xf32, #tpu.memory_space<vmem_shared>>)
      %dma_wait3A_671 = arith.constant 1 : i32
      %dma_wait3A_672 = arith.constant 0 : i32
      %dma_wait3A_673 = arith.constant 0 : i32
      %dma_wait3A_674 = tpu.memref_slice %arg8[%dma_wait3A_671, %dma_wait3A_672, %dma_wait3A_673] : memref<8x128x32xf32, #tpu.memory_space<vmem>> -> memref<1x128x32xf32, #tpu.memory_space<vmem>>
      %dma_wait3A_675 = tpu.memref_squeeze %dma_wait3A_674 : memref<1x128x32xf32, #tpu.memory_space<vmem>> -> memref<128x32xf32, #tpu.memory_space<vmem>>
      %dma_wait3A_676 = arith.constant 0 : i32
      %dma_wait3A_677 = tpu.memref_slice %arg7[%add3A_570, %dma_wait3A_676] : memref<79x128xi32, #tpu.memory_space<vmem>> -> memref<1x128xi32, #tpu.memory_space<vmem>>
      %dma_wait3A_678 = tpu.memref_squeeze %dma_wait3A_677 : memref<1x128xi32, #tpu.memory_space<vmem>> -> memref<128xi32, #tpu.memory_space<vmem>>
      %dma_wait3A_679 = arith.constant 0 : i32
      %dma_wait3A_680 = arith.constant 0 : i32
      %dma_wait3A_681 = tpu.memref_slice %arg10[%dma_wait3A_679, %dma_wait3A_680] : memref<10112x32xf32, #tpu.memory_space<vmem_shared>> -> memref<10112x32xf32, #tpu.memory_space<vmem_shared>>
      tpu.wait_indirect_dma semaphore(%arg13 : memref<!tpu.dma_semaphore, #tpu.memory_space<semaphore_mem>>) src(%dma_wait3A_675 : memref<128x32xf32, #tpu.memory_space<vmem>>) dst(%dma_wait3A_681 : memref<10112x32xf32, #tpu.memory_space<vmem_shared>>)
      %dma_wait3A_682 = arith.constant 2 : i32
      %dma_wait3A_683 = arith.constant 0 : i32
      %dma_wait3A_684 = arith.constant 0 : i32
      %dma_wait3A_685 = tpu.memref_slice %arg8[%dma_wait3A_682, %dma_wait3A_683, %dma_wait3A_684] : memref<8x128x32xf32, #tpu.memory_space<vmem>> -> memref<1x128x32xf32, #tpu.memory_space<vmem>>
      %dma_wait3A_686 = tpu.memref_squeeze %dma_wait3A_685 : memref<1x128x32xf32, #tpu.memory_space<vmem>> -> memref<128x32xf32, #tpu.memory_space<vmem>>
      %dma_wait3A_687 = arith.constant 0 : i32
      %dma_wait3A_688 = tpu.memref_slice %arg7[%add3A_583, %dma_wait3A_687] : memref<79x128xi32, #tpu.memory_space<vmem>> -> memref<1x128xi32, #tpu.memory_space<vmem>>
      %dma_wait3A_689 = tpu.memref_squeeze %dma_wait3A_688 : memref<1x128xi32, #tpu.memory_space<vmem>> -> memref<128xi32, #tpu.memory_space<vmem>>
      %dma_wait3A_690 = arith.constant 0 : i32
      %dma_wait3A_691 = arith.constant 0 : i32
      %dma_wait3A_692 = tpu.memref_slice %arg10[%dma_wait3A_690, %dma_wait3A_691] : memref<10112x32xf32, #tpu.memory_space<vmem_shared>> -> memref<10112x32xf32, #tpu.memory_space<vmem_shared>>
      tpu.wait_indirect_dma semaphore(%arg13 : memref<!tpu.dma_semaphore, #tpu.memory_space<semaphore_mem>>) src(%dma_wait3A_686 : memref<128x32xf32, #tpu.memory_space<vmem>>) dst(%dma_wait3A_692 : memref<10112x32xf32, #tpu.memory_space<vmem_shared>>)
      %dma_wait3A_693 = arith.constant 3 : i32
      %dma_wait3A_694 = arith.constant 0 : i32
      %dma_wait3A_695 = arith.constant 0 : i32
      %dma_wait3A_696 = tpu.memref_slice %arg8[%dma_wait3A_693, %dma_wait3A_694, %dma_wait3A_695] : memref<8x128x32xf32, #tpu.memory_space<vmem>> -> memref<1x128x32xf32, #tpu.memory_space<vmem>>
      %dma_wait3A_697 = tpu.memref_squeeze %dma_wait3A_696 : memref<1x128x32xf32, #tpu.memory_space<vmem>> -> memref<128x32xf32, #tpu.memory_space<vmem>>
      %dma_wait3A_698 = arith.constant 0 : i32
      %dma_wait3A_699 = tpu.memref_slice %arg7[%add3A_596, %dma_wait3A_698] : memref<79x128xi32, #tpu.memory_space<vmem>> -> memref<1x128xi32, #tpu.memory_space<vmem>>
      %dma_wait3A_700 = tpu.memref_squeeze %dma_wait3A_699 : memref<1x128xi32, #tpu.memory_space<vmem>> -> memref<128xi32, #tpu.memory_space<vmem>>
      %dma_wait3A_701 = arith.constant 0 : i32
      %dma_wait3A_702 = arith.constant 0 : i32
      %dma_wait3A_703 = tpu.memref_slice %arg10[%dma_wait3A_701, %dma_wait3A_702] : memref<10112x32xf32, #tpu.memory_space<vmem_shared>> -> memref<10112x32xf32, #tpu.memory_space<vmem_shared>>
      tpu.wait_indirect_dma semaphore(%arg13 : memref<!tpu.dma_semaphore, #tpu.memory_space<semaphore_mem>>) src(%dma_wait3A_697 : memref<128x32xf32, #tpu.memory_space<vmem>>) dst(%dma_wait3A_703 : memref<10112x32xf32, #tpu.memory_space<vmem_shared>>)
      %dma_wait3A_704 = arith.constant 4 : i32
      %dma_wait3A_705 = arith.constant 0 : i32
      %dma_wait3A_706 = arith.constant 0 : i32
      %dma_wait3A_707 = tpu.memref_slice %arg8[%dma_wait3A_704, %dma_wait3A_705, %dma_wait3A_706] : memref<8x128x32xf32, #tpu.memory_space<vmem>> -> memref<1x128x32xf32, #tpu.memory_space<vmem>>
      %dma_wait3A_708 = tpu.memref_squeeze %dma_wait3A_707 : memref<1x128x32xf32, #tpu.memory_space<vmem>> -> memref<128x32xf32, #tpu.memory_space<vmem>>
      %dma_wait3A_709 = arith.constant 0 : i32
      %dma_wait3A_710 = tpu.memref_slice %arg7[%add3A_609, %dma_wait3A_709] : memref<79x128xi32, #tpu.memory_space<vmem>> -> memref<1x128xi32, #tpu.memory_space<vmem>>
      %dma_wait3A_711 = tpu.memref_squeeze %dma_wait3A_710 : memref<1x128xi32, #tpu.memory_space<vmem>> -> memref<128xi32, #tpu.memory_space<vmem>>
      %dma_wait3A_712 = arith.constant 0 : i32
      %dma_wait3A_713 = arith.constant 0 : i32
      %dma_wait3A_714 = tpu.memref_slice %arg10[%dma_wait3A_712, %dma_wait3A_713] : memref<10112x32xf32, #tpu.memory_space<vmem_shared>> -> memref<10112x32xf32, #tpu.memory_space<vmem_shared>>
      tpu.wait_indirect_dma semaphore(%arg13 : memref<!tpu.dma_semaphore, #tpu.memory_space<semaphore_mem>>) src(%dma_wait3A_708 : memref<128x32xf32, #tpu.memory_space<vmem>>) dst(%dma_wait3A_714 : memref<10112x32xf32, #tpu.memory_space<vmem_shared>>)
      %dma_wait3A_715 = arith.constant 5 : i32
      %dma_wait3A_716 = arith.constant 0 : i32
      %dma_wait3A_717 = arith.constant 0 : i32
      %dma_wait3A_718 = tpu.memref_slice %arg8[%dma_wait3A_715, %dma_wait3A_716, %dma_wait3A_717] : memref<8x128x32xf32, #tpu.memory_space<vmem>> -> memref<1x128x32xf32, #tpu.memory_space<vmem>>
      %dma_wait3A_719 = tpu.memref_squeeze %dma_wait3A_718 : memref<1x128x32xf32, #tpu.memory_space<vmem>> -> memref<128x32xf32, #tpu.memory_space<vmem>>
      %dma_wait3A_720 = arith.constant 0 : i32
      %dma_wait3A_721 = tpu.memref_slice %arg7[%add3A_622, %dma_wait3A_720] : memref<79x128xi32, #tpu.memory_space<vmem>> -> memref<1x128xi32, #tpu.memory_space<vmem>>
      %dma_wait3A_722 = tpu.memref_squeeze %dma_wait3A_721 : memref<1x128xi32, #tpu.memory_space<vmem>> -> memref<128xi32, #tpu.memory_space<vmem>>
      %dma_wait3A_723 = arith.constant 0 : i32
      %dma_wait3A_724 = arith.constant 0 : i32
      %dma_wait3A_725 = tpu.memref_slice %arg10[%dma_wait3A_723, %dma_wait3A_724] : memref<10112x32xf32, #tpu.memory_space<vmem_shared>> -> memref<10112x32xf32, #tpu.memory_space<vmem_shared>>
      tpu.wait_indirect_dma semaphore(%arg13 : memref<!tpu.dma_semaphore, #tpu.memory_space<semaphore_mem>>) src(%dma_wait3A_719 : memref<128x32xf32, #tpu.memory_space<vmem>>) dst(%dma_wait3A_725 : memref<10112x32xf32, #tpu.memory_space<vmem_shared>>)
      %dma_wait3A_726 = arith.constant 6 : i32
      %dma_wait3A_727 = arith.constant 0 : i32
      %dma_wait3A_728 = arith.constant 0 : i32
      %dma_wait3A_729 = tpu.memref_slice %arg8[%dma_wait3A_726, %dma_wait3A_727, %dma_wait3A_728] : memref<8x128x32xf32, #tpu.memory_space<vmem>> -> memref<1x128x32xf32, #tpu.memory_space<vmem>>
      %dma_wait3A_730 = tpu.memref_squeeze %dma_wait3A_729 : memref<1x128x32xf32, #tpu.memory_space<vmem>> -> memref<128x32xf32, #tpu.memory_space<vmem>>
      %dma_wait3A_731 = arith.constant 0 : i32
      %dma_wait3A_732 = tpu.memref_slice %arg7[%add3A_635, %dma_wait3A_731] : memref<79x128xi32, #tpu.memory_space<vmem>> -> memref<1x128xi32, #tpu.memory_space<vmem>>
      %dma_wait3A_733 = tpu.memref_squeeze %dma_wait3A_732 : memref<1x128xi32, #tpu.memory_space<vmem>> -> memref<128xi32, #tpu.memory_space<vmem>>
      %dma_wait3A_734 = arith.constant 0 : i32
      %dma_wait3A_735 = arith.constant 0 : i32
      %dma_wait3A_736 = tpu.memref_slice %arg10[%dma_wait3A_734, %dma_wait3A_735] : memref<10112x32xf32, #tpu.memory_space<vmem_shared>> -> memref<10112x32xf32, #tpu.memory_space<vmem_shared>>
      tpu.wait_indirect_dma semaphore(%arg13 : memref<!tpu.dma_semaphore, #tpu.memory_space<semaphore_mem>>) src(%dma_wait3A_730 : memref<128x32xf32, #tpu.memory_space<vmem>>) dst(%dma_wait3A_736 : memref<10112x32xf32, #tpu.memory_space<vmem_shared>>)
      %dma_wait3A_737 = arith.constant 7 : i32
      %dma_wait3A_738 = arith.constant 0 : i32
      %dma_wait3A_739 = arith.constant 0 : i32
      %dma_wait3A_740 = tpu.memref_slice %arg8[%dma_wait3A_737, %dma_wait3A_738, %dma_wait3A_739] : memref<8x128x32xf32, #tpu.memory_space<vmem>> -> memref<1x128x32xf32, #tpu.memory_space<vmem>>
      %dma_wait3A_741 = tpu.memref_squeeze %dma_wait3A_740 : memref<1x128x32xf32, #tpu.memory_space<vmem>> -> memref<128x32xf32, #tpu.memory_space<vmem>>
      %dma_wait3A_742 = arith.constant 0 : i32
      %dma_wait3A_743 = tpu.memref_slice %arg7[%add3A_648, %dma_wait3A_742] : memref<79x128xi32, #tpu.memory_space<vmem>> -> memref<1x128xi32, #tpu.memory_space<vmem>>
      %dma_wait3A_744 = tpu.memref_squeeze %dma_wait3A_743 : memref<1x128xi32, #tpu.memory_space<vmem>> -> memref<128xi32, #tpu.memory_space<vmem>>
      %dma_wait3A_745 = arith.constant 0 : i32
      %dma_wait3A_746 = arith.constant 0 : i32
      %dma_wait3A_747 = tpu.memref_slice %arg10[%dma_wait3A_745, %dma_wait3A_746] : memref<10112x32xf32, #tpu.memory_space<vmem_shared>> -> memref<10112x32xf32, #tpu.memory_space<vmem_shared>>
      tpu.wait_indirect_dma semaphore(%arg13 : memref<!tpu.dma_semaphore, #tpu.memory_space<semaphore_mem>>) src(%dma_wait3A_741 : memref<128x32xf32, #tpu.memory_space<vmem>>) dst(%dma_wait3A_747 : memref<10112x32xf32, #tpu.memory_space<vmem_shared>>)
      %scan3A_748 = arith.constant 0 : i32
      scf.yield %scan3A_748 : i32
    }
    %scan3A_20 = arith.constant 9 : i32
    %dma_start3A = arith.constant 72 : i32
    %dma_start3A_21 = arith.constant 0 : i32
    %dma_start3A_22 = arith.constant 0 : i32
    %dma_start3A_23 = arith.constant 0 : i32
    %dma_start3A_24 = tpu.memref_slice %arg8[%dma_start3A_21, %dma_start3A_22, %dma_start3A_23] : memref<8x128x32xf32, #tpu.memory_space<vmem>> -> memref<1x128x32xf32, #tpu.memory_space<vmem>>
    %dma_start3A_25 = tpu.memref_squeeze %dma_start3A_24 : memref<1x128x32xf32, #tpu.memory_space<vmem>> -> memref<128x32xf32, #tpu.memory_space<vmem>>
    %dma_start3A_26 = arith.constant 0 : i32
    %dma_start3A_27 = tpu.memref_slice %arg6[%dma_start3A, %dma_start3A_26] : memref<79x128xi32, #tpu.memory_space<vmem>> -> memref<1x128xi32, #tpu.memory_space<vmem>>
    %dma_start3A_28 = tpu.memref_squeeze %dma_start3A_27 : memref<1x128xi32, #tpu.memory_space<vmem>> -> memref<128xi32, #tpu.memory_space<vmem>>
    %dma_start3A_29 = arith.constant 0 : i32
    %dma_start3A_30 = arith.constant 0 : i32
    %dma_start3A_31 = tpu.memref_slice %arg11[%dma_start3A_29, %dma_start3A_30] : memref<10000x32xf32, #tpu.memory_space<vmem_shared>> -> memref<10000x32xf32, #tpu.memory_space<vmem_shared>>
    tpu.enqueue_indirect_dma source(%dma_start3A_31 : memref<10000x32xf32, #tpu.memory_space<vmem_shared>>) target(%dma_start3A_25 : memref<128x32xf32, #tpu.memory_space<vmem>>) offsets(%dma_start3A_28 : memref<128xi32, #tpu.memory_space<vmem>>) semaphore(%arg12 : memref<!tpu.dma_semaphore, #tpu.memory_space<semaphore_mem>>)
    %dma_start3A_32 = arith.constant 73 : i32
    %dma_start3A_33 = arith.constant 1 : i32
    %dma_start3A_34 = arith.constant 0 : i32
    %dma_start3A_35 = arith.constant 0 : i32
    %dma_start3A_36 = tpu.memref_slice %arg8[%dma_start3A_33, %dma_start3A_34, %dma_start3A_35] : memref<8x128x32xf32, #tpu.memory_space<vmem>> -> memref<1x128x32xf32, #tpu.memory_space<vmem>>
    %dma_start3A_37 = tpu.memref_squeeze %dma_start3A_36 : memref<1x128x32xf32, #tpu.memory_space<vmem>> -> memref<128x32xf32, #tpu.memory_space<vmem>>
    %dma_start3A_38 = arith.constant 0 : i32
    %dma_start3A_39 = tpu.memref_slice %arg6[%dma_start3A_32, %dma_start3A_38] : memref<79x128xi32, #tpu.memory_space<vmem>> -> memref<1x128xi32, #tpu.memory_space<vmem>>
    %dma_start3A_40 = tpu.memref_squeeze %dma_start3A_39 : memref<1x128xi32, #tpu.memory_space<vmem>> -> memref<128xi32, #tpu.memory_space<vmem>>
    %dma_start3A_41 = arith.constant 0 : i32
    %dma_start3A_42 = arith.constant 0 : i32
    %dma_start3A_43 = tpu.memref_slice %arg11[%dma_start3A_41, %dma_start3A_42] : memref<10000x32xf32, #tpu.memory_space<vmem_shared>> -> memref<10000x32xf32, #tpu.memory_space<vmem_shared>>
    tpu.enqueue_indirect_dma source(%dma_start3A_43 : memref<10000x32xf32, #tpu.memory_space<vmem_shared>>) target(%dma_start3A_37 : memref<128x32xf32, #tpu.memory_space<vmem>>) offsets(%dma_start3A_40 : memref<128xi32, #tpu.memory_space<vmem>>) semaphore(%arg12 : memref<!tpu.dma_semaphore, #tpu.memory_space<semaphore_mem>>)
    %dma_start3A_44 = arith.constant 74 : i32
    %dma_start3A_45 = arith.constant 2 : i32
    %dma_start3A_46 = arith.constant 0 : i32
    %dma_start3A_47 = arith.constant 0 : i32
    %dma_start3A_48 = tpu.memref_slice %arg8[%dma_start3A_45, %dma_start3A_46, %dma_start3A_47] : memref<8x128x32xf32, #tpu.memory_space<vmem>> -> memref<1x128x32xf32, #tpu.memory_space<vmem>>
    %dma_start3A_49 = tpu.memref_squeeze %dma_start3A_48 : memref<1x128x32xf32, #tpu.memory_space<vmem>> -> memref<128x32xf32, #tpu.memory_space<vmem>>
    %dma_start3A_50 = arith.constant 0 : i32
    %dma_start3A_51 = tpu.memref_slice %arg6[%dma_start3A_44, %dma_start3A_50] : memref<79x128xi32, #tpu.memory_space<vmem>> -> memref<1x128xi32, #tpu.memory_space<vmem>>
    %dma_start3A_52 = tpu.memref_squeeze %dma_start3A_51 : memref<1x128xi32, #tpu.memory_space<vmem>> -> memref<128xi32, #tpu.memory_space<vmem>>
    %dma_start3A_53 = arith.constant 0 : i32
    %dma_start3A_54 = arith.constant 0 : i32
    %dma_start3A_55 = tpu.memref_slice %arg11[%dma_start3A_53, %dma_start3A_54] : memref<10000x32xf32, #tpu.memory_space<vmem_shared>> -> memref<10000x32xf32, #tpu.memory_space<vmem_shared>>
    tpu.enqueue_indirect_dma source(%dma_start3A_55 : memref<10000x32xf32, #tpu.memory_space<vmem_shared>>) target(%dma_start3A_49 : memref<128x32xf32, #tpu.memory_space<vmem>>) offsets(%dma_start3A_52 : memref<128xi32, #tpu.memory_space<vmem>>) semaphore(%arg12 : memref<!tpu.dma_semaphore, #tpu.memory_space<semaphore_mem>>)
    %dma_start3A_56 = arith.constant 75 : i32
    %dma_start3A_57 = arith.constant 3 : i32
    %dma_start3A_58 = arith.constant 0 : i32
    %dma_start3A_59 = arith.constant 0 : i32
    %dma_start3A_60 = tpu.memref_slice %arg8[%dma_start3A_57, %dma_start3A_58, %dma_start3A_59] : memref<8x128x32xf32, #tpu.memory_space<vmem>> -> memref<1x128x32xf32, #tpu.memory_space<vmem>>
    %dma_start3A_61 = tpu.memref_squeeze %dma_start3A_60 : memref<1x128x32xf32, #tpu.memory_space<vmem>> -> memref<128x32xf32, #tpu.memory_space<vmem>>
    %dma_start3A_62 = arith.constant 0 : i32
    %dma_start3A_63 = tpu.memref_slice %arg6[%dma_start3A_56, %dma_start3A_62] : memref<79x128xi32, #tpu.memory_space<vmem>> -> memref<1x128xi32, #tpu.memory_space<vmem>>
    %dma_start3A_64 = tpu.memref_squeeze %dma_start3A_63 : memref<1x128xi32, #tpu.memory_space<vmem>> -> memref<128xi32, #tpu.memory_space<vmem>>
    %dma_start3A_65 = arith.constant 0 : i32
    %dma_start3A_66 = arith.constant 0 : i32
    %dma_start3A_67 = tpu.memref_slice %arg11[%dma_start3A_65, %dma_start3A_66] : memref<10000x32xf32, #tpu.memory_space<vmem_shared>> -> memref<10000x32xf32, #tpu.memory_space<vmem_shared>>
    tpu.enqueue_indirect_dma source(%dma_start3A_67 : memref<10000x32xf32, #tpu.memory_space<vmem_shared>>) target(%dma_start3A_61 : memref<128x32xf32, #tpu.memory_space<vmem>>) offsets(%dma_start3A_64 : memref<128xi32, #tpu.memory_space<vmem>>) semaphore(%arg12 : memref<!tpu.dma_semaphore, #tpu.memory_space<semaphore_mem>>)
    %dma_start3A_68 = arith.constant 76 : i32
    %dma_start3A_69 = arith.constant 4 : i32
    %dma_start3A_70 = arith.constant 0 : i32
    %dma_start3A_71 = arith.constant 0 : i32
    %dma_start3A_72 = tpu.memref_slice %arg8[%dma_start3A_69, %dma_start3A_70, %dma_start3A_71] : memref<8x128x32xf32, #tpu.memory_space<vmem>> -> memref<1x128x32xf32, #tpu.memory_space<vmem>>
    %dma_start3A_73 = tpu.memref_squeeze %dma_start3A_72 : memref<1x128x32xf32, #tpu.memory_space<vmem>> -> memref<128x32xf32, #tpu.memory_space<vmem>>
    %dma_start3A_74 = arith.constant 0 : i32
    %dma_start3A_75 = tpu.memref_slice %arg6[%dma_start3A_68, %dma_start3A_74] : memref<79x128xi32, #tpu.memory_space<vmem>> -> memref<1x128xi32, #tpu.memory_space<vmem>>
    %dma_start3A_76 = tpu.memref_squeeze %dma_start3A_75 : memref<1x128xi32, #tpu.memory_space<vmem>> -> memref<128xi32, #tpu.memory_space<vmem>>
    %dma_start3A_77 = arith.constant 0 : i32
    %dma_start3A_78 = arith.constant 0 : i32
    %dma_start3A_79 = tpu.memref_slice %arg11[%dma_start3A_77, %dma_start3A_78] : memref<10000x32xf32, #tpu.memory_space<vmem_shared>> -> memref<10000x32xf32, #tpu.memory_space<vmem_shared>>
    tpu.enqueue_indirect_dma source(%dma_start3A_79 : memref<10000x32xf32, #tpu.memory_space<vmem_shared>>) target(%dma_start3A_73 : memref<128x32xf32, #tpu.memory_space<vmem>>) offsets(%dma_start3A_76 : memref<128xi32, #tpu.memory_space<vmem>>) semaphore(%arg12 : memref<!tpu.dma_semaphore, #tpu.memory_space<semaphore_mem>>)
    %dma_start3A_80 = arith.constant 77 : i32
    %dma_start3A_81 = arith.constant 5 : i32
    %dma_start3A_82 = arith.constant 0 : i32
    %dma_start3A_83 = arith.constant 0 : i32
    %dma_start3A_84 = tpu.memref_slice %arg8[%dma_start3A_81, %dma_start3A_82, %dma_start3A_83] : memref<8x128x32xf32, #tpu.memory_space<vmem>> -> memref<1x128x32xf32, #tpu.memory_space<vmem>>
    %dma_start3A_85 = tpu.memref_squeeze %dma_start3A_84 : memref<1x128x32xf32, #tpu.memory_space<vmem>> -> memref<128x32xf32, #tpu.memory_space<vmem>>
    %dma_start3A_86 = arith.constant 0 : i32
    %dma_start3A_87 = tpu.memref_slice %arg6[%dma_start3A_80, %dma_start3A_86] : memref<79x128xi32, #tpu.memory_space<vmem>> -> memref<1x128xi32, #tpu.memory_space<vmem>>
    %dma_start3A_88 = tpu.memref_squeeze %dma_start3A_87 : memref<1x128xi32, #tpu.memory_space<vmem>> -> memref<128xi32, #tpu.memory_space<vmem>>
    %dma_start3A_89 = arith.constant 0 : i32
    %dma_start3A_90 = arith.constant 0 : i32
    %dma_start3A_91 = tpu.memref_slice %arg11[%dma_start3A_89, %dma_start3A_90] : memref<10000x32xf32, #tpu.memory_space<vmem_shared>> -> memref<10000x32xf32, #tpu.memory_space<vmem_shared>>
    tpu.enqueue_indirect_dma source(%dma_start3A_91 : memref<10000x32xf32, #tpu.memory_space<vmem_shared>>) target(%dma_start3A_85 : memref<128x32xf32, #tpu.memory_space<vmem>>) offsets(%dma_start3A_88 : memref<128xi32, #tpu.memory_space<vmem>>) semaphore(%arg12 : memref<!tpu.dma_semaphore, #tpu.memory_space<semaphore_mem>>)
    %dma_start3A_92 = arith.constant 78 : i32
    %dma_start3A_93 = arith.constant 6 : i32
    %dma_start3A_94 = arith.constant 0 : i32
    %dma_start3A_95 = arith.constant 0 : i32
    %dma_start3A_96 = tpu.memref_slice %arg8[%dma_start3A_93, %dma_start3A_94, %dma_start3A_95] : memref<8x128x32xf32, #tpu.memory_space<vmem>> -> memref<1x128x32xf32, #tpu.memory_space<vmem>>
    %dma_start3A_97 = tpu.memref_squeeze %dma_start3A_96 : memref<1x128x32xf32, #tpu.memory_space<vmem>> -> memref<128x32xf32, #tpu.memory_space<vmem>>
    %dma_start3A_98 = arith.constant 0 : i32
    %dma_start3A_99 = tpu.memref_slice %arg6[%dma_start3A_92, %dma_start3A_98] : memref<79x128xi32, #tpu.memory_space<vmem>> -> memref<1x128xi32, #tpu.memory_space<vmem>>
    %dma_start3A_100 = tpu.memref_squeeze %dma_start3A_99 : memref<1x128xi32, #tpu.memory_space<vmem>> -> memref<128xi32, #tpu.memory_space<vmem>>
    %dma_start3A_101 = arith.constant 0 : i32
    %dma_start3A_102 = arith.constant 0 : i32
    %dma_start3A_103 = tpu.memref_slice %arg11[%dma_start3A_101, %dma_start3A_102] : memref<10000x32xf32, #tpu.memory_space<vmem_shared>> -> memref<10000x32xf32, #tpu.memory_space<vmem_shared>>
    tpu.enqueue_indirect_dma source(%dma_start3A_103 : memref<10000x32xf32, #tpu.memory_space<vmem_shared>>) target(%dma_start3A_97 : memref<128x32xf32, #tpu.memory_space<vmem>>) offsets(%dma_start3A_100 : memref<128xi32, #tpu.memory_space<vmem>>) semaphore(%arg12 : memref<!tpu.dma_semaphore, #tpu.memory_space<semaphore_mem>>)
    %dma_wait3A = arith.constant 72 : i32
    %dma_wait3A_104 = arith.constant 0 : i32
    %dma_wait3A_105 = arith.constant 0 : i32
    %dma_wait3A_106 = arith.constant 0 : i32
    %dma_wait3A_107 = tpu.memref_slice %arg8[%dma_wait3A_104, %dma_wait3A_105, %dma_wait3A_106] : memref<8x128x32xf32, #tpu.memory_space<vmem>> -> memref<1x128x32xf32, #tpu.memory_space<vmem>>
    %dma_wait3A_108 = tpu.memref_squeeze %dma_wait3A_107 : memref<1x128x32xf32, #tpu.memory_space<vmem>> -> memref<128x32xf32, #tpu.memory_space<vmem>>
    %dma_wait3A_109 = arith.constant 0 : i32
    %dma_wait3A_110 = tpu.memref_slice %arg6[%dma_wait3A, %dma_wait3A_109] : memref<79x128xi32, #tpu.memory_space<vmem>> -> memref<1x128xi32, #tpu.memory_space<vmem>>
    %dma_wait3A_111 = tpu.memref_squeeze %dma_wait3A_110 : memref<1x128xi32, #tpu.memory_space<vmem>> -> memref<128xi32, #tpu.memory_space<vmem>>
    %dma_wait3A_112 = arith.constant 0 : i32
    %dma_wait3A_113 = arith.constant 0 : i32
    %dma_wait3A_114 = tpu.memref_slice %arg11[%dma_wait3A_112, %dma_wait3A_113] : memref<10000x32xf32, #tpu.memory_space<vmem_shared>> -> memref<10000x32xf32, #tpu.memory_space<vmem_shared>>
    tpu.wait_indirect_dma semaphore(%arg12 : memref<!tpu.dma_semaphore, #tpu.memory_space<semaphore_mem>>) src(%dma_wait3A_114 : memref<10000x32xf32, #tpu.memory_space<vmem_shared>>) dst(%dma_wait3A_108 : memref<128x32xf32, #tpu.memory_space<vmem>>)
    %dma_wait3A_115 = arith.constant 73 : i32
    %dma_wait3A_116 = arith.constant 1 : i32
    %dma_wait3A_117 = arith.constant 0 : i32
    %dma_wait3A_118 = arith.constant 0 : i32
    %dma_wait3A_119 = tpu.memref_slice %arg8[%dma_wait3A_116, %dma_wait3A_117, %dma_wait3A_118] : memref<8x128x32xf32, #tpu.memory_space<vmem>> -> memref<1x128x32xf32, #tpu.memory_space<vmem>>
    %dma_wait3A_120 = tpu.memref_squeeze %dma_wait3A_119 : memref<1x128x32xf32, #tpu.memory_space<vmem>> -> memref<128x32xf32, #tpu.memory_space<vmem>>
    %dma_wait3A_121 = arith.constant 0 : i32
    %dma_wait3A_122 = tpu.memref_slice %arg6[%dma_wait3A_115, %dma_wait3A_121] : memref<79x128xi32, #tpu.memory_space<vmem>> -> memref<1x128xi32, #tpu.memory_space<vmem>>
    %dma_wait3A_123 = tpu.memref_squeeze %dma_wait3A_122 : memref<1x128xi32, #tpu.memory_space<vmem>> -> memref<128xi32, #tpu.memory_space<vmem>>
    %dma_wait3A_124 = arith.constant 0 : i32
    %dma_wait3A_125 = arith.constant 0 : i32
    %dma_wait3A_126 = tpu.memref_slice %arg11[%dma_wait3A_124, %dma_wait3A_125] : memref<10000x32xf32, #tpu.memory_space<vmem_shared>> -> memref<10000x32xf32, #tpu.memory_space<vmem_shared>>
    tpu.wait_indirect_dma semaphore(%arg12 : memref<!tpu.dma_semaphore, #tpu.memory_space<semaphore_mem>>) src(%dma_wait3A_126 : memref<10000x32xf32, #tpu.memory_space<vmem_shared>>) dst(%dma_wait3A_120 : memref<128x32xf32, #tpu.memory_space<vmem>>)
    %dma_wait3A_127 = arith.constant 74 : i32
    %dma_wait3A_128 = arith.constant 2 : i32
    %dma_wait3A_129 = arith.constant 0 : i32
    %dma_wait3A_130 = arith.constant 0 : i32
    %dma_wait3A_131 = tpu.memref_slice %arg8[%dma_wait3A_128, %dma_wait3A_129, %dma_wait3A_130] : memref<8x128x32xf32, #tpu.memory_space<vmem>> -> memref<1x128x32xf32, #tpu.memory_space<vmem>>
    %dma_wait3A_132 = tpu.memref_squeeze %dma_wait3A_131 : memref<1x128x32xf32, #tpu.memory_space<vmem>> -> memref<128x32xf32, #tpu.memory_space<vmem>>
    %dma_wait3A_133 = arith.constant 0 : i32
    %dma_wait3A_134 = tpu.memref_slice %arg6[%dma_wait3A_127, %dma_wait3A_133] : memref<79x128xi32, #tpu.memory_space<vmem>> -> memref<1x128xi32, #tpu.memory_space<vmem>>
    %dma_wait3A_135 = tpu.memref_squeeze %dma_wait3A_134 : memref<1x128xi32, #tpu.memory_space<vmem>> -> memref<128xi32, #tpu.memory_space<vmem>>
    %dma_wait3A_136 = arith.constant 0 : i32
    %dma_wait3A_137 = arith.constant 0 : i32
    %dma_wait3A_138 = tpu.memref_slice %arg11[%dma_wait3A_136, %dma_wait3A_137] : memref<10000x32xf32, #tpu.memory_space<vmem_shared>> -> memref<10000x32xf32, #tpu.memory_space<vmem_shared>>
    tpu.wait_indirect_dma semaphore(%arg12 : memref<!tpu.dma_semaphore, #tpu.memory_space<semaphore_mem>>) src(%dma_wait3A_138 : memref<10000x32xf32, #tpu.memory_space<vmem_shared>>) dst(%dma_wait3A_132 : memref<128x32xf32, #tpu.memory_space<vmem>>)
    %dma_wait3A_139 = arith.constant 75 : i32
    %dma_wait3A_140 = arith.constant 3 : i32
    %dma_wait3A_141 = arith.constant 0 : i32
    %dma_wait3A_142 = arith.constant 0 : i32
    %dma_wait3A_143 = tpu.memref_slice %arg8[%dma_wait3A_140, %dma_wait3A_141, %dma_wait3A_142] : memref<8x128x32xf32, #tpu.memory_space<vmem>> -> memref<1x128x32xf32, #tpu.memory_space<vmem>>
    %dma_wait3A_144 = tpu.memref_squeeze %dma_wait3A_143 : memref<1x128x32xf32, #tpu.memory_space<vmem>> -> memref<128x32xf32, #tpu.memory_space<vmem>>
    %dma_wait3A_145 = arith.constant 0 : i32
    %dma_wait3A_146 = tpu.memref_slice %arg6[%dma_wait3A_139, %dma_wait3A_145] : memref<79x128xi32, #tpu.memory_space<vmem>> -> memref<1x128xi32, #tpu.memory_space<vmem>>
    %dma_wait3A_147 = tpu.memref_squeeze %dma_wait3A_146 : memref<1x128xi32, #tpu.memory_space<vmem>> -> memref<128xi32, #tpu.memory_space<vmem>>
    %dma_wait3A_148 = arith.constant 0 : i32
    %dma_wait3A_149 = arith.constant 0 : i32
    %dma_wait3A_150 = tpu.memref_slice %arg11[%dma_wait3A_148, %dma_wait3A_149] : memref<10000x32xf32, #tpu.memory_space<vmem_shared>> -> memref<10000x32xf32, #tpu.memory_space<vmem_shared>>
    tpu.wait_indirect_dma semaphore(%arg12 : memref<!tpu.dma_semaphore, #tpu.memory_space<semaphore_mem>>) src(%dma_wait3A_150 : memref<10000x32xf32, #tpu.memory_space<vmem_shared>>) dst(%dma_wait3A_144 : memref<128x32xf32, #tpu.memory_space<vmem>>)
    %dma_wait3A_151 = arith.constant 76 : i32
    %dma_wait3A_152 = arith.constant 4 : i32
    %dma_wait3A_153 = arith.constant 0 : i32
    %dma_wait3A_154 = arith.constant 0 : i32
    %dma_wait3A_155 = tpu.memref_slice %arg8[%dma_wait3A_152, %dma_wait3A_153, %dma_wait3A_154] : memref<8x128x32xf32, #tpu.memory_space<vmem>> -> memref<1x128x32xf32, #tpu.memory_space<vmem>>
    %dma_wait3A_156 = tpu.memref_squeeze %dma_wait3A_155 : memref<1x128x32xf32, #tpu.memory_space<vmem>> -> memref<128x32xf32, #tpu.memory_space<vmem>>
    %dma_wait3A_157 = arith.constant 0 : i32
    %dma_wait3A_158 = tpu.memref_slice %arg6[%dma_wait3A_151, %dma_wait3A_157] : memref<79x128xi32, #tpu.memory_space<vmem>> -> memref<1x128xi32, #tpu.memory_space<vmem>>
    %dma_wait3A_159 = tpu.memref_squeeze %dma_wait3A_158 : memref<1x128xi32, #tpu.memory_space<vmem>> -> memref<128xi32, #tpu.memory_space<vmem>>
    %dma_wait3A_160 = arith.constant 0 : i32
    %dma_wait3A_161 = arith.constant 0 : i32
    %dma_wait3A_162 = tpu.memref_slice %arg11[%dma_wait3A_160, %dma_wait3A_161] : memref<10000x32xf32, #tpu.memory_space<vmem_shared>> -> memref<10000x32xf32, #tpu.memory_space<vmem_shared>>
    tpu.wait_indirect_dma semaphore(%arg12 : memref<!tpu.dma_semaphore, #tpu.memory_space<semaphore_mem>>) src(%dma_wait3A_162 : memref<10000x32xf32, #tpu.memory_space<vmem_shared>>) dst(%dma_wait3A_156 : memref<128x32xf32, #tpu.memory_space<vmem>>)
    %dma_wait3A_163 = arith.constant 77 : i32
    %dma_wait3A_164 = arith.constant 5 : i32
    %dma_wait3A_165 = arith.constant 0 : i32
    %dma_wait3A_166 = arith.constant 0 : i32
    %dma_wait3A_167 = tpu.memref_slice %arg8[%dma_wait3A_164, %dma_wait3A_165, %dma_wait3A_166] : memref<8x128x32xf32, #tpu.memory_space<vmem>> -> memref<1x128x32xf32, #tpu.memory_space<vmem>>
    %dma_wait3A_168 = tpu.memref_squeeze %dma_wait3A_167 : memref<1x128x32xf32, #tpu.memory_space<vmem>> -> memref<128x32xf32, #tpu.memory_space<vmem>>
    %dma_wait3A_169 = arith.constant 0 : i32
    %dma_wait3A_170 = tpu.memref_slice %arg6[%dma_wait3A_163, %dma_wait3A_169] : memref<79x128xi32, #tpu.memory_space<vmem>> -> memref<1x128xi32, #tpu.memory_space<vmem>>
    %dma_wait3A_171 = tpu.memref_squeeze %dma_wait3A_170 : memref<1x128xi32, #tpu.memory_space<vmem>> -> memref<128xi32, #tpu.memory_space<vmem>>
    %dma_wait3A_172 = arith.constant 0 : i32
    %dma_wait3A_173 = arith.constant 0 : i32
    %dma_wait3A_174 = tpu.memref_slice %arg11[%dma_wait3A_172, %dma_wait3A_173] : memref<10000x32xf32, #tpu.memory_space<vmem_shared>> -> memref<10000x32xf32, #tpu.memory_space<vmem_shared>>
    tpu.wait_indirect_dma semaphore(%arg12 : memref<!tpu.dma_semaphore, #tpu.memory_space<semaphore_mem>>) src(%dma_wait3A_174 : memref<10000x32xf32, #tpu.memory_space<vmem_shared>>) dst(%dma_wait3A_168 : memref<128x32xf32, #tpu.memory_space<vmem>>)
    %dma_wait3A_175 = arith.constant 78 : i32
    %dma_wait3A_176 = arith.constant 6 : i32
    %dma_wait3A_177 = arith.constant 0 : i32
    %dma_wait3A_178 = arith.constant 0 : i32
    %dma_wait3A_179 = tpu.memref_slice %arg8[%dma_wait3A_176, %dma_wait3A_177, %dma_wait3A_178] : memref<8x128x32xf32, #tpu.memory_space<vmem>> -> memref<1x128x32xf32, #tpu.memory_space<vmem>>
    %dma_wait3A_180 = tpu.memref_squeeze %dma_wait3A_179 : memref<1x128x32xf32, #tpu.memory_space<vmem>> -> memref<128x32xf32, #tpu.memory_space<vmem>>
    %dma_wait3A_181 = arith.constant 0 : i32
    %dma_wait3A_182 = tpu.memref_slice %arg6[%dma_wait3A_175, %dma_wait3A_181] : memref<79x128xi32, #tpu.memory_space<vmem>> -> memref<1x128xi32, #tpu.memory_space<vmem>>
    %dma_wait3A_183 = tpu.memref_squeeze %dma_wait3A_182 : memref<1x128xi32, #tpu.memory_space<vmem>> -> memref<128xi32, #tpu.memory_space<vmem>>
    %dma_wait3A_184 = arith.constant 0 : i32
    %dma_wait3A_185 = arith.constant 0 : i32
    %dma_wait3A_186 = tpu.memref_slice %arg11[%dma_wait3A_184, %dma_wait3A_185] : memref<10000x32xf32, #tpu.memory_space<vmem_shared>> -> memref<10000x32xf32, #tpu.memory_space<vmem_shared>>
    tpu.wait_indirect_dma semaphore(%arg12 : memref<!tpu.dma_semaphore, #tpu.memory_space<semaphore_mem>>) src(%dma_wait3A_186 : memref<10000x32xf32, #tpu.memory_space<vmem_shared>>) dst(%dma_wait3A_180 : memref<128x32xf32, #tpu.memory_space<vmem>>)
    %dma_start3A_187 = arith.constant 0 : i32
    %dma_start3A_188 = arith.constant 72 : i32
    %dma_start3A_189 = arith.constant 0 : i32
    %dma_start3A_190 = arith.constant 0 : i32
    %dma_start3A_191 = tpu.memref_slice %arg8[%dma_start3A_187, %dma_start3A_189, %dma_start3A_190] : memref<8x128x32xf32, #tpu.memory_space<vmem>> -> memref<1x128x32xf32, #tpu.memory_space<vmem>>
    %dma_start3A_192 = tpu.memref_squeeze %dma_start3A_191 : memref<1x128x32xf32, #tpu.memory_space<vmem>> -> memref<128x32xf32, #tpu.memory_space<vmem>>
    %dma_start3A_193 = arith.constant 0 : i32
    %dma_start3A_194 = tpu.memref_slice %arg7[%dma_start3A_188, %dma_start3A_193] : memref<79x128xi32, #tpu.memory_space<vmem>> -> memref<1x128xi32, #tpu.memory_space<vmem>>
    %dma_start3A_195 = tpu.memref_squeeze %dma_start3A_194 : memref<1x128xi32, #tpu.memory_space<vmem>> -> memref<128xi32, #tpu.memory_space<vmem>>
    %dma_start3A_196 = arith.constant 0 : i32
    %dma_start3A_197 = arith.constant 0 : i32
    %dma_start3A_198 = tpu.memref_slice %arg10[%dma_start3A_196, %dma_start3A_197] : memref<10112x32xf32, #tpu.memory_space<vmem_shared>> -> memref<10112x32xf32, #tpu.memory_space<vmem_shared>>
    tpu.enqueue_indirect_dma source(%dma_start3A_192 : memref<128x32xf32, #tpu.memory_space<vmem>>) target(%dma_start3A_198 : memref<10112x32xf32, #tpu.memory_space<vmem_shared>>) offsets(%dma_start3A_195 : memref<128xi32, #tpu.memory_space<vmem>>) semaphore(%arg13 : memref<!tpu.dma_semaphore, #tpu.memory_space<semaphore_mem>>) {add = true}
    %dma_start3A_199 = arith.constant 1 : i32
    %dma_start3A_200 = arith.constant 73 : i32
    %dma_start3A_201 = arith.constant 0 : i32
    %dma_start3A_202 = arith.constant 0 : i32
    %dma_start3A_203 = tpu.memref_slice %arg8[%dma_start3A_199, %dma_start3A_201, %dma_start3A_202] : memref<8x128x32xf32, #tpu.memory_space<vmem>> -> memref<1x128x32xf32, #tpu.memory_space<vmem>>
    %dma_start3A_204 = tpu.memref_squeeze %dma_start3A_203 : memref<1x128x32xf32, #tpu.memory_space<vmem>> -> memref<128x32xf32, #tpu.memory_space<vmem>>
    %dma_start3A_205 = arith.constant 0 : i32
    %dma_start3A_206 = tpu.memref_slice %arg7[%dma_start3A_200, %dma_start3A_205] : memref<79x128xi32, #tpu.memory_space<vmem>> -> memref<1x128xi32, #tpu.memory_space<vmem>>
    %dma_start3A_207 = tpu.memref_squeeze %dma_start3A_206 : memref<1x128xi32, #tpu.memory_space<vmem>> -> memref<128xi32, #tpu.memory_space<vmem>>
    %dma_start3A_208 = arith.constant 0 : i32
    %dma_start3A_209 = arith.constant 0 : i32
    %dma_start3A_210 = tpu.memref_slice %arg10[%dma_start3A_208, %dma_start3A_209] : memref<10112x32xf32, #tpu.memory_space<vmem_shared>> -> memref<10112x32xf32, #tpu.memory_space<vmem_shared>>
    tpu.enqueue_indirect_dma source(%dma_start3A_204 : memref<128x32xf32, #tpu.memory_space<vmem>>) target(%dma_start3A_210 : memref<10112x32xf32, #tpu.memory_space<vmem_shared>>) offsets(%dma_start3A_207 : memref<128xi32, #tpu.memory_space<vmem>>) semaphore(%arg13 : memref<!tpu.dma_semaphore, #tpu.memory_space<semaphore_mem>>) {add = true}
    %dma_start3A_211 = arith.constant 2 : i32
    %dma_start3A_212 = arith.constant 74 : i32
    %dma_start3A_213 = arith.constant 0 : i32
    %dma_start3A_214 = arith.constant 0 : i32
    %dma_start3A_215 = tpu.memref_slice %arg8[%dma_start3A_211, %dma_start3A_213, %dma_start3A_214] : memref<8x128x32xf32, #tpu.memory_space<vmem>> -> memref<1x128x32xf32, #tpu.memory_space<vmem>>
    %dma_start3A_216 = tpu.memref_squeeze %dma_start3A_215 : memref<1x128x32xf32, #tpu.memory_space<vmem>> -> memref<128x32xf32, #tpu.memory_space<vmem>>
    %dma_start3A_217 = arith.constant 0 : i32
    %dma_start3A_218 = tpu.memref_slice %arg7[%dma_start3A_212, %dma_start3A_217] : memref<79x128xi32, #tpu.memory_space<vmem>> -> memref<1x128xi32, #tpu.memory_space<vmem>>
    %dma_start3A_219 = tpu.memref_squeeze %dma_start3A_218 : memref<1x128xi32, #tpu.memory_space<vmem>> -> memref<128xi32, #tpu.memory_space<vmem>>
    %dma_start3A_220 = arith.constant 0 : i32
    %dma_start3A_221 = arith.constant 0 : i32
    %dma_start3A_222 = tpu.memref_slice %arg10[%dma_start3A_220, %dma_start3A_221] : memref<10112x32xf32, #tpu.memory_space<vmem_shared>> -> memref<10112x32xf32, #tpu.memory_space<vmem_shared>>
    tpu.enqueue_indirect_dma source(%dma_start3A_216 : memref<128x32xf32, #tpu.memory_space<vmem>>) target(%dma_start3A_222 : memref<10112x32xf32, #tpu.memory_space<vmem_shared>>) offsets(%dma_start3A_219 : memref<128xi32, #tpu.memory_space<vmem>>) semaphore(%arg13 : memref<!tpu.dma_semaphore, #tpu.memory_space<semaphore_mem>>) {add = true}
    %dma_start3A_223 = arith.constant 3 : i32
    %dma_start3A_224 = arith.constant 75 : i32
    %dma_start3A_225 = arith.constant 0 : i32
    %dma_start3A_226 = arith.constant 0 : i32
    %dma_start3A_227 = tpu.memref_slice %arg8[%dma_start3A_223, %dma_start3A_225, %dma_start3A_226] : memref<8x128x32xf32, #tpu.memory_space<vmem>> -> memref<1x128x32xf32, #tpu.memory_space<vmem>>
    %dma_start3A_228 = tpu.memref_squeeze %dma_start3A_227 : memref<1x128x32xf32, #tpu.memory_space<vmem>> -> memref<128x32xf32, #tpu.memory_space<vmem>>
    %dma_start3A_229 = arith.constant 0 : i32
    %dma_start3A_230 = tpu.memref_slice %arg7[%dma_start3A_224, %dma_start3A_229] : memref<79x128xi32, #tpu.memory_space<vmem>> -> memref<1x128xi32, #tpu.memory_space<vmem>>
    %dma_start3A_231 = tpu.memref_squeeze %dma_start3A_230 : memref<1x128xi32, #tpu.memory_space<vmem>> -> memref<128xi32, #tpu.memory_space<vmem>>
    %dma_start3A_232 = arith.constant 0 : i32
    %dma_start3A_233 = arith.constant 0 : i32
    %dma_start3A_234 = tpu.memref_slice %arg10[%dma_start3A_232, %dma_start3A_233] : memref<10112x32xf32, #tpu.memory_space<vmem_shared>> -> memref<10112x32xf32, #tpu.memory_space<vmem_shared>>
    tpu.enqueue_indirect_dma source(%dma_start3A_228 : memref<128x32xf32, #tpu.memory_space<vmem>>) target(%dma_start3A_234 : memref<10112x32xf32, #tpu.memory_space<vmem_shared>>) offsets(%dma_start3A_231 : memref<128xi32, #tpu.memory_space<vmem>>) semaphore(%arg13 : memref<!tpu.dma_semaphore, #tpu.memory_space<semaphore_mem>>) {add = true}
    %dma_start3A_235 = arith.constant 4 : i32
    %dma_start3A_236 = arith.constant 76 : i32
    %dma_start3A_237 = arith.constant 0 : i32
    %dma_start3A_238 = arith.constant 0 : i32
    %dma_start3A_239 = tpu.memref_slice %arg8[%dma_start3A_235, %dma_start3A_237, %dma_start3A_238] : memref<8x128x32xf32, #tpu.memory_space<vmem>> -> memref<1x128x32xf32, #tpu.memory_space<vmem>>
    %dma_start3A_240 = tpu.memref_squeeze %dma_start3A_239 : memref<1x128x32xf32, #tpu.memory_space<vmem>> -> memref<128x32xf32, #tpu.memory_space<vmem>>
    %dma_start3A_241 = arith.constant 0 : i32
    %dma_start3A_242 = tpu.memref_slice %arg7[%dma_start3A_236, %dma_start3A_241] : memref<79x128xi32, #tpu.memory_space<vmem>> -> memref<1x128xi32, #tpu.memory_space<vmem>>
    %dma_start3A_243 = tpu.memref_squeeze %dma_start3A_242 : memref<1x128xi32, #tpu.memory_space<vmem>> -> memref<128xi32, #tpu.memory_space<vmem>>
    %dma_start3A_244 = arith.constant 0 : i32
    %dma_start3A_245 = arith.constant 0 : i32
    %dma_start3A_246 = tpu.memref_slice %arg10[%dma_start3A_244, %dma_start3A_245] : memref<10112x32xf32, #tpu.memory_space<vmem_shared>> -> memref<10112x32xf32, #tpu.memory_space<vmem_shared>>
    tpu.enqueue_indirect_dma source(%dma_start3A_240 : memref<128x32xf32, #tpu.memory_space<vmem>>) target(%dma_start3A_246 : memref<10112x32xf32, #tpu.memory_space<vmem_shared>>) offsets(%dma_start3A_243 : memref<128xi32, #tpu.memory_space<vmem>>) semaphore(%arg13 : memref<!tpu.dma_semaphore, #tpu.memory_space<semaphore_mem>>) {add = true}
    %dma_start3A_247 = arith.constant 5 : i32
    %dma_start3A_248 = arith.constant 77 : i32
    %dma_start3A_249 = arith.constant 0 : i32
    %dma_start3A_250 = arith.constant 0 : i32
    %dma_start3A_251 = tpu.memref_slice %arg8[%dma_start3A_247, %dma_start3A_249, %dma_start3A_250] : memref<8x128x32xf32, #tpu.memory_space<vmem>> -> memref<1x128x32xf32, #tpu.memory_space<vmem>>
    %dma_start3A_252 = tpu.memref_squeeze %dma_start3A_251 : memref<1x128x32xf32, #tpu.memory_space<vmem>> -> memref<128x32xf32, #tpu.memory_space<vmem>>
    %dma_start3A_253 = arith.constant 0 : i32
    %dma_start3A_254 = tpu.memref_slice %arg7[%dma_start3A_248, %dma_start3A_253] : memref<79x128xi32, #tpu.memory_space<vmem>> -> memref<1x128xi32, #tpu.memory_space<vmem>>
    %dma_start3A_255 = tpu.memref_squeeze %dma_start3A_254 : memref<1x128xi32, #tpu.memory_space<vmem>> -> memref<128xi32, #tpu.memory_space<vmem>>
    %dma_start3A_256 = arith.constant 0 : i32
    %dma_start3A_257 = arith.constant 0 : i32
    %dma_start3A_258 = tpu.memref_slice %arg10[%dma_start3A_256, %dma_start3A_257] : memref<10112x32xf32, #tpu.memory_space<vmem_shared>> -> memref<10112x32xf32, #tpu.memory_space<vmem_shared>>
    tpu.enqueue_indirect_dma source(%dma_start3A_252 : memref<128x32xf32, #tpu.memory_space<vmem>>) target(%dma_start3A_258 : memref<10112x32xf32, #tpu.memory_space<vmem_shared>>) offsets(%dma_start3A_255 : memref<128xi32, #tpu.memory_space<vmem>>) semaphore(%arg13 : memref<!tpu.dma_semaphore, #tpu.memory_space<semaphore_mem>>) {add = true}
    %dma_start3A_259 = arith.constant 6 : i32
    %dma_start3A_260 = arith.constant 78 : i32
    %dma_start3A_261 = arith.constant 0 : i32
    %dma_start3A_262 = arith.constant 0 : i32
    %dma_start3A_263 = tpu.memref_slice %arg8[%dma_start3A_259, %dma_start3A_261, %dma_start3A_262] : memref<8x128x32xf32, #tpu.memory_space<vmem>> -> memref<1x128x32xf32, #tpu.memory_space<vmem>>
    %dma_start3A_264 = tpu.memref_squeeze %dma_start3A_263 : memref<1x128x32xf32, #tpu.memory_space<vmem>> -> memref<128x32xf32, #tpu.memory_space<vmem>>
    %dma_start3A_265 = arith.constant 0 : i32
    %dma_start3A_266 = tpu.memref_slice %arg7[%dma_start3A_260, %dma_start3A_265] : memref<79x128xi32, #tpu.memory_space<vmem>> -> memref<1x128xi32, #tpu.memory_space<vmem>>
    %dma_start3A_267 = tpu.memref_squeeze %dma_start3A_266 : memref<1x128xi32, #tpu.memory_space<vmem>> -> memref<128xi32, #tpu.memory_space<vmem>>
    %dma_start3A_268 = arith.constant 0 : i32
    %dma_start3A_269 = arith.constant 0 : i32
    %dma_start3A_270 = tpu.memref_slice %arg10[%dma_start3A_268, %dma_start3A_269] : memref<10112x32xf32, #tpu.memory_space<vmem_shared>> -> memref<10112x32xf32, #tpu.memory_space<vmem_shared>>
    tpu.enqueue_indirect_dma source(%dma_start3A_264 : memref<128x32xf32, #tpu.memory_space<vmem>>) target(%dma_start3A_270 : memref<10112x32xf32, #tpu.memory_space<vmem_shared>>) offsets(%dma_start3A_267 : memref<128xi32, #tpu.memory_space<vmem>>) semaphore(%arg13 : memref<!tpu.dma_semaphore, #tpu.memory_space<semaphore_mem>>) {add = true}
    %dma_wait3A_271 = arith.constant 0 : i32
    %dma_wait3A_272 = arith.constant 72 : i32
    %dma_wait3A_273 = arith.constant 0 : i32
    %dma_wait3A_274 = arith.constant 0 : i32
    %dma_wait3A_275 = tpu.memref_slice %arg8[%dma_wait3A_271, %dma_wait3A_273, %dma_wait3A_274] : memref<8x128x32xf32, #tpu.memory_space<vmem>> -> memref<1x128x32xf32, #tpu.memory_space<vmem>>
    %dma_wait3A_276 = tpu.memref_squeeze %dma_wait3A_275 : memref<1x128x32xf32, #tpu.memory_space<vmem>> -> memref<128x32xf32, #tpu.memory_space<vmem>>
    %dma_wait3A_277 = arith.constant 0 : i32
    %dma_wait3A_278 = tpu.memref_slice %arg7[%dma_wait3A_272, %dma_wait3A_277] : memref<79x128xi32, #tpu.memory_space<vmem>> -> memref<1x128xi32, #tpu.memory_space<vmem>>
    %dma_wait3A_279 = tpu.memref_squeeze %dma_wait3A_278 : memref<1x128xi32, #tpu.memory_space<vmem>> -> memref<128xi32, #tpu.memory_space<vmem>>
    %dma_wait3A_280 = arith.constant 0 : i32
    %dma_wait3A_281 = arith.constant 0 : i32
    %dma_wait3A_282 = tpu.memref_slice %arg10[%dma_wait3A_280, %dma_wait3A_281] : memref<10112x32xf32, #tpu.memory_space<vmem_shared>> -> memref<10112x32xf32, #tpu.memory_space<vmem_shared>>
    tpu.wait_indirect_dma semaphore(%arg13 : memref<!tpu.dma_semaphore, #tpu.memory_space<semaphore_mem>>) src(%dma_wait3A_276 : memref<128x32xf32, #tpu.memory_space<vmem>>) dst(%dma_wait3A_282 : memref<10112x32xf32, #tpu.memory_space<vmem_shared>>)
    %dma_wait3A_283 = arith.constant 1 : i32
    %dma_wait3A_284 = arith.constant 73 : i32
    %dma_wait3A_285 = arith.constant 0 : i32
    %dma_wait3A_286 = arith.constant 0 : i32
    %dma_wait3A_287 = tpu.memref_slice %arg8[%dma_wait3A_283, %dma_wait3A_285, %dma_wait3A_286] : memref<8x128x32xf32, #tpu.memory_space<vmem>> -> memref<1x128x32xf32, #tpu.memory_space<vmem>>
    %dma_wait3A_288 = tpu.memref_squeeze %dma_wait3A_287 : memref<1x128x32xf32, #tpu.memory_space<vmem>> -> memref<128x32xf32, #tpu.memory_space<vmem>>
    %dma_wait3A_289 = arith.constant 0 : i32
    %dma_wait3A_290 = tpu.memref_slice %arg7[%dma_wait3A_284, %dma_wait3A_289] : memref<79x128xi32, #tpu.memory_space<vmem>> -> memref<1x128xi32, #tpu.memory_space<vmem>>
    %dma_wait3A_291 = tpu.memref_squeeze %dma_wait3A_290 : memref<1x128xi32, #tpu.memory_space<vmem>> -> memref<128xi32, #tpu.memory_space<vmem>>
    %dma_wait3A_292 = arith.constant 0 : i32
    %dma_wait3A_293 = arith.constant 0 : i32
    %dma_wait3A_294 = tpu.memref_slice %arg10[%dma_wait3A_292, %dma_wait3A_293] : memref<10112x32xf32, #tpu.memory_space<vmem_shared>> -> memref<10112x32xf32, #tpu.memory_space<vmem_shared>>
    tpu.wait_indirect_dma semaphore(%arg13 : memref<!tpu.dma_semaphore, #tpu.memory_space<semaphore_mem>>) src(%dma_wait3A_288 : memref<128x32xf32, #tpu.memory_space<vmem>>) dst(%dma_wait3A_294 : memref<10112x32xf32, #tpu.memory_space<vmem_shared>>)
    %dma_wait3A_295 = arith.constant 2 : i32
    %dma_wait3A_296 = arith.constant 74 : i32
    %dma_wait3A_297 = arith.constant 0 : i32
    %dma_wait3A_298 = arith.constant 0 : i32
    %dma_wait3A_299 = tpu.memref_slice %arg8[%dma_wait3A_295, %dma_wait3A_297, %dma_wait3A_298] : memref<8x128x32xf32, #tpu.memory_space<vmem>> -> memref<1x128x32xf32, #tpu.memory_space<vmem>>
    %dma_wait3A_300 = tpu.memref_squeeze %dma_wait3A_299 : memref<1x128x32xf32, #tpu.memory_space<vmem>> -> memref<128x32xf32, #tpu.memory_space<vmem>>
    %dma_wait3A_301 = arith.constant 0 : i32
    %dma_wait3A_302 = tpu.memref_slice %arg7[%dma_wait3A_296, %dma_wait3A_301] : memref<79x128xi32, #tpu.memory_space<vmem>> -> memref<1x128xi32, #tpu.memory_space<vmem>>
    %dma_wait3A_303 = tpu.memref_squeeze %dma_wait3A_302 : memref<1x128xi32, #tpu.memory_space<vmem>> -> memref<128xi32, #tpu.memory_space<vmem>>
    %dma_wait3A_304 = arith.constant 0 : i32
    %dma_wait3A_305 = arith.constant 0 : i32
    %dma_wait3A_306 = tpu.memref_slice %arg10[%dma_wait3A_304, %dma_wait3A_305] : memref<10112x32xf32, #tpu.memory_space<vmem_shared>> -> memref<10112x32xf32, #tpu.memory_space<vmem_shared>>
    tpu.wait_indirect_dma semaphore(%arg13 : memref<!tpu.dma_semaphore, #tpu.memory_space<semaphore_mem>>) src(%dma_wait3A_300 : memref<128x32xf32, #tpu.memory_space<vmem>>) dst(%dma_wait3A_306 : memref<10112x32xf32, #tpu.memory_space<vmem_shared>>)
    %dma_wait3A_307 = arith.constant 3 : i32
    %dma_wait3A_308 = arith.constant 75 : i32
    %dma_wait3A_309 = arith.constant 0 : i32
    %dma_wait3A_310 = arith.constant 0 : i32
    %dma_wait3A_311 = tpu.memref_slice %arg8[%dma_wait3A_307, %dma_wait3A_309, %dma_wait3A_310] : memref<8x128x32xf32, #tpu.memory_space<vmem>> -> memref<1x128x32xf32, #tpu.memory_space<vmem>>
    %dma_wait3A_312 = tpu.memref_squeeze %dma_wait3A_311 : memref<1x128x32xf32, #tpu.memory_space<vmem>> -> memref<128x32xf32, #tpu.memory_space<vmem>>
    %dma_wait3A_313 = arith.constant 0 : i32
    %dma_wait3A_314 = tpu.memref_slice %arg7[%dma_wait3A_308, %dma_wait3A_313] : memref<79x128xi32, #tpu.memory_space<vmem>> -> memref<1x128xi32, #tpu.memory_space<vmem>>
    %dma_wait3A_315 = tpu.memref_squeeze %dma_wait3A_314 : memref<1x128xi32, #tpu.memory_space<vmem>> -> memref<128xi32, #tpu.memory_space<vmem>>
    %dma_wait3A_316 = arith.constant 0 : i32
    %dma_wait3A_317 = arith.constant 0 : i32
    %dma_wait3A_318 = tpu.memref_slice %arg10[%dma_wait3A_316, %dma_wait3A_317] : memref<10112x32xf32, #tpu.memory_space<vmem_shared>> -> memref<10112x32xf32, #tpu.memory_space<vmem_shared>>
    tpu.wait_indirect_dma semaphore(%arg13 : memref<!tpu.dma_semaphore, #tpu.memory_space<semaphore_mem>>) src(%dma_wait3A_312 : memref<128x32xf32, #tpu.memory_space<vmem>>) dst(%dma_wait3A_318 : memref<10112x32xf32, #tpu.memory_space<vmem_shared>>)
    %dma_wait3A_319 = arith.constant 4 : i32
    %dma_wait3A_320 = arith.constant 76 : i32
    %dma_wait3A_321 = arith.constant 0 : i32
    %dma_wait3A_322 = arith.constant 0 : i32
    %dma_wait3A_323 = tpu.memref_slice %arg8[%dma_wait3A_319, %dma_wait3A_321, %dma_wait3A_322] : memref<8x128x32xf32, #tpu.memory_space<vmem>> -> memref<1x128x32xf32, #tpu.memory_space<vmem>>
    %dma_wait3A_324 = tpu.memref_squeeze %dma_wait3A_323 : memref<1x128x32xf32, #tpu.memory_space<vmem>> -> memref<128x32xf32, #tpu.memory_space<vmem>>
    %dma_wait3A_325 = arith.constant 0 : i32
    %dma_wait3A_326 = tpu.memref_slice %arg7[%dma_wait3A_320, %dma_wait3A_325] : memref<79x128xi32, #tpu.memory_space<vmem>> -> memref<1x128xi32, #tpu.memory_space<vmem>>
    %dma_wait3A_327 = tpu.memref_squeeze %dma_wait3A_326 : memref<1x128xi32, #tpu.memory_space<vmem>> -> memref<128xi32, #tpu.memory_space<vmem>>
    %dma_wait3A_328 = arith.constant 0 : i32
    %dma_wait3A_329 = arith.constant 0 : i32
    %dma_wait3A_330 = tpu.memref_slice %arg10[%dma_wait3A_328, %dma_wait3A_329] : memref<10112x32xf32, #tpu.memory_space<vmem_shared>> -> memref<10112x32xf32, #tpu.memory_space<vmem_shared>>
    tpu.wait_indirect_dma semaphore(%arg13 : memref<!tpu.dma_semaphore, #tpu.memory_space<semaphore_mem>>) src(%dma_wait3A_324 : memref<128x32xf32, #tpu.memory_space<vmem>>) dst(%dma_wait3A_330 : memref<10112x32xf32, #tpu.memory_space<vmem_shared>>)
    %dma_wait3A_331 = arith.constant 5 : i32
    %dma_wait3A_332 = arith.constant 77 : i32
    %dma_wait3A_333 = arith.constant 0 : i32
    %dma_wait3A_334 = arith.constant 0 : i32
    %dma_wait3A_335 = tpu.memref_slice %arg8[%dma_wait3A_331, %dma_wait3A_333, %dma_wait3A_334] : memref<8x128x32xf32, #tpu.memory_space<vmem>> -> memref<1x128x32xf32, #tpu.memory_space<vmem>>
    %dma_wait3A_336 = tpu.memref_squeeze %dma_wait3A_335 : memref<1x128x32xf32, #tpu.memory_space<vmem>> -> memref<128x32xf32, #tpu.memory_space<vmem>>
    %dma_wait3A_337 = arith.constant 0 : i32
    %dma_wait3A_338 = tpu.memref_slice %arg7[%dma_wait3A_332, %dma_wait3A_337] : memref<79x128xi32, #tpu.memory_space<vmem>> -> memref<1x128xi32, #tpu.memory_space<vmem>>
    %dma_wait3A_339 = tpu.memref_squeeze %dma_wait3A_338 : memref<1x128xi32, #tpu.memory_space<vmem>> -> memref<128xi32, #tpu.memory_space<vmem>>
    %dma_wait3A_340 = arith.constant 0 : i32
    %dma_wait3A_341 = arith.constant 0 : i32
    %dma_wait3A_342 = tpu.memref_slice %arg10[%dma_wait3A_340, %dma_wait3A_341] : memref<10112x32xf32, #tpu.memory_space<vmem_shared>> -> memref<10112x32xf32, #tpu.memory_space<vmem_shared>>
    tpu.wait_indirect_dma semaphore(%arg13 : memref<!tpu.dma_semaphore, #tpu.memory_space<semaphore_mem>>) src(%dma_wait3A_336 : memref<128x32xf32, #tpu.memory_space<vmem>>) dst(%dma_wait3A_342 : memref<10112x32xf32, #tpu.memory_space<vmem_shared>>)
    %dma_wait3A_343 = arith.constant 6 : i32
    %dma_wait3A_344 = arith.constant 78 : i32
    %dma_wait3A_345 = arith.constant 0 : i32
    %dma_wait3A_346 = arith.constant 0 : i32
    %dma_wait3A_347 = tpu.memref_slice %arg8[%dma_wait3A_343, %dma_wait3A_345, %dma_wait3A_346] : memref<8x128x32xf32, #tpu.memory_space<vmem>> -> memref<1x128x32xf32, #tpu.memory_space<vmem>>
    %dma_wait3A_348 = tpu.memref_squeeze %dma_wait3A_347 : memref<1x128x32xf32, #tpu.memory_space<vmem>> -> memref<128x32xf32, #tpu.memory_space<vmem>>
    %dma_wait3A_349 = arith.constant 0 : i32
    %dma_wait3A_350 = tpu.memref_slice %arg7[%dma_wait3A_344, %dma_wait3A_349] : memref<79x128xi32, #tpu.memory_space<vmem>> -> memref<1x128xi32, #tpu.memory_space<vmem>>
    %dma_wait3A_351 = tpu.memref_squeeze %dma_wait3A_350 : memref<1x128xi32, #tpu.memory_space<vmem>> -> memref<128xi32, #tpu.memory_space<vmem>>
    %dma_wait3A_352 = arith.constant 0 : i32
    %dma_wait3A_353 = arith.constant 0 : i32
    %dma_wait3A_354 = tpu.memref_slice %arg10[%dma_wait3A_352, %dma_wait3A_353] : memref<10112x32xf32, #tpu.memory_space<vmem_shared>> -> memref<10112x32xf32, #tpu.memory_space<vmem_shared>>
    tpu.wait_indirect_dma semaphore(%arg13 : memref<!tpu.dma_semaphore, #tpu.memory_space<semaphore_mem>>) src(%dma_wait3A_348 : memref<128x32xf32, #tpu.memory_space<vmem>>) dst(%dma_wait3A_354 : memref<10112x32xf32, #tpu.memory_space<vmem_shared>>)
    %barrier3A_355 = arith.constant 0 : index
    tpu.barrier barrier_id(%barrier3A_355)
    %mul3A_356 = arith.constant 632 : i32
    %mul3A_357 = arith.muli %arg1, %mul3A_356 : i32
    "tpu.region"() ({
      %run_scoped3A = tpu.sem_alloc : memref<!tpu.dma_semaphore, #tpu.memory_space<semaphore_mem>>
      %dma_start3A_360 = arith.constant 0 : i32
      %dma_start3A_361 = tpu.memref_slice %arg10[%mul3A_357, %dma_start3A_360] : memref<10112x32xf32, #tpu.memory_space<vmem_shared>> -> memref<632x32xf32, #tpu.memory_space<vmem_shared>>
      %dma_start3A_362 = arith.constant 0 : i32
      %dma_start3A_363 = tpu.memref_slice %arg10[%mul3A_357, %dma_start3A_362] : memref<10112x32xf32, #tpu.memory_space<vmem_shared>> -> memref<632x32xf32, #tpu.memory_space<vmem_shared>>
      tpu.enqueue_dma source(%dma_start3A_363 : memref<632x32xf32, #tpu.memory_space<vmem_shared>>) target(%arg9 : memref<632x32xf32, #tpu.memory_space<vmem>>) target_semaphore(%run_scoped3A : memref<!tpu.dma_semaphore, #tpu.memory_space<semaphore_mem>>)
      %dma_wait3A_364 = arith.constant 0 : i32
      %dma_wait3A_365 = tpu.memref_slice %arg10[%mul3A_357, %dma_wait3A_364] : memref<10112x32xf32, #tpu.memory_space<vmem_shared>> -> memref<632x32xf32, #tpu.memory_space<vmem_shared>>
      %dma_wait3A_366 = arith.constant 0 : i32
      %dma_wait3A_367 = tpu.memref_slice %arg10[%mul3A_357, %dma_wait3A_366] : memref<10112x32xf32, #tpu.memory_space<vmem_shared>> -> memref<632x32xf32, #tpu.memory_space<vmem_shared>>
      tpu.wait_dma2 semaphore(%run_scoped3A : memref<!tpu.dma_semaphore, #tpu.memory_space<semaphore_mem>>) src(%dma_wait3A_367 : memref<632x32xf32, #tpu.memory_space<vmem_shared>>) dst(%arg9 : memref<632x32xf32, #tpu.memory_space<vmem>>)
      tpu.yield
    }) : () -> ()
    %mul3A_358 = arith.constant 632 : i32
    %mul3A_359 = arith.muli %arg1, %mul3A_358 : i32
    "tpu.region"() ({
      %run_scoped3A = tpu.sem_alloc : memref<!tpu.dma_semaphore, #tpu.memory_space<semaphore_mem>>
      %dma_start3A_360 = arith.constant 0 : i32
      %dma_start3A_361 = tpu.memref_slice %arg5[%arg0, %mul3A_359, %dma_start3A_360] : memref<2x10112x32xf32, #tpu.memory_space<hbm>> -> memref<1x632x32xf32, #tpu.memory_space<hbm>>
      %dma_start3A_362 = tpu.memref_squeeze %dma_start3A_361 : memref<1x632x32xf32, #tpu.memory_space<hbm>> -> memref<632x32xf32, #tpu.memory_space<hbm>>
      %dma_start3A_363 = arith.constant 0 : i32
      %dma_start3A_364 = tpu.memref_slice %arg5[%arg0, %mul3A_359, %dma_start3A_363] : memref<2x10112x32xf32, #tpu.memory_space<hbm>> -> memref<1x632x32xf32, #tpu.memory_space<hbm>>
      %dma_start3A_365 = tpu.memref_squeeze %dma_start3A_364 : memref<1x632x32xf32, #tpu.memory_space<hbm>> -> memref<632x32xf32, #tpu.memory_space<hbm>>
      tpu.enqueue_dma source(%arg9 : memref<632x32xf32, #tpu.memory_space<vmem>>) target(%dma_start3A_365 : memref<632x32xf32, #tpu.memory_space<hbm>>) target_semaphore(%run_scoped3A : memref<!tpu.dma_semaphore, #tpu.memory_space<semaphore_mem>>)
      %dma_wait3A_366 = arith.constant 0 : i32
      %dma_wait3A_367 = tpu.memref_slice %arg5[%arg0, %mul3A_359, %dma_wait3A_366] : memref<2x10112x32xf32, #tpu.memory_space<hbm>> -> memref<1x632x32xf32, #tpu.memory_space<hbm>>
      %dma_wait3A_368 = tpu.memref_squeeze %dma_wait3A_367 : memref<1x632x32xf32, #tpu.memory_space<hbm>> -> memref<632x32xf32, #tpu.memory_space<hbm>>
      %dma_wait3A_369 = arith.constant 0 : i32
      %dma_wait3A_370 = tpu.memref_slice %arg5[%arg0, %mul3A_359, %dma_wait3A_369] : memref<2x10112x32xf32, #tpu.memory_space<hbm>> -> memref<1x632x32xf32, #tpu.memory_space<hbm>>
      %dma_wait3A_371 = tpu.memref_squeeze %dma_wait3A_370 : memref<1x632x32xf32, #tpu.memory_space<hbm>> -> memref<632x32xf32, #tpu.memory_space<hbm>>
      tpu.wait_dma2 semaphore(%run_scoped3A : memref<!tpu.dma_semaphore, #tpu.memory_space<semaphore_mem>>) src(%arg9 : memref<632x32xf32, #tpu.memory_space<vmem>>) dst(%dma_wait3A_371 : memref<632x32xf32, #tpu.memory_space<hbm>>)
      tpu.yield
    }) : () -> ()
    return
  }
}

module attributes {stable_mosaic.version = 14 : i64} {
  func.func @_h_body(%arg0: memref<10000x128xf32, #tpu.memory_space<vmem>>, %arg1: memref<128x32xf32, #tpu.memory_space<vmem>>, %arg2: memref<10000x32xf32, #tpu.memory_space<vmem>>) attributes {dimension_semantics = [], scalar_prefetch = 0 : i64, scratch_operands = 0 : i64, tpu.core_type = #tpu.core_type<tc>} {
    %get3A = arith.constant 0 : index
    %get3A_0 = arith.constant 0 : index
    %get3A_1 = vector.load %arg0[%get3A, %get3A_0] : memref<10000x128xf32, #tpu.memory_space<vmem>>, vector<10000x128xf32>
    %get3A_2 = arith.constant 0 : index
    %get3A_3 = arith.constant 0 : index
    %get3A_4 = vector.load %arg1[%get3A_2, %get3A_3] : memref<128x32xf32, #tpu.memory_space<vmem>>, vector<128x32xf32>
    %dot_general3A = arith.constant dense<0.000000e+00> : vector<10000x32xf32>
    %dot_general3A_5 = tpu.matmul %get3A_1, %get3A_4, %dot_general3A {dimension_numbers = #tpu.dot_dimension_numbers<[1], [0], [0], [1], [0, 0, 1, 1], [], []>, transpose_lhs_hint = false} : vector<10000x128xf32>, vector<128x32xf32>, vector<10000x32xf32> -> vector<10000x32xf32>
    %swap3A = arith.constant 0 : index
    %swap3A_6 = arith.constant 0 : index
    %swap3A_7 = vector.load %arg2[%swap3A, %swap3A_6] : memref<10000x32xf32, #tpu.memory_space<vmem>>, vector<10000x32xf32>
    tpu.vector_store %arg2[%swap3A, %swap3A_6], %dot_general3A_5 {strides = array<i32>} : memref<10000x32xf32, #tpu.memory_space<vmem>>, vector<10000x32xf32>,
    return
  }
}

module attributes {stable_mosaic.version = 14 : i64} {
  func.func @_g_body(%arg0: memref<10000x32xf32, #tpu.memory_space<vmem>>, %arg1: memref<2x10112xf32, #tpu.memory_space<vmem>>, %arg2: memref<10000x32xf32, #tpu.memory_space<vmem>>) attributes {dimension_semantics = [], scalar_prefetch = 0 : i64, scratch_operands = 0 : i64, tpu.core_type = #tpu.core_type<tc>} {
    %get3A = arith.constant 0 : index
    %get3A_0 = arith.constant 0 : index
    %get3A_1 = vector.load %arg1[%get3A, %get3A_0] : memref<2x10112xf32, #tpu.memory_space<vmem>>, vector<1x10000xf32>
    %get3A_2 = vector.shape_cast %get3A_1 : vector<1x10000xf32> to vector<10000xf32>
    %get3A_3 = arith.constant 1 : index
    %get3A_4 = arith.constant 0 : index
    %get3A_5 = vector.load %arg1[%get3A_3, %get3A_4] : memref<2x10112xf32, #tpu.memory_space<vmem>>, vector<1x10000xf32>
    %get3A_6 = vector.shape_cast %get3A_5 : vector<1x10000xf32> to vector<10000xf32>
    %add3A = arith.addf %get3A_2, %get3A_6 : vector<10000xf32>
    %mul3A = arith.constant 1.250000e-01 : f32
    %mul3A_7 = vector.broadcast %mul3A : f32 to vector<10000xf32>
    %mul3A_8 = arith.mulf %add3A, %mul3A_7 : vector<10000xf32>
    %add3A_9 = arith.constant 1.000000e+00 : f32
    %add3A_10 = vector.broadcast %add3A_9 : f32 to vector<10000xf32>
    %add3A_11 = arith.addf %mul3A_8, %add3A_10 : vector<10000xf32>
    %rsqrt3A = math.rsqrt %add3A_11 : vector<10000xf32>
    %get3A_12 = arith.constant 0 : index
    %get3A_13 = arith.constant 0 : index
    %get3A_14 = vector.load %arg0[%get3A_12, %get3A_13] : memref<10000x32xf32, #tpu.memory_space<vmem>>, vector<10000x32xf32>
    %broadcast_in_dim3A = vector.shape_cast %rsqrt3A : vector<10000xf32> to vector<10000x1xf32>
    %mul3A_15 = vector.broadcast %broadcast_in_dim3A : vector<10000x1xf32> to vector<10000x32xf32>
    %mul3A_16 = arith.mulf %get3A_14, %mul3A_15 : vector<10000x32xf32>
    %swap3A = arith.constant 0 : index
    %swap3A_17 = arith.constant 0 : index
    %swap3A_18 = vector.load %arg2[%swap3A, %swap3A_17] : memref<10000x32xf32, #tpu.memory_space<vmem>>, vector<10000x32xf32>
    tpu.vector_store %arg2[%swap3A, %swap3A_17], %mul3A_16 {strides = array<i32>} : memref<10000x32xf32, #tpu.memory_space<vmem>>, vector<10000x32xf32>,
    return
  }
}

module attributes {stable_mosaic.version = 14 : i64} {
  func.func @_out_body(%arg0: memref<2x10112x32xf32, #tpu.memory_space<vmem>>, %arg1: memref<10000x32xf32, #tpu.memory_space<vmem>>, %arg2: memref<2x10112xf32, #tpu.memory_space<vmem>>, %arg3: memref<1x32xf32, #tpu.memory_space<vmem>>, %arg4: memref<32x32xf32, #tpu.memory_space<vmem>>, %arg5: memref<1x32xf32, #tpu.memory_space<vmem>>, %arg6: memref<10000x32xf32, #tpu.memory_space<vmem>>) attributes {dimension_semantics = [], scalar_prefetch = 0 : i64, scratch_operands = 0 : i64, tpu.core_type = #tpu.core_type<tc>} {
    %get3A = arith.constant 0 : index
    %get3A_0 = arith.constant 0 : index
    %get3A_1 = vector.load %arg2[%get3A, %get3A_0] : memref<2x10112xf32, #tpu.memory_space<vmem>>, vector<1x10000xf32>
    %get3A_2 = vector.shape_cast %get3A_1 : vector<1x10000xf32> to vector<10000xf32>
    %get3A_3 = arith.constant 1 : index
    %get3A_4 = arith.constant 0 : index
    %get3A_5 = vector.load %arg2[%get3A_3, %get3A_4] : memref<2x10112xf32, #tpu.memory_space<vmem>>, vector<1x10000xf32>
    %get3A_6 = vector.shape_cast %get3A_5 : vector<1x10000xf32> to vector<10000xf32>
    %add3A = arith.addf %get3A_2, %get3A_6 : vector<10000xf32>
    %mul3A = arith.constant 1.250000e-01 : f32
    %mul3A_7 = vector.broadcast %mul3A : f32 to vector<10000xf32>
    %mul3A_8 = arith.mulf %add3A, %mul3A_7 : vector<10000xf32>
    %add3A_9 = arith.constant 1.000000e+00 : f32
    %add3A_10 = vector.broadcast %add3A_9 : f32 to vector<10000xf32>
    %add3A_11 = arith.addf %mul3A_8, %add3A_10 : vector<10000xf32>
    %rsqrt3A = math.rsqrt %add3A_11 : vector<10000xf32>
    %get3A_12 = arith.constant 0 : index
    %get3A_13 = arith.constant 0 : index
    %get3A_14 = arith.constant 0 : index
    %get3A_15 = vector.load %arg0[%get3A_12, %get3A_13, %get3A_14] : memref<2x10112x32xf32, #tpu.memory_space<vmem>>, vector<1x10000x32xf32>
    %get3A_16 = vector.shape_cast %get3A_15 : vector<1x10000x32xf32> to vector<10000x32xf32>
    %get3A_17 = arith.constant 1 : index
    %get3A_18 = arith.constant 0 : index
    %get3A_19 = arith.constant 0 : index
    %get3A_20 = vector.load %arg0[%get3A_17, %get3A_18, %get3A_19] : memref<2x10112x32xf32, #tpu.memory_space<vmem>>, vector<1x10000x32xf32>
    %get3A_21 = vector.shape_cast %get3A_20 : vector<1x10000x32xf32> to vector<10000x32xf32>
    %add3A_22 = arith.addf %get3A_16, %get3A_21 : vector<10000x32xf32>
    %get3A_23 = arith.constant 0 : index
    %get3A_24 = arith.constant 0 : index
    %get3A_25 = vector.load %arg1[%get3A_23, %get3A_24] : memref<10000x32xf32, #tpu.memory_space<vmem>>, vector<10000x32xf32>
    %add3A_26 = arith.addf %add3A_22, %get3A_25 : vector<10000x32xf32>
    %broadcast_in_dim3A = vector.shape_cast %rsqrt3A : vector<10000xf32> to vector<10000x1xf32>
    %mul3A_27 = vector.broadcast %broadcast_in_dim3A : vector<10000x1xf32> to vector<10000x32xf32>
    %mul3A_28 = arith.mulf %add3A_26, %mul3A_27 : vector<10000x32xf32>
    %get3A_29 = arith.constant 0 : index
    %get3A_30 = arith.constant 0 : index
    %get3A_31 = vector.load %arg3[%get3A_29, %get3A_30] : memref<1x32xf32, #tpu.memory_space<vmem>>, vector<1x32xf32>
    %add3A_32 = vector.broadcast %get3A_31 : vector<1x32xf32> to vector<10000x32xf32>
    %add3A_33 = arith.addf %mul3A_28, %add3A_32 : vector<10000x32xf32>
    %max3A = arith.constant 0.000000e+00 : f32
    %max3A_34 = vector.broadcast %max3A : f32 to vector<10000x32xf32>
    %max3A_35 = arith.maximumf %add3A_33, %max3A_34 : vector<10000x32xf32>
    %get3A_36 = arith.constant 0 : index
    %get3A_37 = arith.constant 0 : index
    %get3A_38 = vector.load %arg4[%get3A_36, %get3A_37] : memref<32x32xf32, #tpu.memory_space<vmem>>, vector<32x32xf32>
    %dot_general3A = arith.constant dense<0.000000e+00> : vector<10000x32xf32>
    %dot_general3A_39 = tpu.matmul %max3A_35, %get3A_38, %dot_general3A {dimension_numbers = #tpu.dot_dimension_numbers<[1], [0], [0], [1], [0, 0, 1, 1], [], []>, transpose_lhs_hint = false} : vector<10000x32xf32>, vector<32x32xf32>, vector<10000x32xf32> -> vector<10000x32xf32>
    %get3A_40 = arith.constant 0 : index
    %get3A_41 = arith.constant 0 : index
    %get3A_42 = vector.load %arg5[%get3A_40, %get3A_41] : memref<1x32xf32, #tpu.memory_space<vmem>>, vector<1x32xf32>
    %add3A_43 = vector.broadcast %get3A_42 : vector<1x32xf32> to vector<10000x32xf32>
    %add3A_44 = arith.addf %dot_general3A_39, %add3A_43 : vector<10000x32xf32>
    %max3A_45 = arith.constant 0.000000e+00 : f32
    %max3A_46 = vector.broadcast %max3A_45 : f32 to vector<10000x32xf32>
    %max3A_47 = arith.maximumf %add3A_44, %max3A_46 : vector<10000x32xf32>
    %swap3A = arith.constant 0 : index
    %swap3A_48 = arith.constant 0 : index
    %swap3A_49 = vector.load %arg6[%swap3A, %swap3A_48] : memref<10000x32xf32, #tpu.memory_space<vmem>>, vector<10000x32xf32>
    tpu.vector_store %arg6[%swap3A, %swap3A_48], %max3A_47 {strides = array<i32>} : memref<10000x32xf32, #tpu.memory_space<vmem>>, vector<10000x32xf32>,
    return
  }
}

</mosaic_0001>

<sc_bundles>
// kernel: kernel.10.cloned.1.call-start
scs
__scs_entry_jumppad:
0x0: {  	(pc) =	sbr.rel $0x88, $3  }
0x1: {  	(tag) =	ssettag $0x0;
	lr =	simm.s32 $0x1  }
0x2: {  	[smem:$0x3F9B] =	sst lr;
	_ =	strace $0xD0000000  }
0x3: {  	_ = 	snop  }
0x4: {  	_ = 	snop  }
0x5: {  	_ = 	snop  }
0x6: {  	_ = 	snop  }
0x7: {  	_ = 	snop  }
__scs_overlays_trampoline_lowered:
0x8: {  	[smem:$0x3FAA] =	sst s0  }
0x9: {  	[smem:$0x3FAB] =	sst s1  }
0xa: {  	[smem:$0x3FAC] =	sst s2  }
0xb: {  	[smem:$0x3FAD] =	sst s3  }
0xc: {  	[smem:$0x3FAE] =	sst s4  }
0xd: {  	[smem:$0x3FAF] =	sst s5  }
0xe: {  	[smem:$0x3FB0] =	sst s6  }
0xf: {  	[smem:$0x3FB1] =	sst s7  }
0x10: {  	[smem:$0x3FB2] =	sst s8  }
0x11: {  	[smem:$0x3FB3] =	sst s9;
	s0 =	simm.s32 @!p0 $0x0  }
0x12: {  	s1 =	sld [smem:$0x3F99];
	s0 =	simm.s32 @p0 $0x1  }
0x13: {  	[smem:$0x3FB4] =	sst s0;
	s0 =	simm.s32 @!p1 $0x0  }
0x14: {  	s2 =	sld [smem:$0x3F98];
	s0 =	simm.s32 @p1 $0x1  }
0x15: {  	[smem:$0x3FB5] =	sst s0;
	s0 =	simm.s32 @!p2 $0x0  }
0x16: {  	s3 =	sld [smem:$0x3FDB];
	s0 =	simm.s32 @p2 $0x1  }
0x17: {  	s4 =	simm.s32 $0x1BF5;
	[smem:$0x3FB7] =	sst s0  }
0x18: {  	s0 =	sld [smem:$0x3F9A];
	_ =	swait.ge [sflag:s4], $0x0  }
0x19: {  	s7 =	sld [smem:$0x3F9B]  }
0x1a: {  	s8 =	sadd.s32 $0xFFFFE003, lr  }
0x1b: {  	s9 =	sadd.s32 $0xFFFFFEF7, lr;
	s5 =	simm.s32 $0xFFFFFFFF;
	p2 =	slt.u32 s8, $0xFFFFF086  }
0x1c: {  	p1 =	slt.u32 s9, $0xF7A;
	s5 =	simm.s32 @!p2 $0x0  }
0x1d: {  	s5 =	simm.s32 @p1 $0x1;
	p0 =	seq.s32 s7, s2  }
0x1e: {  	s7 =	smul.u32 @!p0 $0xF7A, s2;
	p2 =	seq.s32 @!p0 s5, $0x0  }
0x1f: {  	s9 =	smul.u32 $0xF7A, s1;
	s8 =	simm.s32 @!p0 $0x1BF5;
	p2 =	por !p2, p0  }
0x20: {  	[sflag:s8] =	ssyncset.s32 @!p0 $0xFFFFF086;
	s6 =	sadd.s32 @!p0 s3, s7;
	s7 =	simm.s32 @!p0 $0x108  }
0x21: {  	s3 =	sadd.s32 s3, s9;
	s6 =	sadd.s32 @!p0 $0x88, s6;
	s7 =	simm.s32 @p2 $0x1082  }
0x22: {  	[simem:s7], [sflag:s8] =	dma.local @!p0 [hbm:s6], $0xF7A  }
0x23: {  	s9 =	sor.u32 $0xD0000000, s2;
	s6 =	simm.s32 $0x108;
	_ =	swait.ge @!p0 [sflag:s8], $0x0  }
0x24: {  	s3 =	sadd.s32 $0x88, s3;
	s6 =	simm.s32 @!p1 $0x1082;
	[sflag:s4] =	ssyncset.s32 $0xFFFFF086  }
0x25: {  	[simem:s6], [sflag:s4] =	dma.local [hbm:s3], $0xF7A  }
0x26: {  	[smem:$0x3F9B] =	sst s1;
	(tag) =	ssettag s2;
	_ =	strace s9  }
0x27: {  	s1 =	sld [smem:$0x3FAB]  }
0x28: {  	s2 =	sld [smem:$0x3FAC]  }
0x29: {  	s4 =	sld [smem:$0x3FAE]  }
0x2a: {  	p0 =	seq.s32 s5, $0x0;
	s5 =	sld [smem:$0x3FAF]  }
0x2b: {  	s6 =	sld [smem:$0x3FB0]  }
0x2c: {  	s7 =	sld [smem:$0x3FB1]  }
0x2d: {  	s3 =	simm.s32 $0x108;
	s8 =	sld [smem:$0x3FB2]  }
0x2e: {  	s3 =	simm.s32 @!p0 $0x1082;
	s9 =	sld [smem:$0x3FB3]  }
0x2f: {  	lr =	sadd.s32 s0, s3;
	s0 =	sld [smem:$0x3FAA]  }
0x30: {  	s3 =	sld [smem:$0x3FAD]  }
0x31: {  	[smem:$0x3FB6] =	sst s10  }
0x32: {  	s10 =	sld [smem:$0x3FB4];
	_ =	sdelay $0x3  }
0x33: {  	p0 =	seq.s32 s10, $0x1;
	s10 =	sld [smem:$0x3FB6];
	_ =	sdelay $0x3  }
0x34: {  	[smem:$0x3FB6] =	sst s10  }
0x35: {  	s10 =	sld [smem:$0x3FB5];
	_ =	sdelay $0x3  }
0x36: {  	p1 =	seq.s32 s10, $0x1;
	s10 =	sld [smem:$0x3FB6];
	_ =	sdelay $0x3  }
0x37: {  	[smem:$0x3FB6] =	sst s10  }
0x38: {  	s10 =	sld [smem:$0x3FB7]  }
0x39: {  	_ = 	snop;
	(pc) =	sbr.ind lr, $3  }
0x3a: {  	_ = 	snop  }
0x3b: {  	_ = 	snop  }
0x3c: {  	p2 =	seq.s32 s10, $0x1;
	s10 =	sld [smem:$0x3FB6]  }
0x3d: {  	_ =	shalt  }
0x3e: {  	_ =	shalt  }
0x3f: {  	_ =	shalt  }
0x40: {  	_ =	shalt  }
0x41: {  	_ =	shalt  }
0x42: {  	_ =	shalt  }
0x43: {  	_ =	shalt  }
0x44: {  	_ =	shalt  }
0x45: {  	_ =	shalt  }
0x46: {  	_ =	shalt  }
0x47: {  	_ =	shalt  }
0x48: {  	_ =	shalt  }
0x49: {  	_ =	shalt  }
0x4a: {  	_ =	shalt  }
0x4b: {  	_ =	shalt  }
0x4c: {  	_ =	shalt  }
0x4d: {  	_ =	shalt  }
0x4e: {  	_ =	shalt  }
0x4f: {  	_ =	shalt  }
0x50: {  	_ =	shalt  }
0x51: {  	_ =	shalt  }
0x52: {  	_ =	shalt  }
0x53: {  	_ =	shalt  }
0x54: {  	_ =	shalt  }
0x55: {  	_ =	shalt  }
0x56: {  	_ =	shalt  }
0x57: {  	_ =	shalt  }
0x58: {  	_ =	shalt  }
0x59: {  	_ =	shalt  }
0x5a: {  	_ =	shalt  }
0x5b: {  	_ =	shalt  }
0x5c: {  	_ =	shalt  }
0x5d: {  	_ =	shalt  }
0x5e: {  	_ =	shalt  }
0x5f: {  	_ =	shalt  }
0x60: {  	_ =	shalt  }
0x61: {  	_ =	shalt  }
0x62: {  	_ =	shalt  }
0x63: {  	_ =	shalt  }
0x64: {  	_ =	shalt  }
0x65: {  	_ =	shalt  }
0x66: {  	_ =	shalt  }
0x67: {  	_ =	shalt  }
0x68: {  	_ =	shalt  }
0x69: {  	_ =	shalt  }
0x6a: {  	_ =	shalt  }
0x6b: {  	_ =	shalt  }
0x6c: {  	_ =	shalt  }
0x6d: {  	_ =	shalt  }
0x6e: {  	_ =	shalt  }
0x6f: {  	_ =	shalt  }
0x70: {  	_ =	shalt  }
0x71: {  	_ =	shalt  }
0x72: {  	_ =	shalt  }
0x73: {  	_ =	shalt  }
0x74: {  	_ =	shalt  }
0x75: {  	_ =	shalt  }
0x76: {  	_ =	shalt  }
0x77: {  	_ =	shalt  }
0x78: {  	_ =	shalt  }
0x79: {  	_ =	shalt  }
0x7a: {  	_ =	shalt  }
0x7b: {  	_ =	shalt  }
0x7c: {  	_ =	shalt  }
0x7d: {  	_ =	shalt  }
0x7e: {  	_ =	shalt  }
0x7f: {  	_ =	shalt  }
0x80: {  	_ =	shalt  }
0x81: {  	_ =	shalt  }
0x82: {  	_ =	shalt  }
0x83: {  	_ =	shalt  }
0x84: {  	_ =	shalt  }
0x85: {  	_ =	shalt  }
0x86: {  	_ =	shalt  }
0x87: {  	_ =	shalt  }
.Lfunc_end0:
.L_simem_size_0:
called_computation.1_lowered:
.L_overlay_start_0:
0x88: {  	s2 =	sld [smem:$0x3FD9]  }
0x89: {  	s3 =	sld [smem:$0x3FFE];
	_ =	sdelay $0x1  }
0x8a: {  	s1 =	srdreg.scid  }
0x8b: {  	s0 =	sand.u32 $0x1, s1  }
0x8c: {  	s17 =	sshll.u32 s0, $0xA;
	s2 =	sadd.s32 s3, s2  }
0x8d: {  	s2 =	sadd.s32 s2, s17  }
0x8e: {  	[smem:$0x3FC2] =	sst s2  }
0x8f: {  	_ = 	snop  }
0x90: {  	s2 =	sld [smem:$0x3FD0];
	(tm) =	ssettm $0x1  }
0x91: {  	s18 =	sld [smem:$0x3FFB];
	_ =	sdelay $0x3  }
0x92: {  	_ =	strace s18  }
0x93: {  	s3 =	sld [smem:$0x3FFC];
	_ =	sdelay $0x3  }
0x94: {  	_ =	strace s3  }
0x95: {  	s3 =	sld [smem:$0x3FFD];
	_ =	sdelay $0x3  }
0x96: {  	_ =	strace s3  }
0x97: {  	_ =	strace $0x8FFFFFFF  }
0x98: {  	s19 =	sld [smem:$0x3FDB];
	_ =	sdelay $0x1  }
0x99: {  	s4 =	simm.s32 $_scs_section_size  }
0x9a: {  	s5 =	simm.s32 $_size__tile_overlayer_lowered;
	s6 =	simm.s32 $_tile_overlayer_lowered  }
0x9b: {  	s22 =	simm.s32 $0x1BFF;
	s21 =	sshll.u32 s6, $0x1;
	s3 =	sadd.s32 s4, s19  }
0x9c: {  	s7 =	simm.s32 $0x0;
	s20 =	sshll.u32 s5, $0x1;
	s5 =	sadd.s32 s21, s3  }
0x9d: {  	[timem:s7], [sflag:s22] =	dma.local [hbm:s5], s20  }
0x9e: {  	_ =	swait.ge [sflag:s22], s20  }
0x9f: {  	s4 =	ssub.s32 $0x0, s20;
	[sflag:s22] =	ssyncset.done $0x0  }
0xa0: {  	[sflag:s22] =	ssyncadd.s32 s4;
	_ =	sdelay $0x1  }
0xa1: {  	s23 =	simm.s32 $0x1B8B  }
0xa2: {  	_ =	swait.ge [sflag:s23], $0x1  }
0xa3: {  	[sflag:s23] =	ssyncset.done $0x0  }
0xa4: {  	s25 =	simm.s32 $0x1B8E;
	s24 =	sld [smem:$0x3FFE];
	[sflag:s23] =	ssyncadd.s32 $0xFFFFFFFF  }
0xa5: {  	s26 =	simm.s32 $execute0_lowered;
	[smem:$0x3FD2] =	sst s25  }
0xa6: {  	s5 =	sshll.u32 s26, $0x1;
	_ =	strace $0x80000049;
	[dreg:$0x1] =	wrdreg $0xFFFFFFFF  }
0xa7: {  	s28 =	simm.s32 $_size_execute0_lowered;
	s3 =	sadd.s32 s3, s5;
	[dreg:$0x0] =	wrdreg $0x0  }
0xa8: {  	s5 =	sshll.u32 s28, $0x1;
	[dreg:$0x2] =	wrdreg s3  }
0xa9: {  	[dreg:$0x3] =	wrdreg s5  }
0xaa: {  	[dreg:$0x4] =	wrdreg $0xC0  }
0xab: {  	_ =	task [dreg:s7], $0x5FFFF  }
0xac: {  	[dreg:$0x1] =	wrdreg $0xFFFFFFFF  }
0xad: {  	[dreg:$0x0] =	wrdreg $0x60  }
0xae: {  	[dreg:$0x2] =	wrdreg s24  }
0xaf: {  	[dreg:$0x3] =	wrdreg s2  }
0xb0: {  	[dreg:$0x4] =	wrdreg $0x16D000  }
0xb1: {  	[dreg:$0x5] =	wrdreg $0x11E000  }
0xb2: {  	[dreg:$0x6] =	wrdreg $0x9  }
0xb3: {  	_ =	task.clear_ibuf [dreg:s7], $0x7FFFF;
	_ =	strace $0x90000049  }
0xb4: {  	s29 =	simm.s32 $0x9;
	_ =	strace $0x8000004B  }
0xb5: {  	_ =	swait.ge [sflag:s29], $0x1  }
0xb6: {  	[sflag:s29] =	ssyncadd.s32 $0xFFFFFFFF  }
0xb7: {  	_ =	strace $0x9000004B  }
0xb8: {  	_ =	sfence  }
0xb9: {  	s30 =	sld [smem:$0x0];
	_ =	sdelay $0x2  }
0xba: {  	s31 =	sshll.u32 s1, $0xD;
	s1 =	sshrl.u32 s1, $0x2  }
0xbb: {  	s3 =	sand.u32 $0x4000, s31;
	s1 =	sadd.s32 s1, s30  }
0xbc: {  	s0 =	sor.u32 s3, s0;
	s1 =	sshll.u32 s1, $0x11  }
0xbd: {  	s0 =	sor.u32 s1, s0  }
0xbe: {  	s0 =	sadd.s32 $0x8F2B, s0  }
0xbf: {  	[sflag:s0] =	ssyncadd.remote.s32 $0x1  }
0xc0: {  	_ =	sfence.sel $0xFFFF  }
0xc1: {  	[dreg:$0x0] =	wrdreg $0xFFFFFFFF;
	(pc) =	sbr.abs _section_cstart, $3  }
0xc2: {  	[dreg:$0x1] =	wrdreg $0xFFFFFFFF  }
0xc3: {  	_ =	task.clear_ibuf [dreg:s7], $0x2FFFF;
	_ =	strace $0x9FFFFFFF  }
0xc4: {  	(tm) =	ssettm $0x7FFFFFFF  }
0xc5: {  	_ =	shalt  }
tec
execute0_lowered:
.L_overlay_start_1:
0x0: {  	(tag) =	ssettag $0x1  }
0x1: {  	s0 =	rddreg [dreg:$0x0]  }
0x2: {  	s1 =	rddreg [dreg:$0x1]  }
0x3: {  	s2 =	rddreg [dreg:$0x2]  }
0x4: {  	s3 =	rddreg [dreg:$0x3]  }
0x5: {  	s11 =	stileid.u32;
	s5 =	srdreg.scid;
	s4 =	simm.s32 $0x0  }
0x6: {  	s14 =	simm.s32 $0xCF00;
	s15 =	simm.s32 $0x80;
	s16 =	simm.s32 $0x4F00  }
0x7: {  	s17 =	simm.s32 $0x5F00;
	s18 =	simm.s32 $0x6F00;
	s19 =	simm.s32 $0x7F00  }
0x8: {  	s20 =	simm.s32 $0x8F00;
	s21 =	simm.s32 $0x9F00;
	s22 =	simm.s32 $0xAF00  }
0x9: {  	s23 =	simm.s32 $0xBF00;
	s24 =	simm.s32 $0x1;
	s25 =	simm.s32 $0x2  }
0xa: {  	s30 =	simm.s32 $0x4D80;
	s31 =	simm.s32 $0x4E00;
	s8 =	smul.u32 $0x4E20, s11  }
0xb: {  	s5 =	sand.u32 $0x1, s5;
	s9 =	smul.u32 $0x4F00, s11;
	[smem:$0x7FF] =	sst s4  }
0xc: {  	s6 =	sshll.u32 s5, $0x4;
	s7 =	smul.u32 $0x4F000, s5;
	_ =	strace $0x8000004A  }
0xd: {  	s5 =	ssub.s32 $0x2, s5;
	s10 =	sshrl.u32 s8, $0x3;
	s6 =	sor.u32 s11, s6  }
0xe: {  	s29 =	sshrl.u32 s5, $0x1;
	s8 =	sadd.s32 s8, s2;
	s6 =	smul.u32 $0x4F0, s6  }
0xf: {  	s7 =	sadd.s32 s9, s7;
	s10 =	sadd.s32 s10, s0;
	s11 =	ssub.s32 s5, s29  }
0x10: {  	s9 =	sadd.s32 s9, s3;
	s7 =	sshrl.u32 s7, $0x3;
	s11 =	smax.u32 s11, $0x1  }
0x11: {  	s12 =	sadd.s32 s6, s0;
	s0 =	sadd.s32 s7, s0;
	s5 =	sadd.s32 s1, s6  }
0x12: {  	s7 =	sadd.s32 $0x1C00, s10;
	s1 =	simm.s32 $0x0;
	s6 =	sadd.s32 $0x16600, s12  }
0x13: {  	v0 =	vimm.f32 $0.0e+00;
	s10 =	sadd.s32 $0x20400, s0;
	s12 =	simm.s32 $0x3;
	s0 =	simm.s32 $0x4E80  }
.LBB2_1:
0x14: {  	[tilespmem:s4], [sflag:$0x3] =	stream.linear.gather [hbm4b:s5+s4], $0x2780, $0x38;
	[tilespmem:$0x1BB20] =	vst v63  }
0x15: {  	_ =	swait.ge [sflag:s12], $0x2780  }
0x16: {  	[sflag:s12] =	ssyncset.done $0x0  }
0x17: {  	s13 =	simm.s32 $0x2780;
	[sflag:s12] =	ssyncadd.s32 $0xFFFFD880  }
0x18: {  	[tilespmem:s13], [sflag:$0x3] =	stream.linear.gather [hbm4b:s6+s4], $0x2780, $0x38;
	[tilespmem:$0x1BB20] =	vst v63  }
0x19: {  	_ =	swait.ge [sflag:s12], $0x2780  }
0x1a: {  	[sflag:s12] =	ssyncset.done $0x0  }
0x1b: {  	[sflag:s12] =	ssyncadd.s32 $0xFFFFD880  }
0x1c: {  	[tilespmem:s14], [sflag:$0x3] =	stream.linear.gather [hbm4b:s7+s4], $0x4E20, $0x38;
	[tilespmem:$0x1BB20] =	vst v63  }
0x1d: {  	_ =	swait.ge [sflag:s12], $0x4E20  }
0x1e: {  	[sflag:s12] =	ssyncset.done $0x0  }
0x1f: {  	[sflag:s12] =	ssyncadd.s32 $0xFFFFB1E0  }
0x20: {  	[spmem:s8] =	stream.linear.scatter [tilespmem:s14], [sflag:$0x3], $0x4E20, $0x38;
	[tilespmem:$0x1BB20] =	vst v63  }
0x21: {  	_ =	swait.ge [sflag:s12], $0x4E20  }
0x22: {  	[sflag:s12] =	ssyncset.done $0x0  }
0x23: {  	s26 =	simm.s32 $0x0;
	s13 =	simm.s32 $0x80;
	[sflag:s12] =	ssyncadd.s32 $0xFFFFB1E0  }
.LBB2_2:
0x24: {  	p0 =	sne.s32 s13, $0x13B80;
	[tilespmem:s26+$0xCF00] =	vst v0;
	s28 =	smov.u32 s13;
	s13 =	sadd.s32 $0x80, s13  }
.Ltmp0:
0x25: {  	[tilespmem:s26+$0xCF10] =	vst v0;
	(pc) =	sbr.rel @p0 .LBB2_2-.Ltmp0, $2  }
0x26: {  	_ =	sdelay $0x2  }
0x27: {  	s26 =	sshra.s32 s28, $0x2  }
0x28: {  	[tilespmem:s26+$0xCF00] =	vst v0  }
0x29: {  	[tilespmem:s26+$0xCF10] =	vst v0  }
0x2a: {  	[spmem:s9] =	stream.linear.scatter [tilespmem:s14], [sflag:$0x3], $0x4F00, $0x38;
	[tilespmem:$0x1BB20] =	vst v63  }
0x2b: {  	_ =	swait.ge [sflag:s12], $0x4F00  }
0x2c: {  	[sflag:s12] =	ssyncset.done $0x0  }
0x2d: {  	[sflag:s12] =	ssyncadd.s32 $0xFFFFB100  }
0x2e: {  	s13 =	simm.s32 $0x0;
	[bflag:$0x0] =	sbarrier.arrive $0xFFFF  }
0x2f: {  	[tilespmem:s16], [sflag:$0x1] =	stream.indirect.gather [spmem:s2], $0x20, s13, s15, $0xb8;
	[tilespmem:$0x1BB20] =	vst v63  }
0x30: {  	s26 =	simm.s32 $0x80  }
0x31: {  	[tilespmem:s17], [sflag:$0x1] =	stream.indirect.gather [spmem:s2], $0x20, s26, s15, $0xb8;
	[tilespmem:$0x1BB20] =	vst v63  }
0x32: {  	s28 =	simm.s32 $0x100  }
0x33: {  	[tilespmem:s18], [sflag:$0x1] =	stream.indirect.gather [spmem:s2], $0x20, s28, s15, $0xb8;
	[tilespmem:$0x1BB20] =	vst v63  }
0x34: {  	s29 =	simm.s32 $0x180  }
0x35: {  	[tilespmem:s19], [sflag:$0x1] =	stream.indirect.gather [spmem:s2], $0x20, s29, s15, $0xb8;
	[tilespmem:$0x1BB20] =	vst v63  }
0x36: {  	s26 =	simm.s32 $0x200  }
0x37: {  	[tilespmem:s20], [sflag:$0x1] =	stream.indirect.gather [spmem:s2], $0x20, s26, s15, $0xb8;
	[tilespmem:$0x1BB20] =	vst v63  }
0x38: {  	s28 =	simm.s32 $0x280  }
0x39: {  	[tilespmem:s21], [sflag:$0x1] =	stream.indirect.gather [spmem:s2], $0x20, s28, s15, $0xb8;
	[tilespmem:$0x1BB20] =	vst v63  }
0x3a: {  	s29 =	simm.s32 $0x300  }
0x3b: {  	[tilespmem:s22], [sflag:$0x1] =	stream.indirect.gather [spmem:s2], $0x20, s29, s15, $0xb8;
	[tilespmem:$0x1BB20] =	vst v63  }
0x3c: {  	s26 =	simm.s32 $0x380  }
0x3d: {  	[tilespmem:s23], [sflag:$0x1] =	stream.indirect.gather [spmem:s2], $0x20, s26, s15, $0xb8;
	[tilespmem:$0x1BB20] =	vst v63  }
0x3e: {  	_ =	swait.ge [sflag:s24], $0x1000  }
0x3f: {  	[sflag:s24] =	ssyncset.done $0x0  }
0x40: {  	[sflag:s24] =	ssyncadd.s32 $0xFFFFF000  }
0x41: {  	_ =	swait.ge [sflag:s24], $0x1000  }
0x42: {  	[sflag:s24] =	ssyncset.done $0x0  }
0x43: {  	[sflag:s24] =	ssyncadd.s32 $0xFFFFF000  }
0x44: {  	_ =	swait.ge [sflag:s24], $0x1000  }
0x45: {  	[sflag:s24] =	ssyncset.done $0x0  }
0x46: {  	[sflag:s24] =	ssyncadd.s32 $0xFFFFF000  }
0x47: {  	_ =	swait.ge [sflag:s24], $0x1000  }
0x48: {  	[sflag:s24] =	ssyncset.done $0x0  }
0x49: {  	[sflag:s24] =	ssyncadd.s32 $0xFFFFF000  }
0x4a: {  	_ =	swait.ge [sflag:s24], $0x1000  }
0x4b: {  	[sflag:s24] =	ssyncset.done $0x0  }
0x4c: {  	[sflag:s24] =	ssyncadd.s32 $0xFFFFF000  }
0x4d: {  	_ =	swait.ge [sflag:s24], $0x1000  }
0x4e: {  	[sflag:s24] =	ssyncset.done $0x0  }
0x4f: {  	[sflag:s24] =	ssyncadd.s32 $0xFFFFF000  }
0x50: {  	_ =	swait.ge [sflag:s24], $0x1000  }
0x51: {  	[sflag:s24] =	ssyncset.done $0x0  }
0x52: {  	[sflag:s24] =	ssyncadd.s32 $0xFFFFF000  }
0x53: {  	_ =	swait.ge [sflag:s24], $0x1000  }
0x54: {  	[sflag:s24] =	ssyncset.done $0x0  }
0x55: {  	s28 =	simm.s32 $0x2780;
	[sflag:s24] =	ssyncadd.s32 $0xFFFFF000  }
0x56: {  	[spmem:s3] =	stream.indirect.scatter.add.f32 [tilespmem:s16], [sflag:$0x2], $0x20, s28, s15, $0xb8;
	[tilespmem:$0x1BB20] =	vst v63  }
0x57: {  	s29 =	simm.s32 $0x2800  }
0x58: {  	[spmem:s3] =	stream.indirect.scatter.add.f32 [tilespmem:s17], [sflag:$0x2], $0x20, s29, s15, $0xb8;
	[tilespmem:$0x1BB20] =	vst v63  }
0x59: {  	s26 =	simm.s32 $0x2880  }
0x5a: {  	[spmem:s3] =	stream.indirect.scatter.add.f32 [tilespmem:s18], [sflag:$0x2], $0x20, s26, s15, $0xb8;
	[tilespmem:$0x1BB20] =	vst v63  }
0x5b: {  	s28 =	simm.s32 $0x2900  }
0x5c: {  	[spmem:s3] =	stream.indirect.scatter.add.f32 [tilespmem:s19], [sflag:$0x2], $0x20, s28, s15, $0xb8;
	[tilespmem:$0x1BB20] =	vst v63  }
0x5d: {  	s29 =	simm.s32 $0x2980  }
0x5e: {  	[spmem:s3] =	stream.indirect.scatter.add.f32 [tilespmem:s20], [sflag:$0x2], $0x20, s29, s15, $0xb8;
	[tilespmem:$0x1BB20] =	vst v63  }
0x5f: {  	s26 =	simm.s32 $0x2A00  }
0x60: {  	[spmem:s3] =	stream.indirect.scatter.add.f32 [tilespmem:s21], [sflag:$0x2], $0x20, s26, s15, $0xb8;
	[tilespmem:$0x1BB20] =	vst v63  }
0x61: {  	s28 =	simm.s32 $0x2A80  }
0x62: {  	[spmem:s3] =	stream.indirect.scatter.add.f32 [tilespmem:s22], [sflag:$0x2], $0x20, s28, s15, $0xb8;
	[tilespmem:$0x1BB20] =	vst v63  }
0x63: {  	s29 =	simm.s32 $0x2B00  }
0x64: {  	[spmem:s3] =	stream.indirect.scatter.add.f32 [tilespmem:s23], [sflag:$0x2], $0x20, s29, s15, $0xb8;
	[tilespmem:$0x1BB20] =	vst v63  }
0x65: {  	_ =	swait.ge [sflag:s25], $0x1000  }
0x66: {  	[sflag:s25] =	ssyncset.done $0x0  }
0x67: {  	[sflag:s25] =	ssyncadd.s32 $0xFFFFF000  }
0x68: {  	_ =	swait.ge [sflag:s25], $0x1000  }
0x69: {  	[sflag:s25] =	ssyncset.done $0x0  }
0x6a: {  	[sflag:s25] =	ssyncadd.s32 $0xFFFFF000  }
0x6b: {  	_ =	swait.ge [sflag:s25], $0x1000  }
0x6c: {  	[sflag:s25] =	ssyncset.done $0x0  }
0x6d: {  	[sflag:s25] =	ssyncadd.s32 $0xFFFFF000  }
0x6e: {  	_ =	swait.ge [sflag:s25], $0x1000  }
0x6f: {  	[sflag:s25] =	ssyncset.done $0x0  }
0x70: {  	[sflag:s25] =	ssyncadd.s32 $0xFFFFF000  }
0x71: {  	_ =	swait.ge [sflag:s25], $0x1000  }
0x72: {  	[sflag:s25] =	ssyncset.done $0x0  }
0x73: {  	[sflag:s25] =	ssyncadd.s32 $0xFFFFF000  }
0x74: {  	_ =	swait.ge [sflag:s25], $0x1000  }
0x75: {  	[sflag:s25] =	ssyncset.done $0x0  }
0x76: {  	[sflag:s25] =	ssyncadd.s32 $0xFFFFF000  }
0x77: {  	_ =	swait.ge [sflag:s25], $0x1000  }
0x78: {  	[sflag:s25] =	ssyncset.done $0x0  }
0x79: {  	[sflag:s25] =	ssyncadd.s32 $0xFFFFF000  }
0x7a: {  	_ =	swait.ge [sflag:s25], $0x1000  }
0x7b: {  	s13 =	simm.s32 $0x1000;
	s26 =	simm.s32 $0x2000;
	[sflag:s25] =	ssyncset.done $0x0  }
.LBB2_4:
0x7c: {  	s28 =	sshra.s32 s13, $0x2  }
0x7d: {  	[sflag:s25] =	ssyncadd.s32 $0xFFFFF000;
	s13 =	smov.u32 s26;
	s29 =	sadd.s32 $0x1000, s26  }
0x7e: {  	[tilespmem:s16], [sflag:$0x1] =	stream.indirect.gather [spmem:s2], $0x20, s28, s15, $0xb8;
	[tilespmem:$0x1BB20] =	vst v63  }
0x7f: {  	p0 =	sne.s32 s26, $0x8000;
	s26 =	sadd.s32 $0x80, s28  }
0x80: {  	[tilespmem:s17], [sflag:$0x1] =	stream.indirect.gather [spmem:s2], $0x20, s26, s15, $0xb8;
	[tilespmem:$0x1BB20] =	vst v63  }
0x81: {  	s26 =	sadd.s32 $0x100, s28  }
0x82: {  	[tilespmem:s18], [sflag:$0x1] =	stream.indirect.gather [spmem:s2], $0x20, s26, s15, $0xb8;
	[tilespmem:$0x1BB20] =	vst v63  }
0x83: {  	s26 =	sadd.s32 $0x180, s28  }
0x84: {  	[tilespmem:s19], [sflag:$0x1] =	stream.indirect.gather [spmem:s2], $0x20, s26, s15, $0xb8;
	[tilespmem:$0x1BB20] =	vst v63  }
0x85: {  	s26 =	sadd.s32 $0x200, s28  }
0x86: {  	[tilespmem:s20], [sflag:$0x1] =	stream.indirect.gather [spmem:s2], $0x20, s26, s15, $0xb8;
	[tilespmem:$0x1BB20] =	vst v63  }
0x87: {  	s26 =	sadd.s32 $0x280, s28  }
0x88: {  	[tilespmem:s21], [sflag:$0x1] =	stream.indirect.gather [spmem:s2], $0x20, s26, s15, $0xb8;
	[tilespmem:$0x1BB20] =	vst v63  }
0x89: {  	s26 =	sadd.s32 $0x300, s28  }
0x8a: {  	[tilespmem:s22], [sflag:$0x1] =	stream.indirect.gather [spmem:s2], $0x20, s26, s15, $0xb8;
	[tilespmem:$0x1BB20] =	vst v63  }
0x8b: {  	s26 =	sadd.s32 $0x380, s28  }
0x8c: {  	[tilespmem:s23], [sflag:$0x1] =	stream.indirect.gather [spmem:s2], $0x20, s26, s15, $0xb8;
	[tilespmem:$0x1BB20] =	vst v63  }
0x8d: {  	_ =	swait.ge [sflag:s24], $0x1000  }
0x8e: {  	[sflag:s24] =	ssyncset.done $0x0  }
0x8f: {  	[sflag:s24] =	ssyncadd.s32 $0xFFFFF000  }
0x90: {  	_ =	swait.ge [sflag:s24], $0x1000  }
0x91: {  	[sflag:s24] =	ssyncset.done $0x0  }
0x92: {  	[sflag:s24] =	ssyncadd.s32 $0xFFFFF000  }
0x93: {  	_ =	swait.ge [sflag:s24], $0x1000  }
0x94: {  	[sflag:s24] =	ssyncset.done $0x0  }
0x95: {  	[sflag:s24] =	ssyncadd.s32 $0xFFFFF000  }
0x96: {  	_ =	swait.ge [sflag:s24], $0x1000  }
0x97: {  	[sflag:s24] =	ssyncset.done $0x0  }
0x98: {  	[sflag:s24] =	ssyncadd.s32 $0xFFFFF000  }
0x99: {  	_ =	swait.ge [sflag:s24], $0x1000  }
0x9a: {  	[sflag:s24] =	ssyncset.done $0x0  }
0x9b: {  	[sflag:s24] =	ssyncadd.s32 $0xFFFFF000  }
0x9c: {  	_ =	swait.ge [sflag:s24], $0x1000  }
0x9d: {  	[sflag:s24] =	ssyncset.done $0x0  }
0x9e: {  	[sflag:s24] =	ssyncadd.s32 $0xFFFFF000  }
0x9f: {  	_ =	swait.ge [sflag:s24], $0x1000  }
0xa0: {  	[sflag:s24] =	ssyncset.done $0x0  }
0xa1: {  	[sflag:s24] =	ssyncadd.s32 $0xFFFFF000  }
0xa2: {  	_ =	swait.ge [sflag:s24], $0x1000  }
0xa3: {  	[sflag:s24] =	ssyncset.done $0x0  }
0xa4: {  	s26 =	sadd.s32 $0x2780, s28;
	[sflag:s24] =	ssyncadd.s32 $0xFFFFF000  }
0xa5: {  	[spmem:s3] =	stream.indirect.scatter.add.f32 [tilespmem:s16], [sflag:$0x2], $0x20, s26, s15, $0xb8;
	[tilespmem:$0x1BB20] =	vst v63  }
0xa6: {  	s26 =	sadd.s32 $0x2800, s28  }
0xa7: {  	[spmem:s3] =	stream.indirect.scatter.add.f32 [tilespmem:s17], [sflag:$0x2], $0x20, s26, s15, $0xb8;
	[tilespmem:$0x1BB20] =	vst v63  }
0xa8: {  	s26 =	sadd.s32 $0x2880, s28  }
0xa9: {  	[spmem:s3] =	stream.indirect.scatter.add.f32 [tilespmem:s18], [sflag:$0x2], $0x20, s26, s15, $0xb8;
	[tilespmem:$0x1BB20] =	vst v63  }
0xaa: {  	s26 =	sadd.s32 $0x2900, s28  }
0xab: {  	[spmem:s3] =	stream.indirect.scatter.add.f32 [tilespmem:s19], [sflag:$0x2], $0x20, s26, s15, $0xb8;
	[tilespmem:$0x1BB20] =	vst v63  }
0xac: {  	s26 =	sadd.s32 $0x2980, s28  }
0xad: {  	[spmem:s3] =	stream.indirect.scatter.add.f32 [tilespmem:s20], [sflag:$0x2], $0x20, s26, s15, $0xb8;
	[tilespmem:$0x1BB20] =	vst v63  }
0xae: {  	s26 =	sadd.s32 $0x2A00, s28  }
0xaf: {  	[spmem:s3] =	stream.indirect.scatter.add.f32 [tilespmem:s21], [sflag:$0x2], $0x20, s26, s15, $0xb8;
	[tilespmem:$0x1BB20] =	vst v63  }
0xb0: {  	s26 =	sadd.s32 $0x2A80, s28  }
0xb1: {  	[spmem:s3] =	stream.indirect.scatter.add.f32 [tilespmem:s22], [sflag:$0x2], $0x20, s26, s15, $0xb8;
	[tilespmem:$0x1BB20] =	vst v63  }
0xb2: {  	s26 =	sadd.s32 $0x2B00, s28  }
0xb3: {  	[spmem:s3] =	stream.indirect.scatter.add.f32 [tilespmem:s23], [sflag:$0x2], $0x20, s26, s15, $0xb8;
	[tilespmem:$0x1BB20] =	vst v63  }
0xb4: {  	_ =	swait.ge [sflag:s25], $0x1000  }
0xb5: {  	[sflag:s25] =	ssyncset.done $0x0  }
0xb6: {  	[sflag:s25] =	ssyncadd.s32 $0xFFFFF000  }
0xb7: {  	_ =	swait.ge [sflag:s25], $0x1000  }
0xb8: {  	[sflag:s25] =	ssyncset.done $0x0  }
0xb9: {  	[sflag:s25] =	ssyncadd.s32 $0xFFFFF000  }
0xba: {  	_ =	swait.ge [sflag:s25], $0x1000  }
0xbb: {  	[sflag:s25] =	ssyncset.done $0x0  }
0xbc: {  	[sflag:s25] =	ssyncadd.s32 $0xFFFFF000  }
0xbd: {  	_ =	swait.ge [sflag:s25], $0x1000  }
0xbe: {  	[sflag:s25] =	ssyncset.done $0x0  }
0xbf: {  	[sflag:s25] =	ssyncadd.s32 $0xFFFFF000  }
0xc0: {  	_ =	swait.ge [sflag:s25], $0x1000  }
0xc1: {  	[sflag:s25] =	ssyncset.done $0x0  }
0xc2: {  	[sflag:s25] =	ssyncadd.s32 $0xFFFFF000  }
0xc3: {  	_ =	swait.ge [sflag:s25], $0x1000  }
0xc4: {  	[sflag:s25] =	ssyncset.done $0x0  }
0xc5: {  	[sflag:s25] =	ssyncadd.s32 $0xFFFFF000  }
.Ltmp1:
0xc6: {  	_ =	swait.ge [sflag:s25], $0x1000;
	(pc) =	sbr.rel @p0 .LBB2_4-.Ltmp1, $4  }
0xc7: {  	[sflag:s25] =	ssyncset.done $0x0  }
0xc8: {  	[sflag:s25] =	ssyncadd.s32 $0xFFFFF000  }
0xc9: {  	_ =	swait.ge [sflag:s25], $0x1000  }
0xca: {  	s26 =	smov.u32 s29;
	[sflag:s25] =	ssyncset.done $0x0  }
0xcb: {  	s13 =	sshra.s32 s13, $0x2;
	[sflag:s25] =	ssyncadd.s32 $0xFFFFF000  }
0xcc: {  	[tilespmem:s16], [sflag:$0x1] =	stream.indirect.gather [spmem:s2], $0x20, s13, s15, $0xb8;
	[tilespmem:$0x1BB20] =	vst v63  }
0xcd: {  	s26 =	sadd.s32 $0x80, s13  }
0xce: {  	[tilespmem:s17], [sflag:$0x1] =	stream.indirect.gather [spmem:s2], $0x20, s26, s15, $0xb8;
	[tilespmem:$0x1BB20] =	vst v63  }
0xcf: {  	s29 =	sadd.s32 $0x100, s13  }
0xd0: {  	[tilespmem:s18], [sflag:$0x1] =	stream.indirect.gather [spmem:s2], $0x20, s29, s15, $0xb8;
	[tilespmem:$0x1BB20] =	vst v63  }
0xd1: {  	s28 =	sadd.s32 $0x180, s13  }
0xd2: {  	[tilespmem:s19], [sflag:$0x1] =	stream.indirect.gather [spmem:s2], $0x20, s28, s15, $0xb8;
	[tilespmem:$0x1BB20] =	vst v63  }
0xd3: {  	s29 =	sadd.s32 $0x200, s13  }
0xd4: {  	[tilespmem:s20], [sflag:$0x1] =	stream.indirect.gather [spmem:s2], $0x20, s29, s15, $0xb8;
	[tilespmem:$0x1BB20] =	vst v63  }
0xd5: {  	s28 =	sadd.s32 $0x280, s13  }
0xd6: {  	[tilespmem:s21], [sflag:$0x1] =	stream.indirect.gather [spmem:s2], $0x20, s28, s15, $0xb8;
	[tilespmem:$0x1BB20] =	vst v63  }
0xd7: {  	s29 =	sadd.s32 $0x300, s13  }
0xd8: {  	[tilespmem:s22], [sflag:$0x1] =	stream.indirect.gather [spmem:s2], $0x20, s29, s15, $0xb8;
	[tilespmem:$0x1BB20] =	vst v63  }
0xd9: {  	s28 =	sadd.s32 $0x380, s13  }
0xda: {  	[tilespmem:s23], [sflag:$0x1] =	stream.indirect.gather [spmem:s2], $0x20, s28, s15, $0xb8;
	[tilespmem:$0x1BB20] =	vst v63  }
0xdb: {  	_ =	swait.ge [sflag:s24], $0x1000  }
0xdc: {  	[sflag:s24] =	ssyncset.done $0x0  }
0xdd: {  	[sflag:s24] =	ssyncadd.s32 $0xFFFFF000  }
0xde: {  	_ =	swait.ge [sflag:s24], $0x1000  }
0xdf: {  	[sflag:s24] =	ssyncset.done $0x0  }
0xe0: {  	[sflag:s24] =	ssyncadd.s32 $0xFFFFF000  }
0xe1: {  	_ =	swait.ge [sflag:s24], $0x1000  }
0xe2: {  	[sflag:s24] =	ssyncset.done $0x0  }
0xe3: {  	[sflag:s24] =	ssyncadd.s32 $0xFFFFF000  }
0xe4: {  	_ =	swait.ge [sflag:s24], $0x1000  }
0xe5: {  	[sflag:s24] =	ssyncset.done $0x0  }
0xe6: {  	[sflag:s24] =	ssyncadd.s32 $0xFFFFF000  }
0xe7: {  	_ =	swait.ge [sflag:s24], $0x1000  }
0xe8: {  	[sflag:s24] =	ssyncset.done $0x0  }
0xe9: {  	[sflag:s24] =	ssyncadd.s32 $0xFFFFF000  }
0xea: {  	_ =	swait.ge [sflag:s24], $0x1000  }
0xeb: {  	[sflag:s24] =	ssyncset.done $0x0  }
0xec: {  	[sflag:s24] =	ssyncadd.s32 $0xFFFFF000  }
0xed: {  	_ =	swait.ge [sflag:s24], $0x1000  }
0xee: {  	[sflag:s24] =	ssyncset.done $0x0  }
0xef: {  	[sflag:s24] =	ssyncadd.s32 $0xFFFFF000  }
0xf0: {  	_ =	swait.ge [sflag:s24], $0x1000  }
0xf1: {  	[sflag:s24] =	ssyncset.done $0x0  }
0xf2: {  	s29 =	sadd.s32 $0x2780, s13;
	[sflag:s24] =	ssyncadd.s32 $0xFFFFF000  }
0xf3: {  	[spmem:s3] =	stream.indirect.scatter.add.f32 [tilespmem:s16], [sflag:$0x2], $0x20, s29, s15, $0xb8;
	[tilespmem:$0x1BB20] =	vst v63  }
0xf4: {  	s28 =	sadd.s32 $0x2800, s13  }
0xf5: {  	[spmem:s3] =	stream.indirect.scatter.add.f32 [tilespmem:s17], [sflag:$0x2], $0x20, s28, s15, $0xb8;
	[tilespmem:$0x1BB20] =	vst v63  }
0xf6: {  	s29 =	sadd.s32 $0x2880, s13  }
0xf7: {  	[spmem:s3] =	stream.indirect.scatter.add.f32 [tilespmem:s18], [sflag:$0x2], $0x20, s29, s15, $0xb8;
	[tilespmem:$0x1BB20] =	vst v63  }
0xf8: {  	s28 =	sadd.s32 $0x2900, s13  }
0xf9: {  	[spmem:s3] =	stream.indirect.scatter.add.f32 [tilespmem:s19], [sflag:$0x2], $0x20, s28, s15, $0xb8;
	[tilespmem:$0x1BB20] =	vst v63  }
0xfa: {  	s29 =	sadd.s32 $0x2980, s13  }
0xfb: {  	[spmem:s3] =	stream.indirect.scatter.add.f32 [tilespmem:s20], [sflag:$0x2], $0x20, s29, s15, $0xb8;
	[tilespmem:$0x1BB20] =	vst v63  }
0xfc: {  	s28 =	sadd.s32 $0x2A00, s13  }
0xfd: {  	[spmem:s3] =	stream.indirect.scatter.add.f32 [tilespmem:s21], [sflag:$0x2], $0x20, s28, s15, $0xb8;
	[tilespmem:$0x1BB20] =	vst v63  }
0xfe: {  	s29 =	sadd.s32 $0x2A80, s13  }
0xff: {  	[spmem:s3] =	stream.indirect.scatter.add.f32 [tilespmem:s22], [sflag:$0x2], $0x20, s29, s15, $0xb8;
	[tilespmem:$0x1BB20] =	vst v63  }
0x100: {  	s13 =	sadd.s32 $0x2B00, s13  }
0x101: {  	[spmem:s3] =	stream.indirect.scatter.add.f32 [tilespmem:s23], [sflag:$0x2], $0x20, s13, s15, $0xb8;
	[tilespmem:$0x1BB20] =	vst v63  }
0x102: {  	_ =	swait.ge [sflag:s25], $0x1000  }
0x103: {  	[sflag:s25] =	ssyncset.done $0x0  }
0x104: {  	[sflag:s25] =	ssyncadd.s32 $0xFFFFF000  }
0x105: {  	_ =	swait.ge [sflag:s25], $0x1000  }
0x106: {  	[sflag:s25] =	ssyncset.done $0x0  }
0x107: {  	[sflag:s25] =	ssyncadd.s32 $0xFFFFF000  }
0x108: {  	_ =	swait.ge [sflag:s25], $0x1000  }
0x109: {  	[sflag:s25] =	ssyncset.done $0x0  }
0x10a: {  	[sflag:s25] =	ssyncadd.s32 $0xFFFFF000  }
0x10b: {  	_ =	swait.ge [sflag:s25], $0x1000  }
0x10c: {  	[sflag:s25] =	ssyncset.done $0x0  }
0x10d: {  	[sflag:s25] =	ssyncadd.s32 $0xFFFFF000  }
0x10e: {  	_ =	swait.ge [sflag:s25], $0x1000  }
0x10f: {  	[sflag:s25] =	ssyncset.done $0x0  }
0x110: {  	[sflag:s25] =	ssyncadd.s32 $0xFFFFF000  }
0x111: {  	_ =	swait.ge [sflag:s25], $0x1000  }
0x112: {  	[sflag:s25] =	ssyncset.done $0x0  }
0x113: {  	[sflag:s25] =	ssyncadd.s32 $0xFFFFF000  }
0x114: {  	_ =	swait.ge [sflag:s25], $0x1000  }
0x115: {  	[sflag:s25] =	ssyncset.done $0x0  }
0x116: {  	[sflag:s25] =	ssyncadd.s32 $0xFFFFF000  }
0x117: {  	_ =	swait.ge [sflag:s25], $0x1000  }
0x118: {  	[sflag:s25] =	ssyncset.done $0x0  }
0x119: {  	s28 =	simm.s32 $0x2400;
	[sflag:s25] =	ssyncadd.s32 $0xFFFFF000  }
0x11a: {  	[tilespmem:s16], [sflag:$0x1] =	stream.indirect.gather [spmem:s2], $0x20, s28, s15, $0xb8;
	[tilespmem:$0x1BB20] =	vst v63  }
0x11b: {  	s29 =	simm.s32 $0x2480  }
0x11c: {  	[tilespmem:s17], [sflag:$0x1] =	stream.indirect.gather [spmem:s2], $0x20, s29, s15, $0xb8;
	[tilespmem:$0x1BB20] =	vst v63  }
0x11d: {  	s26 =	simm.s32 $0x2500  }
0x11e: {  	[tilespmem:s18], [sflag:$0x1] =	stream.indirect.gather [spmem:s2], $0x20, s26, s15, $0xb8;
	[tilespmem:$0x1BB20] =	vst v63  }
0x11f: {  	s28 =	simm.s32 $0x2580  }
0x120: {  	[tilespmem:s19], [sflag:$0x1] =	stream.indirect.gather [spmem:s2], $0x20, s28, s15, $0xb8;
	[tilespmem:$0x1BB20] =	vst v63  }
0x121: {  	s29 =	simm.s32 $0x2600  }
0x122: {  	[tilespmem:s20], [sflag:$0x1] =	stream.indirect.gather [spmem:s2], $0x20, s29, s15, $0xb8;
	[tilespmem:$0x1BB20] =	vst v63  }
0x123: {  	s26 =	simm.s32 $0x2680  }
0x124: {  	[tilespmem:s21], [sflag:$0x1] =	stream.indirect.gather [spmem:s2], $0x20, s26, s15, $0xb8;
	[tilespmem:$0x1BB20] =	vst v63  }
0x125: {  	s28 =	simm.s32 $0x2700  }
0x126: {  	[tilespmem:s22], [sflag:$0x1] =	stream.indirect.gather [spmem:s2], $0x20, s28, s15, $0xb8;
	[tilespmem:$0x1BB20] =	vst v63  }
0x127: {  	_ =	swait.ge [sflag:s24], $0x1000  }
0x128: {  	[sflag:s24] =	ssyncset.done $0x0  }
0x129: {  	[sflag:s24] =	ssyncadd.s32 $0xFFFFF000  }
0x12a: {  	_ =	swait.ge [sflag:s24], $0x1000  }
0x12b: {  	[sflag:s24] =	ssyncset.done $0x0  }
0x12c: {  	[sflag:s24] =	ssyncadd.s32 $0xFFFFF000  }
0x12d: {  	_ =	swait.ge [sflag:s24], $0x1000  }
0x12e: {  	[sflag:s24] =	ssyncset.done $0x0  }
0x12f: {  	[sflag:s24] =	ssyncadd.s32 $0xFFFFF000  }
0x130: {  	_ =	swait.ge [sflag:s24], $0x1000  }
0x131: {  	[sflag:s24] =	ssyncset.done $0x0  }
0x132: {  	[sflag:s24] =	ssyncadd.s32 $0xFFFFF000  }
0x133: {  	_ =	swait.ge [sflag:s24], $0x1000  }
0x134: {  	[sflag:s24] =	ssyncset.done $0x0  }
0x135: {  	[sflag:s24] =	ssyncadd.s32 $0xFFFFF000  }
0x136: {  	_ =	swait.ge [sflag:s24], $0x1000  }
0x137: {  	[sflag:s24] =	ssyncset.done $0x0  }
0x138: {  	[sflag:s24] =	ssyncadd.s32 $0xFFFFF000  }
0x139: {  	_ =	swait.ge [sflag:s24], $0x1000  }
0x13a: {  	[sflag:s24] =	ssyncset.done $0x0  }
0x13b: {  	s29 =	simm.s32 $0x4B80;
	[sflag:s24] =	ssyncadd.s32 $0xFFFFF000  }
0x13c: {  	[spmem:s3] =	stream.indirect.scatter.add.f32 [tilespmem:s16], [sflag:$0x2], $0x20, s29, s15, $0xb8;
	[tilespmem:$0x1BB20] =	vst v63  }
0x13d: {  	s26 =	simm.s32 $0x4C00  }
0x13e: {  	[spmem:s3] =	stream.indirect.scatter.add.f32 [tilespmem:s17], [sflag:$0x2], $0x20, s26, s15, $0xb8;
	[tilespmem:$0x1BB20] =	vst v63  }
0x13f: {  	s28 =	simm.s32 $0x4C80  }
0x140: {  	[spmem:s3] =	stream.indirect.scatter.add.f32 [tilespmem:s18], [sflag:$0x2], $0x20, s28, s15, $0xb8;
	[tilespmem:$0x1BB20] =	vst v63  }
0x141: {  	s29 =	simm.s32 $0x4D00  }
0x142: {  	[spmem:s3] =	stream.indirect.scatter.add.f32 [tilespmem:s19], [sflag:$0x2], $0x20, s29, s15, $0xb8;
	[tilespmem:$0x1BB20] =	vst v63  }
0x143: {  	_ = 	snop  }
0x144: {  	[spmem:s3] =	stream.indirect.scatter.add.f32 [tilespmem:s20], [sflag:$0x2], $0x20, s30, s15, $0xb8;
	[tilespmem:$0x1BB20] =	vst v63  }
0x145: {  	_ = 	snop  }
0x146: {  	[spmem:s3] =	stream.indirect.scatter.add.f32 [tilespmem:s21], [sflag:$0x2], $0x20, s31, s15, $0xb8;
	[tilespmem:$0x1BB20] =	vst v63  }
0x147: {  	_ = 	snop  }
0x148: {  	[spmem:s3] =	stream.indirect.scatter.add.f32 [tilespmem:s22], [sflag:$0x2], $0x20, s0, s15, $0xb8;
	[tilespmem:$0x1BB20] =	vst v63  }
0x149: {  	_ =	swait.ge [sflag:s25], $0x1000  }
0x14a: {  	[sflag:s25] =	ssyncset.done $0x0  }
0x14b: {  	[sflag:s25] =	ssyncadd.s32 $0xFFFFF000  }
0x14c: {  	_ =	swait.ge [sflag:s25], $0x1000  }
0x14d: {  	[sflag:s25] =	ssyncset.done $0x0  }
0x14e: {  	[sflag:s25] =	ssyncadd.s32 $0xFFFFF000  }
0x14f: {  	_ =	swait.ge [sflag:s25], $0x1000  }
0x150: {  	[sflag:s25] =	ssyncset.done $0x0  }
0x151: {  	[sflag:s25] =	ssyncadd.s32 $0xFFFFF000  }
0x152: {  	_ =	swait.ge [sflag:s25], $0x1000  }
0x153: {  	[sflag:s25] =	ssyncset.done $0x0  }
0x154: {  	[sflag:s25] =	ssyncadd.s32 $0xFFFFF000  }
0x155: {  	_ =	swait.ge [sflag:s25], $0x1000  }
0x156: {  	[sflag:s25] =	ssyncset.done $0x0  }
0x157: {  	[sflag:s25] =	ssyncadd.s32 $0xFFFFF000  }
0x158: {  	_ =	swait.ge [sflag:s25], $0x1000  }
0x159: {  	[sflag:s25] =	ssyncset.done $0x0  }
0x15a: {  	[sflag:s25] =	ssyncadd.s32 $0xFFFFF000  }
0x15b: {  	_ =	swait.ge [sflag:s25], $0x1000  }
0x15c: {  	[sflag:s25] =	ssyncset.done $0x0  }
0x15d: {  	[sflag:s25] =	ssyncadd.s32 $0xFFFFF000  }
0x15e: {  	[bflag:$0x0] =	sbarrier.arrive $0xFFFF  }
0x15f: {  	[tilespmem:s14], [sflag:$0x3] =	stream.linear.gather [spmem:s9], $0x4F00, $0x38;
	[tilespmem:$0x1BB20] =	vst v63  }
0x160: {  	s1 =	sadd.s32 $0x1, s1;
	_ =	swait.ge [sflag:s12], $0x4F00  }
0x161: {  	p0 =	sne.s32 s1, s11;
	[sflag:s12] =	ssyncset.done $0x0  }
.Ltmp2:
0x162: {  	[sflag:s12] =	ssyncadd.s32 $0xFFFFB100;
	(pc) =	sbr.rel @p0 .LBB2_1-.Ltmp2, $4  }
0x163: {  	[hbm4b:s10+s4] =	stream.linear.scatter [tilespmem:s14], [sflag:$0x3], $0x4F00, $0x38;
	[tilespmem:$0x1BB20] =	vst v63  }
0x164: {  	_ =	swait.ge [sflag:s12], $0x4F00  }
0x165: {  	[sflag:s12] =	ssyncset.done $0x0  }
0x166: {  	[sflag:s12] =	ssyncadd.s32 $0xFFFFB100  }
0x167: {  	_ =	sfence.sel $0x180000  }
0x168: {  	[bflag:$0x0] =	sbarrier.arrive $0xFFFF  }
0x169: {  	_ =	strace $0x9000004A  }
0x16a: {  	s0 =	stileid.u32;
	[bflag:$0x2] =	sbarrier.arrive $0xFFFF  }
0x16b: {  	p0 =	sne.s32 s0, $0x0;
	s0 =	rddreg [dreg:$0x4]  }
0x16c: {  	s0 =	sadd.s32 @!p0 $0x100000, s0  }
0x16d: {  	[sflag:s0] =	ssyncadd.tile.s32 @!p0 $0x1;
	_ =	shalt  }
.Lfunc_end2:
_tile_overlayer_lowered:
.L_overlay_start_2:
0x16e: {  	(tag) =	ssettag $0x2  }
0x16f: {  	s0 =	rddreg [dreg:$0x0];
	s2 =	stileid.u32  }
0x170: {  	s1 =	rddreg [dreg:$0x1];
	p0 =	sne.s32 s2, $0x0  }
0x171: {  	s3 =	rddreg [dreg:$0x2];
	[bflag:$0x3] =	sbarrier.arrive $0xFFFF;
	s2 =	simm.s32 @!p0 $0x1C03  }
0x172: {  	[timem:s3], [sflag:s2] =	dma.local @!p0 [hbm:s0], s1  }
0x173: {  	s0 =	simm.s32 @!p0 $0x3  }
0x174: {  	_ =	swait.ge @!p0 [sflag:s0], s1  }
0x175: {  	s1 =	ssub.s32 @!p0 $0x0, s1;
	[sflag:s0] =	ssyncset.done @!p0 $0x0  }
0x176: {  	[sflag:s0] =	ssyncadd.s32 @!p0 s1  }
0x177: {  	[bflag:$0x3] =	sbarrier.arrive $0xFFFF  }
0x178: {  	_ =	shalt  }

// kernel: kernel.7.cloned.1.call-start
scs
__scs_entry_jumppad:
0x0: {  	(pc) =	sbr.rel $0x88, $3  }
0x1: {  	(tag) =	ssettag $0x0;
	lr =	simm.s32 $0x1  }
0x2: {  	[smem:$0x3F9B] =	sst lr;
	_ =	strace $0xD0000000  }
0x3: {  	_ = 	snop  }
0x4: {  	_ = 	snop  }
0x5: {  	_ = 	snop  }
0x6: {  	_ = 	snop  }
0x7: {  	_ = 	snop  }
__scs_overlays_trampoline_lowered:
0x8: {  	[smem:$0x3FAA] =	sst s0  }
0x9: {  	[smem:$0x3FAB] =	sst s1  }
0xa: {  	[smem:$0x3FAC] =	sst s2  }
0xb: {  	[smem:$0x3FAD] =	sst s3  }
0xc: {  	[smem:$0x3FAE] =	sst s4  }
0xd: {  	[smem:$0x3FAF] =	sst s5  }
0xe: {  	[smem:$0x3FB0] =	sst s6  }
0xf: {  	[smem:$0x3FB1] =	sst s7  }
0x10: {  	[smem:$0x3FB2] =	sst s8  }
0x11: {  	[smem:$0x3FB3] =	sst s9;
	s0 =	simm.s32 @!p0 $0x0  }
0x12: {  	s1 =	sld [smem:$0x3F99];
	s0 =	simm.s32 @p0 $0x1  }
0x13: {  	[smem:$0x3FB4] =	sst s0;
	s0 =	simm.s32 @!p1 $0x0  }
0x14: {  	s2 =	sld [smem:$0x3F98];
	s0 =	simm.s32 @p1 $0x1  }
0x15: {  	[smem:$0x3FB5] =	sst s0;
	s0 =	simm.s32 @!p2 $0x0  }
0x16: {  	s3 =	sld [smem:$0x3FDB];
	s0 =	simm.s32 @p2 $0x1  }
0x17: {  	s4 =	simm.s32 $0x1BF5;
	[smem:$0x3FB7] =	sst s0  }
0x18: {  	s0 =	sld [smem:$0x3F9A];
	_ =	swait.ge [sflag:s4], $0x0  }
0x19: {  	s7 =	sld [smem:$0x3F9B]  }
0x1a: {  	s8 =	sadd.s32 $0xFFFFE003, lr  }
0x1b: {  	s9 =	sadd.s32 $0xFFFFFEF7, lr;
	s5 =	simm.s32 $0xFFFFFFFF;
	p2 =	slt.u32 s8, $0xFFFFF086  }
0x1c: {  	p1 =	slt.u32 s9, $0xF7A;
	s5 =	simm.s32 @!p2 $0x0  }
0x1d: {  	s5 =	simm.s32 @p1 $0x1;
	p0 =	seq.s32 s7, s2  }
0x1e: {  	s7 =	smul.u32 @!p0 $0xF7A, s2;
	p2 =	seq.s32 @!p0 s5, $0x0  }
0x1f: {  	s9 =	smul.u32 $0xF7A, s1;
	s8 =	simm.s32 @!p0 $0x1BF5;
	p2 =	por !p2, p0  }
0x20: {  	[sflag:s8] =	ssyncset.s32 @!p0 $0xFFFFF086;
	s6 =	sadd.s32 @!p0 s3, s7;
	s7 =	simm.s32 @!p0 $0x108  }
0x21: {  	s3 =	sadd.s32 s3, s9;
	s6 =	sadd.s32 @!p0 $0x88, s6;
	s7 =	simm.s32 @p2 $0x1082  }
0x22: {  	[simem:s7], [sflag:s8] =	dma.local @!p0 [hbm:s6], $0xF7A  }
0x23: {  	s9 =	sor.u32 $0xD0000000, s2;
	s6 =	simm.s32 $0x108;
	_ =	swait.ge @!p0 [sflag:s8], $0x0  }
0x24: {  	s3 =	sadd.s32 $0x88, s3;
	s6 =	simm.s32 @!p1 $0x1082;
	[sflag:s4] =	ssyncset.s32 $0xFFFFF086  }
0x25: {  	[simem:s6], [sflag:s4] =	dma.local [hbm:s3], $0xF7A  }
0x26: {  	[smem:$0x3F9B] =	sst s1;
	(tag) =	ssettag s2;
	_ =	strace s9  }
0x27: {  	s1 =	sld [smem:$0x3FAB]  }
0x28: {  	s2 =	sld [smem:$0x3FAC]  }
0x29: {  	s4 =	sld [smem:$0x3FAE]  }
0x2a: {  	p0 =	seq.s32 s5, $0x0;
	s5 =	sld [smem:$0x3FAF]  }
0x2b: {  	s6 =	sld [smem:$0x3FB0]  }
0x2c: {  	s7 =	sld [smem:$0x3FB1]  }
0x2d: {  	s3 =	simm.s32 $0x108;
	s8 =	sld [smem:$0x3FB2]  }
0x2e: {  	s3 =	simm.s32 @!p0 $0x1082;
	s9 =	sld [smem:$0x3FB3]  }
0x2f: {  	lr =	sadd.s32 s0, s3;
	s0 =	sld [smem:$0x3FAA]  }
0x30: {  	s3 =	sld [smem:$0x3FAD]  }
0x31: {  	[smem:$0x3FB6] =	sst s10  }
0x32: {  	s10 =	sld [smem:$0x3FB4];
	_ =	sdelay $0x3  }
0x33: {  	p0 =	seq.s32 s10, $0x1;
	s10 =	sld [smem:$0x3FB6];
	_ =	sdelay $0x3  }
0x34: {  	[smem:$0x3FB6] =	sst s10  }
0x35: {  	s10 =	sld [smem:$0x3FB5];
	_ =	sdelay $0x3  }
0x36: {  	p1 =	seq.s32 s10, $0x1;
	s10 =	sld [smem:$0x3FB6];
	_ =	sdelay $0x3  }
0x37: {  	[smem:$0x3FB6] =	sst s10  }
0x38: {  	s10 =	sld [smem:$0x3FB7]  }
0x39: {  	_ = 	snop;
	(pc) =	sbr.ind lr, $3  }
0x3a: {  	_ = 	snop  }
0x3b: {  	_ = 	snop  }
0x3c: {  	p2 =	seq.s32 s10, $0x1;
	s10 =	sld [smem:$0x3FB6]  }
0x3d: {  	_ =	shalt  }
0x3e: {  	_ =	shalt  }
0x3f: {  	_ =	shalt  }
0x40: {  	_ =	shalt  }
0x41: {  	_ =	shalt  }
0x42: {  	_ =	shalt  }
0x43: {  	_ =	shalt  }
0x44: {  	_ =	shalt  }
0x45: {  	_ =	shalt  }
0x46: {  	_ =	shalt  }
0x47: {  	_ =	shalt  }
0x48: {  	_ =	shalt  }
0x49: {  	_ =	shalt  }
0x4a: {  	_ =	shalt  }
0x4b: {  	_ =	shalt  }
0x4c: {  	_ =	shalt  }
0x4d: {  	_ =	shalt  }
0x4e: {  	_ =	shalt  }
0x4f: {  	_ =	shalt  }
0x50: {  	_ =	shalt  }
0x51: {  	_ =	shalt  }
0x52: {  	_ =	shalt  }
0x53: {  	_ =	shalt  }
0x54: {  	_ =	shalt  }
0x55: {  	_ =	shalt  }
0x56: {  	_ =	shalt  }
0x57: {  	_ =	shalt  }
0x58: {  	_ =	shalt  }
0x59: {  	_ =	shalt  }
0x5a: {  	_ =	shalt  }
0x5b: {  	_ =	shalt  }
0x5c: {  	_ =	shalt  }
0x5d: {  	_ =	shalt  }
0x5e: {  	_ =	shalt  }
0x5f: {  	_ =	shalt  }
0x60: {  	_ =	shalt  }
0x61: {  	_ =	shalt  }
0x62: {  	_ =	shalt  }
0x63: {  	_ =	shalt  }
0x64: {  	_ =	shalt  }
0x65: {  	_ =	shalt  }
0x66: {  	_ =	shalt  }
0x67: {  	_ =	shalt  }
0x68: {  	_ =	shalt  }
0x69: {  	_ =	shalt  }
0x6a: {  	_ =	shalt  }
0x6b: {  	_ =	shalt  }
0x6c: {  	_ =	shalt  }
0x6d: {  	_ =	shalt  }
0x6e: {  	_ =	shalt  }
0x6f: {  	_ =	shalt  }
0x70: {  	_ =	shalt  }
0x71: {  	_ =	shalt  }
0x72: {  	_ =	shalt  }
0x73: {  	_ =	shalt  }
0x74: {  	_ =	shalt  }
0x75: {  	_ =	shalt  }
0x76: {  	_ =	shalt  }
0x77: {  	_ =	shalt  }
0x78: {  	_ =	shalt  }
0x79: {  	_ =	shalt  }
0x7a: {  	_ =	shalt  }
0x7b: {  	_ =	shalt  }
0x7c: {  	_ =	shalt  }
0x7d: {  	_ =	shalt  }
0x7e: {  	_ =	shalt  }
0x7f: {  	_ =	shalt  }
0x80: {  	_ =	shalt  }
0x81: {  	_ =	shalt  }
0x82: {  	_ =	shalt  }
0x83: {  	_ =	shalt  }
0x84: {  	_ =	shalt  }
0x85: {  	_ =	shalt  }
0x86: {  	_ =	shalt  }
0x87: {  	_ =	shalt  }
.Lfunc_end0:
.L_simem_size_0:
called_computation_lowered:
.L_overlay_start_0:
0x88: {  	s2 =	sld [smem:$0x3FD9]  }
0x89: {  	s3 =	sld [smem:$0x3FFE];
	_ =	sdelay $0x1  }
0x8a: {  	s1 =	srdreg.scid  }
0x8b: {  	s0 =	sand.u32 $0x1, s1  }
0x8c: {  	s17 =	sshll.u32 s0, $0xA;
	s2 =	sadd.s32 s3, s2  }
0x8d: {  	s2 =	sadd.s32 s2, s17  }
0x8e: {  	[smem:$0x3FC2] =	sst s2  }
0x8f: {  	_ = 	snop  }
0x90: {  	s2 =	sld [smem:$0x3FD0];
	(tm) =	ssettm $0x1  }
0x91: {  	s18 =	sld [smem:$0x3FFB];
	_ =	sdelay $0x3  }
0x92: {  	_ =	strace s18  }
0x93: {  	s3 =	sld [smem:$0x3FFC];
	_ =	sdelay $0x3  }
0x94: {  	_ =	strace s3  }
0x95: {  	s3 =	sld [smem:$0x3FFD];
	_ =	sdelay $0x3  }
0x96: {  	_ =	strace s3  }
0x97: {  	_ =	strace $0x8FFFFFFF  }
0x98: {  	s19 =	sld [smem:$0x3FDB];
	_ =	sdelay $0x1  }
0x99: {  	s4 =	simm.s32 $_scs_section_size  }
0x9a: {  	s5 =	simm.s32 $_size__tile_overlayer_lowered;
	s6 =	simm.s32 $_tile_overlayer_lowered  }
0x9b: {  	s22 =	simm.s32 $0x1BFF;
	s21 =	sshll.u32 s6, $0x1;
	s3 =	sadd.s32 s4, s19  }
0x9c: {  	s7 =	simm.s32 $0x0;
	s20 =	sshll.u32 s5, $0x1;
	s5 =	sadd.s32 s21, s3  }
0x9d: {  	[timem:s7], [sflag:s22] =	dma.local [hbm:s5], s20  }
0x9e: {  	_ =	swait.ge [sflag:s22], s20  }
0x9f: {  	s4 =	ssub.s32 $0x0, s20;
	[sflag:s22] =	ssyncset.done $0x0  }
0xa0: {  	[sflag:s22] =	ssyncadd.s32 s4;
	_ =	sdelay $0x1  }
0xa1: {  	s23 =	simm.s32 $0x1B8B  }
0xa2: {  	_ =	swait.ge [sflag:s23], $0x1  }
0xa3: {  	[sflag:s23] =	ssyncset.done $0x0  }
0xa4: {  	s25 =	simm.s32 $0x1B8E;
	s24 =	sld [smem:$0x3FFE];
	[sflag:s23] =	ssyncadd.s32 $0xFFFFFFFF  }
0xa5: {  	s26 =	simm.s32 $execute0_lowered;
	[smem:$0x3FD2] =	sst s25  }
0xa6: {  	s5 =	sshll.u32 s26, $0x1;
	_ =	strace $0x80000046;
	[dreg:$0x1] =	wrdreg $0xFFFFFFFF  }
0xa7: {  	s28 =	simm.s32 $_size_execute0_lowered;
	s3 =	sadd.s32 s3, s5;
	[dreg:$0x0] =	wrdreg $0x0  }
0xa8: {  	s5 =	sshll.u32 s28, $0x1;
	[dreg:$0x2] =	wrdreg s3  }
0xa9: {  	[dreg:$0x3] =	wrdreg s5  }
0xaa: {  	[dreg:$0x4] =	wrdreg $0xC0  }
0xab: {  	_ =	task [dreg:s7], $0x5FFFF  }
0xac: {  	[dreg:$0x1] =	wrdreg $0xFFFFFFFF  }
0xad: {  	[dreg:$0x0] =	wrdreg $0x60  }
0xae: {  	[dreg:$0x2] =	wrdreg s24  }
0xaf: {  	[dreg:$0x3] =	wrdreg s2  }
0xb0: {  	[dreg:$0x4] =	wrdreg $0xB8800  }
0xb1: {  	[dreg:$0x5] =	wrdreg $0x9  }
0xb2: {  	_ =	task.clear_ibuf [dreg:s7], $0x6FFFF;
	_ =	strace $0x90000046  }
0xb3: {  	s29 =	simm.s32 $0x9;
	_ =	strace $0x80000048  }
0xb4: {  	_ =	swait.ge [sflag:s29], $0x1  }
0xb5: {  	[sflag:s29] =	ssyncadd.s32 $0xFFFFFFFF  }
0xb6: {  	_ =	strace $0x90000048  }
0xb7: {  	_ =	sfence  }
0xb8: {  	s30 =	sld [smem:$0x0];
	_ =	sdelay $0x2  }
0xb9: {  	s31 =	sshll.u32 s1, $0xD;
	s1 =	sshrl.u32 s1, $0x2  }
0xba: {  	s3 =	sand.u32 $0x4000, s31;
	s1 =	sadd.s32 s1, s30  }
0xbb: {  	s0 =	sor.u32 s3, s0;
	s1 =	sshll.u32 s1, $0x11  }
0xbc: {  	s0 =	sor.u32 s1, s0  }
0xbd: {  	s0 =	sadd.s32 $0x8F2B, s0  }
0xbe: {  	[sflag:s0] =	ssyncadd.remote.s32 $0x1  }
0xbf: {  	_ =	sfence.sel $0xFFFF  }
0xc0: {  	[dreg:$0x0] =	wrdreg $0xFFFFFFFF;
	(pc) =	sbr.abs _section_cstart, $3  }
0xc1: {  	[dreg:$0x1] =	wrdreg $0xFFFFFFFF  }
0xc2: {  	_ =	task.clear_ibuf [dreg:s7], $0x2FFFF;
	_ =	strace $0x9FFFFFFF  }
0xc3: {  	(tm) =	ssettm $0x7FFFFFFF  }
tec
execute0_lowered:
.L_overlay_start_1:
0x0: {  	(tag) =	ssettag $0x1  }
0x1: {  	s0 =	srdreg.scid;
	s1 =	rddreg [dreg:$0x0]  }
0x2: {  	s12 =	stileid.u32;
	s8 =	rddreg [dreg:$0x1];
	s3 =	simm.s32 $0x0  }
0x3: {  	s13 =	simm.s32 $0x9E00;
	s14 =	simm.s32 $0x2;
	s15 =	simm.s32 $0xA200  }
0x4: {  	s18 =	simm.s32 $0x7680;
	s19 =	simm.s32 $0x80;
	s20 =	simm.s32 $0x1  }
0x5: {  	s21 =	simm.s32 $0x9A80;
	s22 =	simm.s32 $0x9B00;
	s23 =	simm.s32 $0x9B80  }
0x6: {  	s24 =	simm.s32 $0x9C00;
	s28 =	simm.s32 $0x9D80;
	s29 =	simm.s32 $0xB600  }
0x7: {  	s30 =	simm.s32 $0x0;
	s0 =	sand.u32 $0x1, s0;
	s7 =	smul.u32 $0x278, s12  }
0x8: {  	[smem:$0x7FF] =	sst s3;
	s5 =	sadd.s32 $0x15800, s1;
	s2 =	sshll.u32 s0, $0x4  }
0x9: {  	s9 =	smul.u32 $0x2780, s0;
	s0 =	ssub.s32 $0x2, s0;
	s6 =	sor.u32 s12, s2  }
0xa: {  	s2 =	rddreg [dreg:$0x2];
	_ =	strace $0x80000047;
	s12 =	smul.u32 $0x4F00, s12  }
0xb: {  	s26 =	sshrl.u32 s0, $0x1;
	s4 =	smul.u32 $0x2710, s6;
	s7 =	sadd.s32 s7, s9  }
0xc: {  	s25 =	smul.u32 $0x4F0, s6;
	s0 =	ssub.s32 s0, s26;
	s26 =	simm.s32 $0x9D00  }
0xd: {  	s7 =	sshrl.u32 s7, $0x3;
	s31 =	sshrl.u32 s12, $0x2;
	s12 =	smax.u32 s0, $0x1  }
0xe: {  	v8 =	vlaneseq.u32;
	s4 =	sshrl.u32 s4, $0x3;
	s11 =	sadd.s32 s7, s1;
	s8 =	sadd.s32 s8, s25  }
0xf: {  	v0 =	vimm.s32 $0x0;
	v1 =	vor.u32 $0x2710, v8;
	v2 =	vor.u32 $0x2720, v8;
	s10 =	sadd.s32 s4, s1;
	s4 =	sadd.s32 $0x15600, s1;
	s1 =	sadd.s32 s25, s1  }
0x10: {  	v3 =	vor.u32 $0x2730, v8;
	v4 =	vor.u32 $0x2740, v8;
	v5 =	vor.u32 $0x2750, v8;
	s11 =	sadd.s32 $0x15C00, s11;
	s25 =	simm.s32 $0x9C80;
	s6 =	sadd.s32 $0x1C00, s10  }
0x11: {  	v6 =	vor.u32 $0x2760, v8;
	v7 =	vor.u32 $0x2770, v8;
	v8 =	vmul.u32 $0x8, v8;
	s7 =	sadd.s32 $0xB840, s10;
	s9 =	sadd.s32 $0x16600, s1;
	s10 =	sadd.s32 s31, s2  }
.LBB2_1:
0x12: {  	[tilespmem:s13], [sflag:$0x2] =	stream.linear.gather [hbm4b:s4+s3], $0x400, $0x38;
	[tilespmem:$0xCC40] =	vst v63  }
0x13: {  	_ =	swait.ge [sflag:s14], $0x400  }
0x14: {  	[sflag:s14] =	ssyncset.done $0x0  }
0x15: {  	[sflag:s14] =	ssyncadd.s32 $0xFFFFFC00  }
0x16: {  	[tilespmem:s15], [sflag:$0x2] =	stream.linear.gather [hbm4b:s5+s3], $0x1400, $0x38;
	[tilespmem:$0xCC40] =	vst v63  }
0x17: {  	_ =	swait.ge [sflag:s14], $0x1400  }
0x18: {  	[sflag:s14] =	ssyncset.done $0x0  }
0x19: {  	[sflag:s14] =	ssyncadd.s32 $0xFFFFEC00  }
0x1a: {  	[tilespmem:s3], [sflag:$0x2] =	stream.linear.gather [hbm4b:s6+s3], $0x2710, $0x38;
	[tilespmem:$0xCC40] =	vst v63  }
0x1b: {  	_ =	swait.ge [sflag:s14], $0x2710  }
0x1c: {  	[sflag:s14] =	ssyncset.done $0x0  }
0x1d: {  	s0 =	simm.s32 $0x2780;
	[sflag:s14] =	ssyncadd.s32 $0xFFFFD8F0  }
0x1e: {  	[tilespmem:s0], [sflag:$0x2] =	stream.linear.gather [hbm4b:s7+s3], $0x2710, $0x38;
	[tilespmem:$0xCC40] =	vst v63  }
0x1f: {  	_ =	swait.ge [sflag:s14], $0x2710  }
0x20: {  	[sflag:s14] =	ssyncset.done $0x0  }
0x21: {  	[sflag:s14] =	ssyncadd.s32 $0xFFFFD8F0  }
0x22: {  	[tilespmem:$0x2710] =	vst v0  }
0x23: {  	[tilespmem:$0x4E90] =	vst v1  }
0x24: {  	[tilespmem:$0x2720] =	vst v0  }
0x25: {  	[tilespmem:$0x4EA0] =	vst v2  }
0x26: {  	[tilespmem:$0x2730] =	vst v0  }
0x27: {  	[tilespmem:$0x2740] =	vst v0  }
0x28: {  	[tilespmem:$0x4EC0] =	vst v4  }
0x29: {  	[tilespmem:$0x2750] =	vst v0  }
0x2a: {  	[tilespmem:$0x4ED0] =	vst v5  }
0x2b: {  	[tilespmem:$0x2760] =	vst v0  }
0x2c: {  	[tilespmem:$0x4EE0] =	vst v6  }
0x2d: {  	[tilespmem:$0x2770] =	vst v0  }
0x2e: {  	s31 =	simm.s32 $0x0;
	[tilespmem:$0x4EF0] =	vst v7  }
0x2f: {  	[tilespmem:$0x4EB0] =	vst v3;
	v9 =	vld [tilespmem:s31+$0x27F0]  }
0x30: {  	v10 =	vld [tilespmem:s31+$0x0]  }
0x31: {  	v11 =	vld [tilespmem:s31+$0x2780]  }
0x32: {  	v12 =	vld [tilespmem:s31+$0x10]  }
0x33: {  	v13 =	vld [tilespmem:s31+$0x2790]  }
0x34: {  	v14 =	vld [tilespmem:s31+$0x20];
	[tilespmem:s31+$0x76F0] =	vst v9  }
0x35: {  	[tilespmem:s31+$0x4F00] =	vst v10;
	v9 =	vld [tilespmem:s31+$0x27A0]  }
0x36: {  	[tilespmem:s31+$0x7680] =	vst v11;
	v10 =	vld [tilespmem:s31+$0x30]  }
0x37: {  	[tilespmem:s31+$0x4F10] =	vst v12;
	v11 =	vld [tilespmem:s31+$0x27B0]  }
0x38: {  	[tilespmem:s31+$0x7690] =	vst v13;
	v12 =	vld [tilespmem:s31+$0x40]  }
0x39: {  	[tilespmem:s31+$0x4F20] =	vst v14;
	v13 =	vld [tilespmem:s31+$0x27C0]  }
0x3a: {  	[tilespmem:s31+$0x76A0] =	vst v9;
	v9 =	vld [tilespmem:s31+$0x50]  }
0x3b: {  	[tilespmem:s31+$0x4F30] =	vst v10;
	v10 =	vld [tilespmem:s31+$0x27D0]  }
0x3c: {  	[tilespmem:s31+$0x76B0] =	vst v11;
	v11 =	vld [tilespmem:s31+$0x60]  }
0x3d: {  	[tilespmem:s31+$0x4F40] =	vst v12;
	v12 =	vld [tilespmem:s31+$0x27E0]  }
0x3e: {  	s1 =	simm.s32 $0x80;
	s0 =	simm.s32 $0x400;
	[tilespmem:s31+$0x76C0] =	vst v13;
	v13 =	vld [tilespmem:s31+$0x70]  }
.LBB2_2:
0x3f: {  	p0 =	sne.s32 s0, $0x9C00;
	v14 =	vld [tilespmem:s1+$0x27F0];
	[tilespmem:s31+$0x4F50] =	vst v9  }
0x40: {  	v9 =	vld [tilespmem:s1+$0x0];
	[tilespmem:s31+$0x76D0] =	vst v10  }
0x41: {  	v10 =	vld [tilespmem:s1+$0x2780];
	[tilespmem:s31+$0x4F60] =	vst v11  }
0x42: {  	v11 =	vld [tilespmem:s1+$0x10];
	[tilespmem:s31+$0x76E0] =	vst v12  }
0x43: {  	v12 =	vld [tilespmem:s1+$0x2790];
	[tilespmem:s31+$0x4F70] =	vst v13;
	s31 =	smov.u32 s1  }
0x44: {  	v13 =	vld [tilespmem:s31+$0x20];
	[tilespmem:s31+$0x76F0] =	vst v14  }
0x45: {  	[tilespmem:s31+$0x4F00] =	vst v9;
	v9 =	vld [tilespmem:s31+$0x27A0]  }
0x46: {  	[tilespmem:s31+$0x7680] =	vst v10;
	v10 =	vld [tilespmem:s31+$0x30]  }
0x47: {  	[tilespmem:s31+$0x4F10] =	vst v11;
	v11 =	vld [tilespmem:s31+$0x27B0]  }
0x48: {  	[tilespmem:s31+$0x7690] =	vst v12;
	v12 =	vld [tilespmem:s31+$0x40]  }
0x49: {  	[tilespmem:s31+$0x4F20] =	vst v13;
	v13 =	vld [tilespmem:s31+$0x27C0]  }
.Ltmp0:
0x4a: {  	[tilespmem:s31+$0x76A0] =	vst v9;
	v9 =	vld [tilespmem:s31+$0x50];
	(pc) =	sbr.rel @p0 .LBB2_2-.Ltmp0, $4  }
0x4b: {  	[tilespmem:s31+$0x4F30] =	vst v10;
	v10 =	vld [tilespmem:s31+$0x27D0]  }
0x4c: {  	[tilespmem:s31+$0x76B0] =	vst v11;
	v11 =	vld [tilespmem:s31+$0x60]  }
0x4d: {  	[tilespmem:s31+$0x4F40] =	vst v12;
	v12 =	vld [tilespmem:s31+$0x27E0]  }
0x4e: {  	s1 =	sshra.s32 s0, $0x2;
	s0 =	sadd.s32 $0x200, s0;
	[tilespmem:s31+$0x76C0] =	vst v13;
	v13 =	vld [tilespmem:s31+$0x70]  }
0x4f: {  	v14 =	vld [tilespmem:s1+$0x27F0];
	[tilespmem:s31+$0x4F50] =	vst v9  }
0x50: {  	v9 =	vld [tilespmem:s1+$0x0];
	[tilespmem:s31+$0x76D0] =	vst v10  }
0x51: {  	v10 =	vld [tilespmem:s1+$0x2780];
	[tilespmem:s31+$0x4F60] =	vst v11  }
0x52: {  	v11 =	vld [tilespmem:s1+$0x10];
	[tilespmem:s31+$0x76E0] =	vst v12  }
0x53: {  	v12 =	vld [tilespmem:s1+$0x2790];
	[tilespmem:s31+$0x4F70] =	vst v13  }
0x54: {  	v13 =	vld [tilespmem:s1+$0x20];
	[tilespmem:s1+$0x76F0] =	vst v14  }
0x55: {  	v60 =	vld [tilespmem:s1+$0x40];
	[tilespmem:s1+$0x4F00] =	vst v9  }
0x56: {  	v61 =	vld [tilespmem:s1+$0x27C0];
	[tilespmem:s1+$0x7680] =	vst v10  }
0x57: {  	v9 =	vld [tilespmem:s1+$0x27A0];
	[tilespmem:s1+$0x4F10] =	vst v11  }
0x58: {  	v10 =	vld [tilespmem:s1+$0x30];
	[tilespmem:s1+$0x7690] =	vst v12  }
0x59: {  	v11 =	vld [tilespmem:s1+$0x27B0];
	[tilespmem:s1+$0x4F20] =	vst v13  }
0x5a: {  	v62 =	vld [tilespmem:s1+$0x27E0];
	[tilespmem:s1+$0x4F40] =	vst v60  }
0x5b: {  	v63 =	vld [tilespmem:s1+$0x70];
	[tilespmem:s1+$0x76C0] =	vst v61  }
0x5c: {  	[tilespmem:s1+$0x76A0] =	vst v9;
	v9 =	vld [tilespmem:s1+$0x50]  }
0x5d: {  	[tilespmem:s1+$0x4F30] =	vst v10;
	v10 =	vld [tilespmem:s1+$0x27D0]  }
0x5e: {  	[tilespmem:s1+$0x76B0] =	vst v11;
	v11 =	vld [tilespmem:s1+$0x60]  }
0x5f: {  	[tilespmem:s1+$0x76E0] =	vst v62  }
0x60: {  	[tilespmem:s1+$0x4F70] =	vst v63  }
0x61: {  	[tilespmem:s1+$0x4F50] =	vst v9  }
0x62: {  	[tilespmem:s1+$0x76D0] =	vst v10  }
0x63: {  	s0 =	simm.s32 $0x0;
	s17 =	simm.s32 $0x4F00;
	[tilespmem:s1+$0x4F60] =	vst v11  }
0x64: {  	[hbm4b:s8+s0] =	stream.linear.scatter [tilespmem:s17], [sflag:$0x2], $0x2780, $0x38;
	[tilespmem:$0xCC40] =	vst v63  }
0x65: {  	_ =	swait.ge [sflag:s14], $0x2780  }
0x66: {  	[sflag:s14] =	ssyncset.done $0x0  }
0x67: {  	[sflag:s14] =	ssyncadd.s32 $0xFFFFD880  }
0x68: {  	[hbm4b:s9+s0] =	stream.linear.scatter [tilespmem:s18], [sflag:$0x2], $0x2780, $0x38;
	[tilespmem:$0xCC40] =	vst v63  }
0x69: {  	_ =	swait.ge [sflag:s14], $0x2780  }
0x6a: {  	[sflag:s14] =	ssyncset.done $0x0  }
0x6b: {  	[sflag:s14] =	ssyncadd.s32 $0xFFFFD880  }
0x6c: {  	[spmem:s10] =	stream.linear.scatter [tilespmem:s15], [sflag:$0x2], $0x13C0, $0x38;
	[tilespmem:$0xCC40] =	vst v63  }
0x6d: {  	_ =	swait.ge [sflag:s14], $0x13C0  }
0x6e: {  	[sflag:s14] =	ssyncset.done $0x0  }
0x6f: {  	[sflag:s14] =	ssyncadd.s32 $0xFFFFEC40  }
0x70: {  	s16 =	simm.s32 $0x7680;
	[bflag:$0x0] =	sbarrier.arrive $0xFFFF  }
0x71: {  	[spmem:s2] =	stream.indirect.scatter.add.f32 [tilespmem:s13], [sflag:$0x1], $0x8, s16, s19, $0xb8;
	[tilespmem:$0xCC40] =	vst v63  }
0x72: {  	s17 =	simm.s32 $0x7700  }
0x73: {  	[spmem:s2] =	stream.indirect.scatter.add.f32 [tilespmem:s13], [sflag:$0x1], $0x8, s17, s19, $0xb8;
	[tilespmem:$0xCC40] =	vst v63  }
0x74: {  	s1 =	simm.s32 $0x7780  }
0x75: {  	[spmem:s2] =	stream.indirect.scatter.add.f32 [tilespmem:s13], [sflag:$0x1], $0x8, s1, s19, $0xb8;
	[tilespmem:$0xCC40] =	vst v63  }
0x76: {  	s16 =	simm.s32 $0x7800  }
0x77: {  	[spmem:s2] =	stream.indirect.scatter.add.f32 [tilespmem:s13], [sflag:$0x1], $0x8, s16, s19, $0xb8;
	[tilespmem:$0xCC40] =	vst v63  }
0x78: {  	s17 =	simm.s32 $0x7880  }
0x79: {  	[spmem:s2] =	stream.indirect.scatter.add.f32 [tilespmem:s13], [sflag:$0x1], $0x8, s17, s19, $0xb8;
	[tilespmem:$0xCC40] =	vst v63  }
0x7a: {  	s1 =	simm.s32 $0x7900  }
0x7b: {  	[spmem:s2] =	stream.indirect.scatter.add.f32 [tilespmem:s13], [sflag:$0x1], $0x8, s1, s19, $0xb8;
	[tilespmem:$0xCC40] =	vst v63  }
0x7c: {  	s16 =	simm.s32 $0x7980  }
0x7d: {  	[spmem:s2] =	stream.indirect.scatter.add.f32 [tilespmem:s13], [sflag:$0x1], $0x8, s16, s19, $0xb8;
	[tilespmem:$0xCC40] =	vst v63  }
0x7e: {  	s17 =	simm.s32 $0x7A00  }
0x7f: {  	[spmem:s2] =	stream.indirect.scatter.add.f32 [tilespmem:s13], [sflag:$0x1], $0x8, s17, s19, $0xb8;
	[tilespmem:$0xCC40] =	vst v63  }
0x80: {  	_ =	swait.ge [sflag:s20], $0x400  }
0x81: {  	[sflag:s20] =	ssyncset.done $0x0  }
0x82: {  	[sflag:s20] =	ssyncadd.s32 $0xFFFFFC00  }
0x83: {  	_ =	swait.ge [sflag:s20], $0x400  }
0x84: {  	[sflag:s20] =	ssyncset.done $0x0  }
0x85: {  	[sflag:s20] =	ssyncadd.s32 $0xFFFFFC00  }
0x86: {  	_ =	swait.ge [sflag:s20], $0x400  }
0x87: {  	[sflag:s20] =	ssyncset.done $0x0  }
0x88: {  	[sflag:s20] =	ssyncadd.s32 $0xFFFFFC00  }
0x89: {  	_ =	swait.ge [sflag:s20], $0x400  }
0x8a: {  	[sflag:s20] =	ssyncset.done $0x0  }
0x8b: {  	[sflag:s20] =	ssyncadd.s32 $0xFFFFFC00  }
0x8c: {  	_ =	swait.ge [sflag:s20], $0x400  }
0x8d: {  	[sflag:s20] =	ssyncset.done $0x0  }
0x8e: {  	[sflag:s20] =	ssyncadd.s32 $0xFFFFFC00  }
0x8f: {  	_ =	swait.ge [sflag:s20], $0x400  }
0x90: {  	[sflag:s20] =	ssyncset.done $0x0  }
0x91: {  	[sflag:s20] =	ssyncadd.s32 $0xFFFFFC00  }
0x92: {  	_ =	swait.ge [sflag:s20], $0x400  }
0x93: {  	[sflag:s20] =	ssyncset.done $0x0  }
0x94: {  	[sflag:s20] =	ssyncadd.s32 $0xFFFFFC00  }
0x95: {  	_ =	swait.ge [sflag:s20], $0x400  }
0x96: {  	s31 =	simm.s32 $0x2000;
	s0 =	simm.s32 $0x400;
	[sflag:s20] =	ssyncset.done $0x0  }
.LBB2_4:
0x97: {  	s17 =	sadd.s32 $0x7680, s0  }
0x98: {  	[sflag:s20] =	ssyncadd.s32 $0xFFFFFC00;
	s1 =	smov.u32 s31;
	s16 =	sadd.s32 $0x1000, s31  }
0x99: {  	[spmem:s2] =	stream.indirect.scatter.add.f32 [tilespmem:s13], [sflag:$0x1], $0x8, s17, s19, $0xb8;
	[tilespmem:$0xCC40] =	vst v63  }
0x9a: {  	p0 =	sne.s32 s31, $0x8000;
	s17 =	sadd.s32 $0x7700, s0  }
0x9b: {  	[spmem:s2] =	stream.indirect.scatter.add.f32 [tilespmem:s13], [sflag:$0x1], $0x8, s17, s19, $0xb8;
	[tilespmem:$0xCC40] =	vst v63  }
0x9c: {  	s17 =	sadd.s32 $0x7780, s0  }
0x9d: {  	[spmem:s2] =	stream.indirect.scatter.add.f32 [tilespmem:s13], [sflag:$0x1], $0x8, s17, s19, $0xb8;
	[tilespmem:$0xCC40] =	vst v63  }
0x9e: {  	s17 =	sadd.s32 $0x7800, s0  }
0x9f: {  	[spmem:s2] =	stream.indirect.scatter.add.f32 [tilespmem:s13], [sflag:$0x1], $0x8, s17, s19, $0xb8;
	[tilespmem:$0xCC40] =	vst v63  }
0xa0: {  	s17 =	sadd.s32 $0x7880, s0  }
0xa1: {  	[spmem:s2] =	stream.indirect.scatter.add.f32 [tilespmem:s13], [sflag:$0x1], $0x8, s17, s19, $0xb8;
	[tilespmem:$0xCC40] =	vst v63  }
0xa2: {  	s17 =	sadd.s32 $0x7900, s0  }
0xa3: {  	[spmem:s2] =	stream.indirect.scatter.add.f32 [tilespmem:s13], [sflag:$0x1], $0x8, s17, s19, $0xb8;
	[tilespmem:$0xCC40] =	vst v63  }
0xa4: {  	s17 =	sadd.s32 $0x7980, s0  }
0xa5: {  	[spmem:s2] =	stream.indirect.scatter.add.f32 [tilespmem:s13], [sflag:$0x1], $0x8, s17, s19, $0xb8;
	[tilespmem:$0xCC40] =	vst v63  }
0xa6: {  	s0 =	sadd.s32 $0x7A00, s0  }
0xa7: {  	[spmem:s2] =	stream.indirect.scatter.add.f32 [tilespmem:s13], [sflag:$0x1], $0x8, s0, s19, $0xb8;
	[tilespmem:$0xCC40] =	vst v63  }
0xa8: {  	_ =	swait.ge [sflag:s20], $0x400  }
0xa9: {  	[sflag:s20] =	ssyncset.done $0x0  }
0xaa: {  	[sflag:s20] =	ssyncadd.s32 $0xFFFFFC00  }
0xab: {  	_ =	swait.ge [sflag:s20], $0x400  }
0xac: {  	[sflag:s20] =	ssyncset.done $0x0  }
0xad: {  	[sflag:s20] =	ssyncadd.s32 $0xFFFFFC00  }
0xae: {  	_ =	swait.ge [sflag:s20], $0x400  }
0xaf: {  	[sflag:s20] =	ssyncset.done $0x0  }
0xb0: {  	[sflag:s20] =	ssyncadd.s32 $0xFFFFFC00  }
0xb1: {  	_ =	swait.ge [sflag:s20], $0x400  }
0xb2: {  	[sflag:s20] =	ssyncset.done $0x0  }
0xb3: {  	[sflag:s20] =	ssyncadd.s32 $0xFFFFFC00  }
0xb4: {  	_ =	swait.ge [sflag:s20], $0x400  }
0xb5: {  	[sflag:s20] =	ssyncset.done $0x0  }
0xb6: {  	[sflag:s20] =	ssyncadd.s32 $0xFFFFFC00  }
0xb7: {  	_ =	swait.ge [sflag:s20], $0x400  }
0xb8: {  	[sflag:s20] =	ssyncset.done $0x0  }
0xb9: {  	[sflag:s20] =	ssyncadd.s32 $0xFFFFFC00  }
.Ltmp1:
0xba: {  	_ =	swait.ge [sflag:s20], $0x400;
	(pc) =	sbr.rel @p0 .LBB2_4-.Ltmp1, $4  }
0xbb: {  	[sflag:s20] =	ssyncset.done $0x0  }
0xbc: {  	[sflag:s20] =	ssyncadd.s32 $0xFFFFFC00  }
0xbd: {  	_ =	swait.ge [sflag:s20], $0x400  }
0xbe: {  	s31 =	smov.u32 s16;
	s0 =	sshra.s32 s1, $0x2;
	[sflag:s20] =	ssyncset.done $0x0  }
0xbf: {  	s1 =	sadd.s32 $0x7680, s0;
	[sflag:s20] =	ssyncadd.s32 $0xFFFFFC00  }
0xc0: {  	[spmem:s2] =	stream.indirect.scatter.add.f32 [tilespmem:s13], [sflag:$0x1], $0x8, s1, s19, $0xb8;
	[tilespmem:$0xCC40] =	vst v63  }
0xc1: {  	s17 =	sadd.s32 $0x7700, s0  }
0xc2: {  	[spmem:s2] =	stream.indirect.scatter.add.f32 [tilespmem:s13], [sflag:$0x1], $0x8, s17, s19, $0xb8;
	[tilespmem:$0xCC40] =	vst v63  }
0xc3: {  	s16 =	sadd.s32 $0x7780, s0  }
0xc4: {  	[spmem:s2] =	stream.indirect.scatter.add.f32 [tilespmem:s13], [sflag:$0x1], $0x8, s16, s19, $0xb8;
	[tilespmem:$0xCC40] =	vst v63  }
0xc5: {  	s17 =	sadd.s32 $0x7800, s0  }
0xc6: {  	[spmem:s2] =	stream.indirect.scatter.add.f32 [tilespmem:s13], [sflag:$0x1], $0x8, s17, s19, $0xb8;
	[tilespmem:$0xCC40] =	vst v63  }
0xc7: {  	s16 =	sadd.s32 $0x7880, s0  }
0xc8: {  	[spmem:s2] =	stream.indirect.scatter.add.f32 [tilespmem:s13], [sflag:$0x1], $0x8, s16, s19, $0xb8;
	[tilespmem:$0xCC40] =	vst v63  }
0xc9: {  	s17 =	sadd.s32 $0x7900, s0  }
0xca: {  	[spmem:s2] =	stream.indirect.scatter.add.f32 [tilespmem:s13], [sflag:$0x1], $0x8, s17, s19, $0xb8;
	[tilespmem:$0xCC40] =	vst v63  }
0xcb: {  	s16 =	sadd.s32 $0x7980, s0  }
0xcc: {  	[spmem:s2] =	stream.indirect.scatter.add.f32 [tilespmem:s13], [sflag:$0x1], $0x8, s16, s19, $0xb8;
	[tilespmem:$0xCC40] =	vst v63  }
0xcd: {  	s17 =	sadd.s32 $0x7A00, s0  }
0xce: {  	[spmem:s2] =	stream.indirect.scatter.add.f32 [tilespmem:s13], [sflag:$0x1], $0x8, s17, s19, $0xb8;
	[tilespmem:$0xCC40] =	vst v63  }
0xcf: {  	_ =	swait.ge [sflag:s20], $0x400  }
0xd0: {  	[sflag:s20] =	ssyncset.done $0x0  }
0xd1: {  	[sflag:s20] =	ssyncadd.s32 $0xFFFFFC00  }
0xd2: {  	_ =	swait.ge [sflag:s20], $0x400  }
0xd3: {  	[sflag:s20] =	ssyncset.done $0x0  }
0xd4: {  	[sflag:s20] =	ssyncadd.s32 $0xFFFFFC00  }
0xd5: {  	_ =	swait.ge [sflag:s20], $0x400  }
0xd6: {  	[sflag:s20] =	ssyncset.done $0x0  }
0xd7: {  	[sflag:s20] =	ssyncadd.s32 $0xFFFFFC00  }
0xd8: {  	_ =	swait.ge [sflag:s20], $0x400  }
0xd9: {  	[sflag:s20] =	ssyncset.done $0x0  }
0xda: {  	[sflag:s20] =	ssyncadd.s32 $0xFFFFFC00  }
0xdb: {  	_ =	swait.ge [sflag:s20], $0x400  }
0xdc: {  	[sflag:s20] =	ssyncset.done $0x0  }
0xdd: {  	[sflag:s20] =	ssyncadd.s32 $0xFFFFFC00  }
0xde: {  	_ =	swait.ge [sflag:s20], $0x400  }
0xdf: {  	[sflag:s20] =	ssyncset.done $0x0  }
0xe0: {  	[sflag:s20] =	ssyncadd.s32 $0xFFFFFC00  }
0xe1: {  	_ =	swait.ge [sflag:s20], $0x400  }
0xe2: {  	[sflag:s20] =	ssyncset.done $0x0  }
0xe3: {  	[sflag:s20] =	ssyncadd.s32 $0xFFFFFC00  }
0xe4: {  	_ =	swait.ge [sflag:s20], $0x400  }
0xe5: {  	[sflag:s20] =	ssyncset.done $0x0  }
0xe6: {  	[sflag:s20] =	ssyncadd.s32 $0xFFFFFC00  }
0xe7: {  	[spmem:s2] =	stream.indirect.scatter.add.f32 [tilespmem:s13], [sflag:$0x1], $0x8, s21, s19, $0xb8;
	[tilespmem:$0xCC40] =	vst v63  }
0xe8: {  	_ = 	snop  }
0xe9: {  	[spmem:s2] =	stream.indirect.scatter.add.f32 [tilespmem:s13], [sflag:$0x1], $0x8, s22, s19, $0xb8;
	[tilespmem:$0xCC40] =	vst v63  }
0xea: {  	_ = 	snop  }
0xeb: {  	[spmem:s2] =	stream.indirect.scatter.add.f32 [tilespmem:s13], [sflag:$0x1], $0x8, s23, s19, $0xb8;
	[tilespmem:$0xCC40] =	vst v63  }
0xec: {  	_ = 	snop  }
0xed: {  	[spmem:s2] =	stream.indirect.scatter.add.f32 [tilespmem:s13], [sflag:$0x1], $0x8, s24, s19, $0xb8;
	[tilespmem:$0xCC40] =	vst v63  }
0xee: {  	_ = 	snop  }
0xef: {  	[spmem:s2] =	stream.indirect.scatter.add.f32 [tilespmem:s13], [sflag:$0x1], $0x8, s25, s19, $0xb8;
	[tilespmem:$0xCC40] =	vst v63  }
0xf0: {  	_ = 	snop  }
0xf1: {  	[spmem:s2] =	stream.indirect.scatter.add.f32 [tilespmem:s13], [sflag:$0x1], $0x8, s26, s19, $0xb8;
	[tilespmem:$0xCC40] =	vst v63  }
0xf2: {  	_ = 	snop  }
0xf3: {  	[spmem:s2] =	stream.indirect.scatter.add.f32 [tilespmem:s13], [sflag:$0x1], $0x8, s28, s19, $0xb8;
	[tilespmem:$0xCC40] =	vst v63  }
0xf4: {  	_ =	swait.ge [sflag:s20], $0x400  }
0xf5: {  	[sflag:s20] =	ssyncset.done $0x0  }
0xf6: {  	[sflag:s20] =	ssyncadd.s32 $0xFFFFFC00  }
0xf7: {  	_ =	swait.ge [sflag:s20], $0x400  }
0xf8: {  	[sflag:s20] =	ssyncset.done $0x0  }
0xf9: {  	[sflag:s20] =	ssyncadd.s32 $0xFFFFFC00  }
0xfa: {  	_ =	swait.ge [sflag:s20], $0x400  }
0xfb: {  	[sflag:s20] =	ssyncset.done $0x0  }
0xfc: {  	[sflag:s20] =	ssyncadd.s32 $0xFFFFFC00  }
0xfd: {  	_ =	swait.ge [sflag:s20], $0x400  }
0xfe: {  	[sflag:s20] =	ssyncset.done $0x0  }
0xff: {  	[sflag:s20] =	ssyncadd.s32 $0xFFFFFC00  }
0x100: {  	_ =	swait.ge [sflag:s20], $0x400  }
0x101: {  	[sflag:s20] =	ssyncset.done $0x0  }
0x102: {  	[sflag:s20] =	ssyncadd.s32 $0xFFFFFC00  }
0x103: {  	_ =	swait.ge [sflag:s20], $0x400  }
0x104: {  	[sflag:s20] =	ssyncset.done $0x0  }
0x105: {  	[sflag:s20] =	ssyncadd.s32 $0xFFFFFC00  }
0x106: {  	s1 =	simm.s32 $0x0;
	_ =	swait.ge [sflag:s20], $0x400  }
0x107: {  	v9 =	vmov s1;
	[sflag:s20] =	ssyncset.done $0x0  }
0x108: {  	v9 =	vshll.u32 v9, $0x3;
	[sflag:s20] =	ssyncadd.s32 $0xFFFFFC00  }
0x109: {  	v9 =	vor.u32 v8, v9;
	[bflag:$0x0] =	sbarrier.arrive $0xFFFF  }
0x10a: {  	[tilespmem:s15], [sflag:$0x2] =	stream.linear.gather [spmem:s10], $0x13C0, $0x38;
	[tilespmem:$0xCC40] =	vst v63  }
0x10b: {  	v10 =	vor.u32 $0x1, v9;
	_ =	swait.ge [sflag:s14], $0x13C0  }
0x10c: {  	[sflag:s14] =	ssyncset.done $0x0  }
0x10d: {  	v11 =	vor.u32 $0x2, v9;
	[sflag:s14] =	ssyncadd.s32 $0xFFFFEC40  }
0x10e: {  	v12 =	vld.idx.msk [tilespmem:v9+s15+$0x0], $0xffff  }
0x10f: {  	v13 =	vor.u32 $0x3, v9  }
0x110: {  	v10 =	vld.idx.msk [tilespmem:v10+s15+$0x0], $0xffff  }
0x111: {  	v14 =	vor.u32 $0x4, v9  }
0x112: {  	v11 =	vld.idx.msk [tilespmem:v11+s15+$0x0], $0xffff  }
0x113: {  	v15 =	vor.u32 $0x5, v9;
	v12 =	vadd.f32 $0.0e+00, v12  }
0x114: {  	v13 =	vld.idx.msk [tilespmem:v13+s15+$0x0], $0xffff  }
0x115: {  	v16 =	vor.u32 $0x6, v9;
	v10 =	vadd.f32 v10, v12  }
0x116: {  	v12 =	vld.idx.msk [tilespmem:v14+s15+$0x0], $0xffff  }
0x117: {  	v9 =	vor.u32 $0x7, v9;
	v10 =	vadd.f32 v11, v10  }
0x118: {  	v11 =	vld.idx.msk [tilespmem:v15+s15+$0x0], $0xffff  }
0x119: {  	v10 =	vadd.f32 v13, v10  }
0x11a: {  	v13 =	vld.idx.msk [tilespmem:v16+s15+$0x0], $0xffff  }
0x11b: {  	v10 =	vadd.f32 v12, v10  }
0x11c: {  	s16 =	simm.s32 $0x10;
	v9 =	vld.idx.msk [tilespmem:v9+s15+$0x0], $0xffff  }
0x11d: {  	v12 =	vmov s16;
	v10 =	vadd.f32 v11, v10  }
0x11e: {  	v11 =	vshll.u32 v12, $0x3  }
0x11f: {  	v11 =	vor.u32 v8, v11;
	v10 =	vadd.f32 v13, v10;
	_ =	sdelay $0x1  }
0x120: {  	v12 =	vor.u32 $0x1, v11;
	v9 =	vadd.f32 v9, v10  }
0x121: {  	s31 =	simm.s32 $0xB600  }
0x122: {  	v10 =	vor.u32 $0x2, v11;
	[tilespmem:s31+$0x0] =	vst v9  }
0x123: {  	v9 =	vld.idx.msk [tilespmem:v11+s15+$0x0], $0xffff  }
0x124: {  	v13 =	vor.u32 $0x3, v11  }
0x125: {  	v14 =	vor.u32 $0x4, v11;
	v12 =	vld.idx.msk [tilespmem:v12+s15+$0x0], $0xffff;
	_ =	sdelay $0x1  }
0x126: {  	v10 =	vld.idx.msk [tilespmem:v10+s15+$0x0], $0xffff  }
0x127: {  	v15 =	vor.u32 $0x5, v11;
	v9 =	vadd.f32 $0.0e+00, v9  }
0x128: {  	v13 =	vld.idx.msk [tilespmem:v13+s15+$0x0], $0xffff  }
0x129: {  	v9 =	vadd.f32 v12, v9;
	v12 =	vld.idx.msk [tilespmem:v14+s15+$0x0], $0xffff;
	v14 =	vor.u32 $0x6, v11;
	_ =	sdelay $0x1  }
0x12a: {  	v11 =	vor.u32 $0x7, v11;
	v9 =	vadd.f32 v10, v9  }
0x12b: {  	v15 =	vld.idx.msk [tilespmem:v15+s15+$0x0], $0xffff  }
0x12c: {  	v9 =	vadd.f32 v13, v9  }
0x12d: {  	v10 =	vld.idx.msk [tilespmem:v14+s15+$0x0], $0xffff  }
0x12e: {  	v13 =	vadd.f32 v12, v9  }
0x12f: {  	s17 =	simm.s32 $0x20;
	v9 =	vld.idx.msk [tilespmem:v11+s15+$0x0], $0xffff  }
0x130: {  	s1 =	simm.s32 $0x30;
	v12 =	vmov s17;
	v11 =	vadd.f32 v15, v13  }
.LBB2_6:
0x131: {  	p0 =	sne.s32 s1, $0x270;
	v12 =	vshll.u32 v12, $0x3  }
0x132: {  	v12 =	vor.u32 v8, v12;
	v10 =	vadd.f32 v10, v11;
	_ =	sdelay $0x1  }
0x133: {  	v11 =	vor.u32 $0x1, v12;
	v9 =	vadd.f32 v9, v10  }
0x134: {  	s31 =	sadd.s32 $0x10, s31  }
0x135: {  	v10 =	vor.u32 $0x2, v12;
	[tilespmem:s31+$0x0] =	vst v9  }
0x136: {  	v9 =	vld.idx.msk [tilespmem:v12+s15+$0x0], $0xffff  }
0x137: {  	v13 =	vor.u32 $0x3, v12  }
0x138: {  	v11 =	vld.idx.msk [tilespmem:v11+s15+$0x0], $0xffff  }
0x139: {  	v14 =	vor.u32 $0x4, v12  }
0x13a: {  	v10 =	vld.idx.msk [tilespmem:v10+s15+$0x0], $0xffff  }
0x13b: {  	v15 =	vor.u32 $0x5, v12  }
0x13c: {  	v9 =	vadd.f32 $0.0e+00, v9;
	v13 =	vld.idx.msk [tilespmem:v13+s15+$0x0], $0xffff  }
0x13d: {  	v16 =	vor.u32 $0x6, v12  }
0x13e: {  	v9 =	vadd.f32 v11, v9;
	v11 =	vld.idx.msk [tilespmem:v14+s15+$0x0], $0xffff  }
0x13f: {  	v12 =	vor.u32 $0x7, v12  }
0x140: {  	v9 =	vadd.f32 v10, v9;
	v14 =	vld.idx.msk [tilespmem:v15+s15+$0x0], $0xffff;
	_ =	sdelay $0x1  }
.Ltmp2:
0x141: {  	v9 =	vadd.f32 v13, v9;
	v10 =	vld.idx.msk [tilespmem:v16+s15+$0x0], $0xffff;
	(pc) =	sbr.rel @p0 .LBB2_6-.Ltmp2, $3  }
0x142: {  	_ = 	snop  }
0x143: {  	v11 =	vadd.f32 v11, v9;
	v9 =	vld.idx.msk [tilespmem:v12+s15+$0x0], $0xffff;
	_ =	sdelay $0x1  }
0x144: {  	v12 =	vmov s1;
	s1 =	sadd.s32 $0x10, s1;
	v11 =	vadd.f32 v14, v11  }
0x145: {  	v12 =	vshll.u32 v12, $0x3  }
0x146: {  	v12 =	vor.u32 v8, v12;
	v10 =	vadd.f32 v10, v11;
	_ =	sdelay $0x1  }
0x147: {  	v11 =	vor.u32 $0x1, v12;
	v9 =	vadd.f32 v9, v10  }
0x148: {  	s0 =	sadd.s32 $0x10, s31  }
0x149: {  	v10 =	vor.u32 $0x2, v12;
	[tilespmem:s0+$0x0] =	vst v9  }
0x14a: {  	v9 =	vld.idx.msk [tilespmem:v12+s15+$0x0], $0xffff  }
0x14b: {  	v13 =	vor.u32 $0x3, v12  }
0x14c: {  	v11 =	vld.idx.msk [tilespmem:v11+s15+$0x0], $0xffff  }
0x14d: {  	v14 =	vor.u32 $0x4, v12  }
0x14e: {  	v10 =	vld.idx.msk [tilespmem:v10+s15+$0x0], $0xffff  }
0x14f: {  	v15 =	vor.u32 $0x5, v12;
	v9 =	vadd.f32 $0.0e+00, v9  }
0x150: {  	v13 =	vld.idx.msk [tilespmem:v13+s15+$0x0], $0xffff  }
0x151: {  	v16 =	vor.u32 $0x6, v12;
	v9 =	vadd.f32 v11, v9  }
0x152: {  	v11 =	vld.idx.msk [tilespmem:v14+s15+$0x0], $0xffff  }
0x153: {  	v12 =	vor.u32 $0x7, v12;
	v9 =	vadd.f32 v10, v9  }
0x154: {  	v10 =	vld.idx.msk [tilespmem:v15+s15+$0x0], $0xffff  }
0x155: {  	v9 =	vadd.f32 v13, v9  }
0x156: {  	v63 =	vld.idx.msk [tilespmem:v16+s15+$0x0], $0xffff  }
0x157: {  	v9 =	vadd.f32 v11, v9  }
0x158: {  	v11 =	vld.idx.msk [tilespmem:v12+s15+$0x0], $0xffff  }
0x159: {  	v9 =	vadd.f32 v10, v9;
	_ =	sdelay $0x1  }
0x15a: {  	v9 =	vadd.f32 v63, v9;
	_ =	sdelay $0x1  }
0x15b: {  	s30 =	sadd.s32 $0x1, s30;
	v9 =	vadd.f32 v11, v9  }
0x15c: {  	p0 =	sne.s32 s30, s12;
	s0 =	sadd.s32 $0x10, s0  }
.Ltmp3:
0x15d: {  	[tilespmem:s0+$0x0] =	vst v9;
	(pc) =	sbr.rel @p0 .LBB2_1-.Ltmp3, $4  }
0x15e: {  	[hbm4b:s11+s3] =	stream.linear.scatter [tilespmem:s29], [sflag:$0x2], $0x278, $0x38;
	[tilespmem:$0xCC40] =	vst v63  }
0x15f: {  	_ =	swait.ge [sflag:s14], $0x278  }
0x160: {  	[sflag:s14] =	ssyncset.done $0x0  }
0x161: {  	[sflag:s14] =	ssyncadd.s32 $0xFFFFFD88  }
0x162: {  	_ =	sfence.sel $0x180000  }
0x163: {  	[bflag:$0x0] =	sbarrier.arrive $0xFFFF  }
0x164: {  	_ =	strace $0x90000047  }
0x165: {  	s0 =	stileid.u32;
	[bflag:$0x2] =	sbarrier.arrive $0xFFFF  }
0x166: {  	p0 =	sne.s32 s0, $0x0;
	s0 =	rddreg [dreg:$0x3]  }
0x167: {  	s0 =	sadd.s32 @!p0 $0x100000, s0  }
0x168: {  	[sflag:s0] =	ssyncadd.tile.s32 @!p0 $0x1;
	_ =	shalt  }
.Lfunc_end2:
_tile_overlayer_lowered:
.L_overlay_start_2:
0x169: {  	(tag) =	ssettag $0x2  }
0x16a: {  	s0 =	rddreg [dreg:$0x0];
	s2 =	stileid.u32  }
0x16b: {  	s1 =	rddreg [dreg:$0x1];
	p0 =	sne.s32 s2, $0x0  }
0x16c: {  	s3 =	rddreg [dreg:$0x2];
	[bflag:$0x3] =	sbarrier.arrive $0xFFFF;
	s2 =	simm.s32 @!p0 $0x1C02  }
0x16d: {  	[timem:s3], [sflag:s2] =	dma.local @!p0 [hbm:s0], s1  }
0x16e: {  	s0 =	simm.s32 @!p0 $0x2  }
0x16f: {  	_ =	swait.ge @!p0 [sflag:s0], s1  }
0x170: {  	s1 =	ssub.s32 @!p0 $0x0, s1;
	[sflag:s0] =	ssyncset.done @!p0 $0x0  }
0x171: {  	[sflag:s0] =	ssyncadd.s32 @!p0 s1  }
0x172: {  	[bflag:$0x3] =	sbarrier.arrive $0xFFFF  }
0x173: {  	_ =	shalt  }

</sc_bundles>
